<compile_context>
chip_gen: v7x
topology: tpu7x:2x2x1
jax: 0.10.2.dev20260603
libtpu: 0.0.44.dev20260713+nightly
codegen_flags: <defaults>
</compile_context>

<pallas_src>
import functools

import jax
import jax.numpy as jnp
from jax import lax
from jax.experimental import pallas as pl
from jax.experimental.pallas import tpu as pltpu
from jax.experimental.pallas import tpu_sc as plsc

_MAX_OBS = 512
_DIM = 64
_B = 4096
_L = 200
_NC = 2
_NS = 16
_NW = _NC * _NS
_RPW = _B // _NW
_LPAD = 208


def _emb_body(tok_hbm, emb_hbm, pos_hbm, out_hbm,
              tok0_v, pidx_v, add_v, idx_all,
              row0, row1, row2, row3, g0, g1, g2, g3, s0, s1, s2, s3):
    wid = lax.axis_index("s") * _NC + lax.axis_index("c")
    base = wid * _RPW

    tok0_v[pl.ds(192, 16)] = jnp.full((16,), -1, jnp.int32)
    pltpu.sync_copy(tok_hbm.at[0], tok0_v.at[pl.ds(0, _L)])
    ii = lax.iota(jnp.int32, 16)
    best_k = jnp.full((16,), -1, jnp.int32)
    for c in range(_LPAD // 16):
        v = tok0_v[pl.ds(c * 16, 16)]
        k = (v * 256) + (207 - (ii + c * 16))
        best_k = jnp.maximum(best_k, k)
    sk, _sv = plsc.sort_key_val(best_k, best_k, descending=True)
    top = lax.squeeze(lax.slice(sk, (0,), (1,)), (0,))
    obs = 207 - (top & 255)

    for c in range(_LPAD // 16):
        p = ii + c * 16
        pidx_v[pl.ds(c * 16, 16)] = jnp.where(p < obs, p, jnp.int32(_MAX_OBS))

    a0 = pltpu.async_copy(pos_hbm.at[pidx_v.at[pl.ds(0, 128)]],
                          add_v.at[pl.ds(0, 128)], g0)
    a1 = pltpu.async_copy(pos_hbm.at[pidx_v.at[pl.ds(128, 72)]],
                          add_v.at[pl.ds(128, 72)], g0)
    a0.wait()
    a1.wait()
    for d in range(_DIM // 16):
        add_v[obs, pl.ds(d * 16, 16)] = jnp.zeros((16,), jnp.float32)

    pltpu.sync_copy(tok_hbm.at[pl.ds(base, _RPW)], idx_all)

    rows = (row0, row1, row2, row3)
    gs = (g0, g1, g2, g3)
    ss = (s0, s1, s2, s3)

    def start_gather(r, row, g):
        pltpu.async_copy(emb_hbm.at[idx_all.at[r, pl.ds(0, 128)]],
                         row.at[pl.ds(0, 128)], g)
        pltpu.async_copy(emb_hbm.at[idx_all.at[r, pl.ds(128, 72)]],
                         row.at[pl.ds(128, 72)], g)

    def wait_gather(row, g):
        pltpu.make_async_copy(emb_hbm.at[pl.ds(0, _L)], row, g).wait()

    def start_store(r, row, s):
        pltpu.async_copy(row, out_hbm.at[pl.ds((base + r) * _L, _L)], s)

    def wait_store(row, s):
        pltpu.make_async_copy(row, out_hbm.at[pl.ds(0, _L)], s).wait()

    def add_rows(row):
        def add_l(l, c2):
            for u in range(2):
                for d in range(_DIM // 16):
                    plsc.addupdate(row.at[2 * l + u, pl.ds(d * 16, 16)],
                                   add_v[2 * l + u, pl.ds(d * 16, 16)])
            return c2
        lax.fori_loop(0, _L // 2, add_l, 0)

    start_gather(0, row0, g0)
    start_gather(1, row1, g1)
    start_gather(2, row2, g2)
    wait_gather(row0, g0)
    add_rows(row0)
    start_store(0, row0, s0)
    start_gather(3, row3, g3)

    def quad_step(k, carry):
        r = 4 * k + 1
        for j in range(4):
            b = (j + 1) % 4
            nb = j
            wait_gather(rows[b], gs[b])
            add_rows(rows[b])
            start_store(r + j, rows[b], ss[b])
            wait_store(rows[nb], ss[nb])
            start_gather(r + j + 3, rows[nb], gs[nb])
        return carry
    lax.fori_loop(0, (_RPW - 4) // 4, quad_step, 0)

    for j in range(3):
        b = (j + 1) % 4
        wait_gather(rows[b], gs[b])
        add_rows(rows[b])
        start_store(_RPW - 3 + j, rows[b], ss[b])
    wait_store(rows[0], ss[0])
    for j in range(3):
        b = (j + 1) % 4
        wait_store(rows[b], ss[b])


@functools.partial(
    pl.kernel,
    out_type=jax.ShapeDtypeStruct((_B * _L, _DIM), jnp.float32),
    mesh=plsc.VectorSubcoreMesh(core_axis_name="c", subcore_axis_name="s"),
    compiler_params=pltpu.CompilerParams(
        needs_layout_passes=False, use_tc_tiling_on_sc=False),
    scratch_types=[
        pltpu.VMEM((_LPAD,), jnp.int32),
        pltpu.VMEM((_LPAD,), jnp.int32),
        pltpu.VMEM((_L, _DIM), jnp.float32),
        pltpu.VMEM((_RPW, _L), jnp.int32),
        pltpu.VMEM((_L, _DIM), jnp.float32),
        pltpu.VMEM((_L, _DIM), jnp.float32),
        pltpu.VMEM((_L, _DIM), jnp.float32),
        pltpu.VMEM((_L, _DIM), jnp.float32),
        pltpu.SemaphoreType.DMA,
        pltpu.SemaphoreType.DMA,
        pltpu.SemaphoreType.DMA,
        pltpu.SemaphoreType.DMA,
        pltpu.SemaphoreType.DMA,
        pltpu.SemaphoreType.DMA,
        pltpu.SemaphoreType.DMA,
        pltpu.SemaphoreType.DMA,
    ],
)
def _emb_kernel(tok_hbm, emb_hbm, pos_hbm, out_hbm, *rest):
    _emb_body(tok_hbm, emb_hbm, pos_hbm, out_hbm, *rest)


def kernel(tokens, emb_table, pos_table):
    out = _emb_kernel(tokens, emb_table, pos_table)
    return out.reshape(_B, _L, _DIM)

# --- scband reference (transcript-rebuilt; emitter-appended) ---
"""Pipeline reference for scband-embeddings-68590627717596 (READ-ONLY COPY).

The authoritative reference and input builder live on the scoring server;
editing this copy changes nothing except your own understanding.
"""

import jax, jax.numpy as jnp
import numpy as np

VOCAB = 32000
NB_BINS = 1024
MAX_OBS = 512
DIM = 64
B = 4096
L = 200
NUM_TOK = VOCAB + NB_BINS + 1  # 33025


def setup_inputs(seed: int = 0) -> dict:
    key = jax.random.key(seed)
    k1, k2, k3 = jax.random.split(key, 3)
    tokens = jax.random.randint(k1, (B, L), 0, NUM_TOK, dtype=jnp.int32)
    emb_table = jax.random.normal(k2, (NUM_TOK, DIM), dtype=jnp.float32) * 0.02
    pos_table = jax.random.normal(k3, (MAX_OBS + 1, DIM), dtype=jnp.float32) * 0.02
    return {"tokens": tokens, "emb_table": emb_table, "pos_table": pos_table}


def reference(tokens, emb_table, pos_table):
    # observation_size = argmax of first row of tokens (data-dependent, kept traced)
    obs_size = jnp.argmax(tokens[0]).astype(jnp.int32)
    seq_len = tokens.shape[0]  # original code uses 'sequence_length' == batch dim
    # token embedding lookup (gather)
    embeddings = jnp.take(emb_table, tokens, axis=0)  # [B, L, D]
    # observation positional embeddings: fixed-shape gather over all L positions,
    # masked to positions < obs_size
    pos_idx = jnp.arange(tokens.shape[1], dtype=jnp.int32)  # [L]
    obs_pos_full = jnp.take(pos_table, pos_idx, axis=0)  # [L, D]
    obs_mask = (pos_idx < obs_size)[:, None]  # [L, 1]
    # action positional embeddings: single index MAX_OBS, masked to positions > obs_size
    act_pos_emb = pos_table[MAX_OBS]  # [D]
    act_mask = (pos_idx > obs_size)[:, None]  # [L, 1]
    add_term = (jnp.where(obs_mask, obs_pos_full, jnp.zeros_like(obs_pos_full))
                + jnp.where(act_mask, act_pos_emb[None, :], jnp.zeros_like(act_pos_emb)[None, :]))
    embeddings = embeddings + add_term[None, :, :]
    return embeddings

if __name__ == "__main__":
    import jax
    _d = setup_inputs()
    print(jax.jit(kernel)(*tuple(_d.values())))

</pallas_src>

<mosaic_0001>
#map = affine_map<(d0, d1) -> (0, 0)>
module attributes {stable_mosaic.version = 14 : i64} {
  func.func @_emb_kernel(%arg0: i32, %arg1: i32, %arg2: memref<4096x200xi32, #tpu.memory_space<hbm>>, %arg3: memref<33025x64xf32, #tpu.memory_space<hbm>>, %arg4: memref<513x64xf32, #tpu.memory_space<hbm>>, %arg5: memref<819200x64xf32, #tpu.memory_space<hbm>>, %arg6: memref<208xi32, #tpu.memory_space<vmem>>, %arg7: memref<208xi32, #tpu.memory_space<vmem>>, %arg8: memref<200x64xf32, #tpu.memory_space<vmem>>, %arg9: memref<128x200xi32, #tpu.memory_space<vmem>>, %arg10: memref<200x64xf32, #tpu.memory_space<vmem>>, %arg11: memref<200x64xf32, #tpu.memory_space<vmem>>, %arg12: memref<200x64xf32, #tpu.memory_space<vmem>>, %arg13: memref<200x64xf32, #tpu.memory_space<vmem>>, %arg14: memref<!tpu.dma_semaphore, #tpu.memory_space<semaphore_mem>>, %arg15: memref<!tpu.dma_semaphore, #tpu.memory_space<semaphore_mem>>, %arg16: memref<!tpu.dma_semaphore, #tpu.memory_space<semaphore_mem>>, %arg17: memref<!tpu.dma_semaphore, #tpu.memory_space<semaphore_mem>>, %arg18: memref<!tpu.dma_semaphore, #tpu.memory_space<semaphore_mem>>, %arg19: memref<!tpu.dma_semaphore, #tpu.memory_space<semaphore_mem>>, %arg20: memref<!tpu.dma_semaphore, #tpu.memory_space<semaphore_mem>>, %arg21: memref<!tpu.dma_semaphore, #tpu.memory_space<semaphore_mem>>) attributes {dimension_semantics = [#tpu.dimension_semantics<core_parallel>, #tpu.dimension_semantics<subcore_parallel>], iteration_bounds = array<i64: 2, 16>, scalar_prefetch = 0 : i64, scratch_operands = 16 : i64, tpu.core_type = #tpu.core_type<sc_vector_subcore>, window_params = [{transform_indices = #map}, {transform_indices = #map}, {transform_indices = #map}, {transform_indices = #map}]} {
    %mul3A = arith.constant 2 : i32
    %mul3A_0 = arith.muli %arg1, %mul3A : i32
    %add3A = arith.addi %mul3A_0, %arg0 : i32
    %mul3A_1 = arith.constant 128 : i32
    %mul3A_2 = arith.muli %add3A, %mul3A_1 : i32
    %broadcast_in_dim3A = arith.constant -1 : i32
    %broadcast_in_dim3A_3 = vector.broadcast %broadcast_in_dim3A : i32 to vector<16xi32>
    %swap3A = arith.constant 192 : index
    %swap3A_4 = tpu.vector_load %arg6[%swap3A] {strides = array<i32>} : memref<208xi32, #tpu.memory_space<vmem>>, vector<16xi32>,
    tpu.vector_store %arg6[%swap3A], %broadcast_in_dim3A_3 {strides = array<i32>} : memref<208xi32, #tpu.memory_space<vmem>>, vector<16xi32>,
    %run_scoped3A = arith.constant 0 : i32
    "tpu.region"() ({
      %run_scoped3A_549 = tpu.sem_alloc : memref<!tpu.dma_semaphore, #tpu.memory_space<semaphore_mem>>
      %dma_start3A_550 = arith.constant 0 : i32
      %dma_start3A_551 = tpu.memref_slice %arg6[%dma_start3A_550] : memref<208xi32, #tpu.memory_space<vmem>> -> memref<200xi32, #tpu.memory_space<vmem>>
      %dma_start3A_552 = arith.constant 0 : i32
      %dma_start3A_553 = tpu.memref_slice %arg2[%run_scoped3A, %dma_start3A_552] : memref<4096x200xi32, #tpu.memory_space<hbm>> -> memref<1x200xi32, #tpu.memory_space<hbm>>
      %dma_start3A_554 = tpu.memref_squeeze %dma_start3A_553 : memref<1x200xi32, #tpu.memory_space<hbm>> -> memref<200xi32, #tpu.memory_space<hbm>>
      %dma_start3A_555 = arith.constant 0 : i32
      %dma_start3A_556 = tpu.memref_slice %arg6[%dma_start3A_555] : memref<208xi32, #tpu.memory_space<vmem>> -> memref<200xi32, #tpu.memory_space<vmem>>
      %dma_start3A_557 = arith.constant 0 : i32
      %dma_start3A_558 = tpu.memref_slice %arg2[%run_scoped3A, %dma_start3A_557] : memref<4096x200xi32, #tpu.memory_space<hbm>> -> memref<1x200xi32, #tpu.memory_space<hbm>>
      %dma_start3A_559 = tpu.memref_squeeze %dma_start3A_558 : memref<1x200xi32, #tpu.memory_space<hbm>> -> memref<200xi32, #tpu.memory_space<hbm>>
      tpu.enqueue_dma source(%dma_start3A_559 : memref<200xi32, #tpu.memory_space<hbm>>) target(%dma_start3A_556 : memref<200xi32, #tpu.memory_space<vmem>>) target_semaphore(%run_scoped3A_549 : memref<!tpu.dma_semaphore, #tpu.memory_space<semaphore_mem>>)
      %dma_wait3A_560 = arith.constant 0 : i32
      %dma_wait3A_561 = tpu.memref_slice %arg6[%dma_wait3A_560] : memref<208xi32, #tpu.memory_space<vmem>> -> memref<200xi32, #tpu.memory_space<vmem>>
      %dma_wait3A_562 = arith.constant 0 : i32
      %dma_wait3A_563 = tpu.memref_slice %arg2[%run_scoped3A, %dma_wait3A_562] : memref<4096x200xi32, #tpu.memory_space<hbm>> -> memref<1x200xi32, #tpu.memory_space<hbm>>
      %dma_wait3A_564 = tpu.memref_squeeze %dma_wait3A_563 : memref<1x200xi32, #tpu.memory_space<hbm>> -> memref<200xi32, #tpu.memory_space<hbm>>
      %dma_wait3A_565 = arith.constant 0 : i32
      %dma_wait3A_566 = tpu.memref_slice %arg6[%dma_wait3A_565] : memref<208xi32, #tpu.memory_space<vmem>> -> memref<200xi32, #tpu.memory_space<vmem>>
      %dma_wait3A_567 = arith.constant 0 : i32
      %dma_wait3A_568 = tpu.memref_slice %arg2[%run_scoped3A, %dma_wait3A_567] : memref<4096x200xi32, #tpu.memory_space<hbm>> -> memref<1x200xi32, #tpu.memory_space<hbm>>
      %dma_wait3A_569 = tpu.memref_squeeze %dma_wait3A_568 : memref<1x200xi32, #tpu.memory_space<hbm>> -> memref<200xi32, #tpu.memory_space<hbm>>
      tpu.wait_dma2 semaphore(%run_scoped3A_549 : memref<!tpu.dma_semaphore, #tpu.memory_space<semaphore_mem>>) src(%dma_wait3A_569 : memref<200xi32, #tpu.memory_space<hbm>>) dst(%dma_wait3A_566 : memref<200xi32, #tpu.memory_space<vmem>>)
      tpu.yield
    }) : () -> ()
    %iota3A = tpu.iota {dimensions = array<i32: 0>} : vector<16xi32>
    %broadcast_in_dim3A_5 = arith.constant -1 : i32
    %broadcast_in_dim3A_6 = vector.broadcast %broadcast_in_dim3A_5 : i32 to vector<16xi32>
    %get3A = arith.constant 0 : index
    %get3A_7 = tpu.vector_load %arg6[%get3A] {strides = array<i32>} : memref<208xi32, #tpu.memory_space<vmem>>, vector<16xi32>,
    %mul3A_8 = arith.constant 256 : i32
    %mul3A_9 = vector.broadcast %mul3A_8 : i32 to vector<16xi32>
    %mul3A_10 = arith.muli %get3A_7, %mul3A_9 : vector<16xi32>
    %add3A_11 = arith.constant 0 : i32
    %add3A_12 = vector.broadcast %add3A_11 : i32 to vector<16xi32>
    %add3A_13 = arith.addi %iota3A, %add3A_12 : vector<16xi32>
    %sub3A = arith.constant 207 : i32
    %sub3A_14 = vector.broadcast %sub3A : i32 to vector<16xi32>
    %sub3A_15 = arith.subi %sub3A_14, %add3A_13 : vector<16xi32>
    %add3A_16 = arith.addi %mul3A_10, %sub3A_15 : vector<16xi32>
    %max3A = arith.maxsi %broadcast_in_dim3A_6, %add3A_16 : vector<16xi32>
    %get3A_17 = arith.constant 16 : index
    %get3A_18 = tpu.vector_load %arg6[%get3A_17] {strides = array<i32>} : memref<208xi32, #tpu.memory_space<vmem>>, vector<16xi32>,
    %mul3A_19 = arith.constant 256 : i32
    %mul3A_20 = vector.broadcast %mul3A_19 : i32 to vector<16xi32>
    %mul3A_21 = arith.muli %get3A_18, %mul3A_20 : vector<16xi32>
    %add3A_22 = arith.constant 16 : i32
    %add3A_23 = vector.broadcast %add3A_22 : i32 to vector<16xi32>
    %add3A_24 = arith.addi %iota3A, %add3A_23 : vector<16xi32>
    %sub3A_25 = arith.constant 207 : i32
    %sub3A_26 = vector.broadcast %sub3A_25 : i32 to vector<16xi32>
    %sub3A_27 = arith.subi %sub3A_26, %add3A_24 : vector<16xi32>
    %add3A_28 = arith.addi %mul3A_21, %sub3A_27 : vector<16xi32>
    %max3A_29 = arith.maxsi %max3A, %add3A_28 : vector<16xi32>
    %get3A_30 = arith.constant 32 : index
    %get3A_31 = tpu.vector_load %arg6[%get3A_30] {strides = array<i32>} : memref<208xi32, #tpu.memory_space<vmem>>, vector<16xi32>,
    %mul3A_32 = arith.constant 256 : i32
    %mul3A_33 = vector.broadcast %mul3A_32 : i32 to vector<16xi32>
    %mul3A_34 = arith.muli %get3A_31, %mul3A_33 : vector<16xi32>
    %add3A_35 = arith.constant 32 : i32
    %add3A_36 = vector.broadcast %add3A_35 : i32 to vector<16xi32>
    %add3A_37 = arith.addi %iota3A, %add3A_36 : vector<16xi32>
    %sub3A_38 = arith.constant 207 : i32
    %sub3A_39 = vector.broadcast %sub3A_38 : i32 to vector<16xi32>
    %sub3A_40 = arith.subi %sub3A_39, %add3A_37 : vector<16xi32>
    %add3A_41 = arith.addi %mul3A_34, %sub3A_40 : vector<16xi32>
    %max3A_42 = arith.maxsi %max3A_29, %add3A_41 : vector<16xi32>
    %get3A_43 = arith.constant 48 : index
    %get3A_44 = tpu.vector_load %arg6[%get3A_43] {strides = array<i32>} : memref<208xi32, #tpu.memory_space<vmem>>, vector<16xi32>,
    %mul3A_45 = arith.constant 256 : i32
    %mul3A_46 = vector.broadcast %mul3A_45 : i32 to vector<16xi32>
    %mul3A_47 = arith.muli %get3A_44, %mul3A_46 : vector<16xi32>
    %add3A_48 = arith.constant 48 : i32
    %add3A_49 = vector.broadcast %add3A_48 : i32 to vector<16xi32>
    %add3A_50 = arith.addi %iota3A, %add3A_49 : vector<16xi32>
    %sub3A_51 = arith.constant 207 : i32
    %sub3A_52 = vector.broadcast %sub3A_51 : i32 to vector<16xi32>
    %sub3A_53 = arith.subi %sub3A_52, %add3A_50 : vector<16xi32>
    %add3A_54 = arith.addi %mul3A_47, %sub3A_53 : vector<16xi32>
    %max3A_55 = arith.maxsi %max3A_42, %add3A_54 : vector<16xi32>
    %get3A_56 = arith.constant 64 : index
    %get3A_57 = tpu.vector_load %arg6[%get3A_56] {strides = array<i32>} : memref<208xi32, #tpu.memory_space<vmem>>, vector<16xi32>,
    %mul3A_58 = arith.constant 256 : i32
    %mul3A_59 = vector.broadcast %mul3A_58 : i32 to vector<16xi32>
    %mul3A_60 = arith.muli %get3A_57, %mul3A_59 : vector<16xi32>
    %add3A_61 = arith.constant 64 : i32
    %add3A_62 = vector.broadcast %add3A_61 : i32 to vector<16xi32>
    %add3A_63 = arith.addi %iota3A, %add3A_62 : vector<16xi32>
    %sub3A_64 = arith.constant 207 : i32
    %sub3A_65 = vector.broadcast %sub3A_64 : i32 to vector<16xi32>
    %sub3A_66 = arith.subi %sub3A_65, %add3A_63 : vector<16xi32>
    %add3A_67 = arith.addi %mul3A_60, %sub3A_66 : vector<16xi32>
    %max3A_68 = arith.maxsi %max3A_55, %add3A_67 : vector<16xi32>
    %get3A_69 = arith.constant 80 : index
    %get3A_70 = tpu.vector_load %arg6[%get3A_69] {strides = array<i32>} : memref<208xi32, #tpu.memory_space<vmem>>, vector<16xi32>,
    %mul3A_71 = arith.constant 256 : i32
    %mul3A_72 = vector.broadcast %mul3A_71 : i32 to vector<16xi32>
    %mul3A_73 = arith.muli %get3A_70, %mul3A_72 : vector<16xi32>
    %add3A_74 = arith.constant 80 : i32
    %add3A_75 = vector.broadcast %add3A_74 : i32 to vector<16xi32>
    %add3A_76 = arith.addi %iota3A, %add3A_75 : vector<16xi32>
    %sub3A_77 = arith.constant 207 : i32
    %sub3A_78 = vector.broadcast %sub3A_77 : i32 to vector<16xi32>
    %sub3A_79 = arith.subi %sub3A_78, %add3A_76 : vector<16xi32>
    %add3A_80 = arith.addi %mul3A_73, %sub3A_79 : vector<16xi32>
    %max3A_81 = arith.maxsi %max3A_68, %add3A_80 : vector<16xi32>
    %get3A_82 = arith.constant 96 : index
    %get3A_83 = tpu.vector_load %arg6[%get3A_82] {strides = array<i32>} : memref<208xi32, #tpu.memory_space<vmem>>, vector<16xi32>,
    %mul3A_84 = arith.constant 256 : i32
    %mul3A_85 = vector.broadcast %mul3A_84 : i32 to vector<16xi32>
    %mul3A_86 = arith.muli %get3A_83, %mul3A_85 : vector<16xi32>
    %add3A_87 = arith.constant 96 : i32
    %add3A_88 = vector.broadcast %add3A_87 : i32 to vector<16xi32>
    %add3A_89 = arith.addi %iota3A, %add3A_88 : vector<16xi32>
    %sub3A_90 = arith.constant 207 : i32
    %sub3A_91 = vector.broadcast %sub3A_90 : i32 to vector<16xi32>
    %sub3A_92 = arith.subi %sub3A_91, %add3A_89 : vector<16xi32>
    %add3A_93 = arith.addi %mul3A_86, %sub3A_92 : vector<16xi32>
    %max3A_94 = arith.maxsi %max3A_81, %add3A_93 : vector<16xi32>
    %get3A_95 = arith.constant 112 : index
    %get3A_96 = tpu.vector_load %arg6[%get3A_95] {strides = array<i32>} : memref<208xi32, #tpu.memory_space<vmem>>, vector<16xi32>,
    %mul3A_97 = arith.constant 256 : i32
    %mul3A_98 = vector.broadcast %mul3A_97 : i32 to vector<16xi32>
    %mul3A_99 = arith.muli %get3A_96, %mul3A_98 : vector<16xi32>
    %add3A_100 = arith.constant 112 : i32
    %add3A_101 = vector.broadcast %add3A_100 : i32 to vector<16xi32>
    %add3A_102 = arith.addi %iota3A, %add3A_101 : vector<16xi32>
    %sub3A_103 = arith.constant 207 : i32
    %sub3A_104 = vector.broadcast %sub3A_103 : i32 to vector<16xi32>
    %sub3A_105 = arith.subi %sub3A_104, %add3A_102 : vector<16xi32>
    %add3A_106 = arith.addi %mul3A_99, %sub3A_105 : vector<16xi32>
    %max3A_107 = arith.maxsi %max3A_94, %add3A_106 : vector<16xi32>
    %get3A_108 = arith.constant 128 : index
    %get3A_109 = tpu.vector_load %arg6[%get3A_108] {strides = array<i32>} : memref<208xi32, #tpu.memory_space<vmem>>, vector<16xi32>,
    %mul3A_110 = arith.constant 256 : i32
    %mul3A_111 = vector.broadcast %mul3A_110 : i32 to vector<16xi32>
    %mul3A_112 = arith.muli %get3A_109, %mul3A_111 : vector<16xi32>
    %add3A_113 = arith.constant 128 : i32
    %add3A_114 = vector.broadcast %add3A_113 : i32 to vector<16xi32>
    %add3A_115 = arith.addi %iota3A, %add3A_114 : vector<16xi32>
    %sub3A_116 = arith.constant 207 : i32
    %sub3A_117 = vector.broadcast %sub3A_116 : i32 to vector<16xi32>
    %sub3A_118 = arith.subi %sub3A_117, %add3A_115 : vector<16xi32>
    %add3A_119 = arith.addi %mul3A_112, %sub3A_118 : vector<16xi32>
    %max3A_120 = arith.maxsi %max3A_107, %add3A_119 : vector<16xi32>
    %get3A_121 = arith.constant 144 : index
    %get3A_122 = tpu.vector_load %arg6[%get3A_121] {strides = array<i32>} : memref<208xi32, #tpu.memory_space<vmem>>, vector<16xi32>,
    %mul3A_123 = arith.constant 256 : i32
    %mul3A_124 = vector.broadcast %mul3A_123 : i32 to vector<16xi32>
    %mul3A_125 = arith.muli %get3A_122, %mul3A_124 : vector<16xi32>
    %add3A_126 = arith.constant 144 : i32
    %add3A_127 = vector.broadcast %add3A_126 : i32 to vector<16xi32>
    %add3A_128 = arith.addi %iota3A, %add3A_127 : vector<16xi32>
    %sub3A_129 = arith.constant 207 : i32
    %sub3A_130 = vector.broadcast %sub3A_129 : i32 to vector<16xi32>
    %sub3A_131 = arith.subi %sub3A_130, %add3A_128 : vector<16xi32>
    %add3A_132 = arith.addi %mul3A_125, %sub3A_131 : vector<16xi32>
    %max3A_133 = arith.maxsi %max3A_120, %add3A_132 : vector<16xi32>
    %get3A_134 = arith.constant 160 : index
    %get3A_135 = tpu.vector_load %arg6[%get3A_134] {strides = array<i32>} : memref<208xi32, #tpu.memory_space<vmem>>, vector<16xi32>,
    %mul3A_136 = arith.constant 256 : i32
    %mul3A_137 = vector.broadcast %mul3A_136 : i32 to vector<16xi32>
    %mul3A_138 = arith.muli %get3A_135, %mul3A_137 : vector<16xi32>
    %add3A_139 = arith.constant 160 : i32
    %add3A_140 = vector.broadcast %add3A_139 : i32 to vector<16xi32>
    %add3A_141 = arith.addi %iota3A, %add3A_140 : vector<16xi32>
    %sub3A_142 = arith.constant 207 : i32
    %sub3A_143 = vector.broadcast %sub3A_142 : i32 to vector<16xi32>
    %sub3A_144 = arith.subi %sub3A_143, %add3A_141 : vector<16xi32>
    %add3A_145 = arith.addi %mul3A_138, %sub3A_144 : vector<16xi32>
    %max3A_146 = arith.maxsi %max3A_133, %add3A_145 : vector<16xi32>
    %get3A_147 = arith.constant 176 : index
    %get3A_148 = tpu.vector_load %arg6[%get3A_147] {strides = array<i32>} : memref<208xi32, #tpu.memory_space<vmem>>, vector<16xi32>,
    %mul3A_149 = arith.constant 256 : i32
    %mul3A_150 = vector.broadcast %mul3A_149 : i32 to vector<16xi32>
    %mul3A_151 = arith.muli %get3A_148, %mul3A_150 : vector<16xi32>
    %add3A_152 = arith.constant 176 : i32
    %add3A_153 = vector.broadcast %add3A_152 : i32 to vector<16xi32>
    %add3A_154 = arith.addi %iota3A, %add3A_153 : vector<16xi32>
    %sub3A_155 = arith.constant 207 : i32
    %sub3A_156 = vector.broadcast %sub3A_155 : i32 to vector<16xi32>
    %sub3A_157 = arith.subi %sub3A_156, %add3A_154 : vector<16xi32>
    %add3A_158 = arith.addi %mul3A_151, %sub3A_157 : vector<16xi32>
    %max3A_159 = arith.maxsi %max3A_146, %add3A_158 : vector<16xi32>
    %get3A_160 = arith.constant 192 : index
    %get3A_161 = tpu.vector_load %arg6[%get3A_160] {strides = array<i32>} : memref<208xi32, #tpu.memory_space<vmem>>, vector<16xi32>,
    %mul3A_162 = arith.constant 256 : i32
    %mul3A_163 = vector.broadcast %mul3A_162 : i32 to vector<16xi32>
    %mul3A_164 = arith.muli %get3A_161, %mul3A_163 : vector<16xi32>
    %add3A_165 = arith.constant 192 : i32
    %add3A_166 = vector.broadcast %add3A_165 : i32 to vector<16xi32>
    %add3A_167 = arith.addi %iota3A, %add3A_166 : vector<16xi32>
    %sub3A_168 = arith.constant 207 : i32
    %sub3A_169 = vector.broadcast %sub3A_168 : i32 to vector<16xi32>
    %sub3A_170 = arith.subi %sub3A_169, %add3A_167 : vector<16xi32>
    %add3A_171 = arith.addi %mul3A_164, %sub3A_170 : vector<16xi32>
    %max3A_172 = arith.maxsi %max3A_159, %add3A_171 : vector<16xi32>
    %masked_sort3A = arith.constant dense<true> : vector<16xi1>
    %masked_sort3A_173 = arith.constant -2147483648 : i32
    %masked_sort3A_174 = vector.broadcast %masked_sort3A_173 : i32 to vector<16xi32>
    %masked_sort3A_175 = arith.xori %max3A_172, %masked_sort3A_174 : vector<16xi32>
    %masked_sort3A_176, %masked_sort3A_177, %masked_sort3A_178 = tpu.sort %masked_sort3A_175, %max3A_172 masked %masked_sort3A {descending = true} : (vector<16xi32>, vector<16xi32>, vector<16xi1>) -> (vector<16xi1>, vector<16xi32>, vector<16xi32>)
    %masked_sort3A_179 = arith.xori %masked_sort3A_177, %masked_sort3A_174 : vector<16xi32>
    %slice3A = vector.extract_strided_slice %masked_sort3A_179 {offsets = [0], sizes = [1], strides = [1]} : vector<16xi32> to vector<1xi32>
    %squeeze3A = vector.extract %slice3A[0] : i32 from vector<1xi32>
    %and3A = arith.constant 255 : i32
    %and3A_180 = arith.andi %squeeze3A, %and3A : i32
    %sub3A_181 = arith.constant 207 : i32
    %sub3A_182 = arith.subi %sub3A_181, %and3A_180 : i32
    %add3A_183 = arith.constant 0 : i32
    %add3A_184 = vector.broadcast %add3A_183 : i32 to vector<16xi32>
    %add3A_185 = arith.addi %iota3A, %add3A_184 : vector<16xi32>
    %lt3A = vector.broadcast %sub3A_182 : i32 to vector<16xi32>
    %lt3A_186 = arith.cmpi slt, %add3A_185, %lt3A : vector<16xi32>
    %jit3A = arith.constant 512 : i32
    %broadcast_in_dim3A_187 = vector.broadcast %jit3A : i32 to vector<16xi32>
    %select_n3A = arith.select %lt3A_186, %add3A_185, %broadcast_in_dim3A_187 : vector<16xi1>, vector<16xi32>
    %swap3A_188 = arith.constant 0 : index
    %swap3A_189 = tpu.vector_load %arg7[%swap3A_188] {strides = array<i32>} : memref<208xi32, #tpu.memory_space<vmem>>, vector<16xi32>,
    tpu.vector_store %arg7[%swap3A_188], %select_n3A {strides = array<i32>} : memref<208xi32, #tpu.memory_space<vmem>>, vector<16xi32>,
    %add3A_190 = arith.constant 16 : i32
    %add3A_191 = vector.broadcast %add3A_190 : i32 to vector<16xi32>
    %add3A_192 = arith.addi %iota3A, %add3A_191 : vector<16xi32>
    %lt3A_193 = vector.broadcast %sub3A_182 : i32 to vector<16xi32>
    %lt3A_194 = arith.cmpi slt, %add3A_192, %lt3A_193 : vector<16xi32>
    %jit3A_195 = arith.constant 512 : i32
    %broadcast_in_dim3A_196 = vector.broadcast %jit3A_195 : i32 to vector<16xi32>
    %select_n3A_197 = arith.select %lt3A_194, %add3A_192, %broadcast_in_dim3A_196 : vector<16xi1>, vector<16xi32>
    %swap3A_198 = arith.constant 16 : index
    %swap3A_199 = tpu.vector_load %arg7[%swap3A_198] {strides = array<i32>} : memref<208xi32, #tpu.memory_space<vmem>>, vector<16xi32>,
    tpu.vector_store %arg7[%swap3A_198], %select_n3A_197 {strides = array<i32>} : memref<208xi32, #tpu.memory_space<vmem>>, vector<16xi32>,
    %add3A_200 = arith.constant 32 : i32
    %add3A_201 = vector.broadcast %add3A_200 : i32 to vector<16xi32>
    %add3A_202 = arith.addi %iota3A, %add3A_201 : vector<16xi32>
    %lt3A_203 = vector.broadcast %sub3A_182 : i32 to vector<16xi32>
    %lt3A_204 = arith.cmpi slt, %add3A_202, %lt3A_203 : vector<16xi32>
    %jit3A_205 = arith.constant 512 : i32
    %broadcast_in_dim3A_206 = vector.broadcast %jit3A_205 : i32 to vector<16xi32>
    %select_n3A_207 = arith.select %lt3A_204, %add3A_202, %broadcast_in_dim3A_206 : vector<16xi1>, vector<16xi32>
    %swap3A_208 = arith.constant 32 : index
    %swap3A_209 = tpu.vector_load %arg7[%swap3A_208] {strides = array<i32>} : memref<208xi32, #tpu.memory_space<vmem>>, vector<16xi32>,
    tpu.vector_store %arg7[%swap3A_208], %select_n3A_207 {strides = array<i32>} : memref<208xi32, #tpu.memory_space<vmem>>, vector<16xi32>,
    %add3A_210 = arith.constant 48 : i32
    %add3A_211 = vector.broadcast %add3A_210 : i32 to vector<16xi32>
    %add3A_212 = arith.addi %iota3A, %add3A_211 : vector<16xi32>
    %lt3A_213 = vector.broadcast %sub3A_182 : i32 to vector<16xi32>
    %lt3A_214 = arith.cmpi slt, %add3A_212, %lt3A_213 : vector<16xi32>
    %jit3A_215 = arith.constant 512 : i32
    %broadcast_in_dim3A_216 = vector.broadcast %jit3A_215 : i32 to vector<16xi32>
    %select_n3A_217 = arith.select %lt3A_214, %add3A_212, %broadcast_in_dim3A_216 : vector<16xi1>, vector<16xi32>
    %swap3A_218 = arith.constant 48 : index
    %swap3A_219 = tpu.vector_load %arg7[%swap3A_218] {strides = array<i32>} : memref<208xi32, #tpu.memory_space<vmem>>, vector<16xi32>,
    tpu.vector_store %arg7[%swap3A_218], %select_n3A_217 {strides = array<i32>} : memref<208xi32, #tpu.memory_space<vmem>>, vector<16xi32>,
    %add3A_220 = arith.constant 64 : i32
    %add3A_221 = vector.broadcast %add3A_220 : i32 to vector<16xi32>
    %add3A_222 = arith.addi %iota3A, %add3A_221 : vector<16xi32>
    %lt3A_223 = vector.broadcast %sub3A_182 : i32 to vector<16xi32>
    %lt3A_224 = arith.cmpi slt, %add3A_222, %lt3A_223 : vector<16xi32>
    %jit3A_225 = arith.constant 512 : i32
    %broadcast_in_dim3A_226 = vector.broadcast %jit3A_225 : i32 to vector<16xi32>
    %select_n3A_227 = arith.select %lt3A_224, %add3A_222, %broadcast_in_dim3A_226 : vector<16xi1>, vector<16xi32>
    %swap3A_228 = arith.constant 64 : index
    %swap3A_229 = tpu.vector_load %arg7[%swap3A_228] {strides = array<i32>} : memref<208xi32, #tpu.memory_space<vmem>>, vector<16xi32>,
    tpu.vector_store %arg7[%swap3A_228], %select_n3A_227 {strides = array<i32>} : memref<208xi32, #tpu.memory_space<vmem>>, vector<16xi32>,
    %add3A_230 = arith.constant 80 : i32
    %add3A_231 = vector.broadcast %add3A_230 : i32 to vector<16xi32>
    %add3A_232 = arith.addi %iota3A, %add3A_231 : vector<16xi32>
    %lt3A_233 = vector.broadcast %sub3A_182 : i32 to vector<16xi32>
    %lt3A_234 = arith.cmpi slt, %add3A_232, %lt3A_233 : vector<16xi32>
    %jit3A_235 = arith.constant 512 : i32
    %broadcast_in_dim3A_236 = vector.broadcast %jit3A_235 : i32 to vector<16xi32>
    %select_n3A_237 = arith.select %lt3A_234, %add3A_232, %broadcast_in_dim3A_236 : vector<16xi1>, vector<16xi32>
    %swap3A_238 = arith.constant 80 : index
    %swap3A_239 = tpu.vector_load %arg7[%swap3A_238] {strides = array<i32>} : memref<208xi32, #tpu.memory_space<vmem>>, vector<16xi32>,
    tpu.vector_store %arg7[%swap3A_238], %select_n3A_237 {strides = array<i32>} : memref<208xi32, #tpu.memory_space<vmem>>, vector<16xi32>,
    %add3A_240 = arith.constant 96 : i32
    %add3A_241 = vector.broadcast %add3A_240 : i32 to vector<16xi32>
    %add3A_242 = arith.addi %iota3A, %add3A_241 : vector<16xi32>
    %lt3A_243 = vector.broadcast %sub3A_182 : i32 to vector<16xi32>
    %lt3A_244 = arith.cmpi slt, %add3A_242, %lt3A_243 : vector<16xi32>
    %jit3A_245 = arith.constant 512 : i32
    %broadcast_in_dim3A_246 = vector.broadcast %jit3A_245 : i32 to vector<16xi32>
    %select_n3A_247 = arith.select %lt3A_244, %add3A_242, %broadcast_in_dim3A_246 : vector<16xi1>, vector<16xi32>
    %swap3A_248 = arith.constant 96 : index
    %swap3A_249 = tpu.vector_load %arg7[%swap3A_248] {strides = array<i32>} : memref<208xi32, #tpu.memory_space<vmem>>, vector<16xi32>,
    tpu.vector_store %arg7[%swap3A_248], %select_n3A_247 {strides = array<i32>} : memref<208xi32, #tpu.memory_space<vmem>>, vector<16xi32>,
    %add3A_250 = arith.constant 112 : i32
    %add3A_251 = vector.broadcast %add3A_250 : i32 to vector<16xi32>
    %add3A_252 = arith.addi %iota3A, %add3A_251 : vector<16xi32>
    %lt3A_253 = vector.broadcast %sub3A_182 : i32 to vector<16xi32>
    %lt3A_254 = arith.cmpi slt, %add3A_252, %lt3A_253 : vector<16xi32>
    %jit3A_255 = arith.constant 512 : i32
    %broadcast_in_dim3A_256 = vector.broadcast %jit3A_255 : i32 to vector<16xi32>
    %select_n3A_257 = arith.select %lt3A_254, %add3A_252, %broadcast_in_dim3A_256 : vector<16xi1>, vector<16xi32>
    %swap3A_258 = arith.constant 112 : index
    %swap3A_259 = tpu.vector_load %arg7[%swap3A_258] {strides = array<i32>} : memref<208xi32, #tpu.memory_space<vmem>>, vector<16xi32>,
    tpu.vector_store %arg7[%swap3A_258], %select_n3A_257 {strides = array<i32>} : memref<208xi32, #tpu.memory_space<vmem>>, vector<16xi32>,
    %add3A_260 = arith.constant 128 : i32
    %add3A_261 = vector.broadcast %add3A_260 : i32 to vector<16xi32>
    %add3A_262 = arith.addi %iota3A, %add3A_261 : vector<16xi32>
    %lt3A_263 = vector.broadcast %sub3A_182 : i32 to vector<16xi32>
    %lt3A_264 = arith.cmpi slt, %add3A_262, %lt3A_263 : vector<16xi32>
    %jit3A_265 = arith.constant 512 : i32
    %broadcast_in_dim3A_266 = vector.broadcast %jit3A_265 : i32 to vector<16xi32>
    %select_n3A_267 = arith.select %lt3A_264, %add3A_262, %broadcast_in_dim3A_266 : vector<16xi1>, vector<16xi32>
    %swap3A_268 = arith.constant 128 : index
    %swap3A_269 = tpu.vector_load %arg7[%swap3A_268] {strides = array<i32>} : memref<208xi32, #tpu.memory_space<vmem>>, vector<16xi32>,
    tpu.vector_store %arg7[%swap3A_268], %select_n3A_267 {strides = array<i32>} : memref<208xi32, #tpu.memory_space<vmem>>, vector<16xi32>,
    %add3A_270 = arith.constant 144 : i32
    %add3A_271 = vector.broadcast %add3A_270 : i32 to vector<16xi32>
    %add3A_272 = arith.addi %iota3A, %add3A_271 : vector<16xi32>
    %lt3A_273 = vector.broadcast %sub3A_182 : i32 to vector<16xi32>
    %lt3A_274 = arith.cmpi slt, %add3A_272, %lt3A_273 : vector<16xi32>
    %jit3A_275 = arith.constant 512 : i32
    %broadcast_in_dim3A_276 = vector.broadcast %jit3A_275 : i32 to vector<16xi32>
    %select_n3A_277 = arith.select %lt3A_274, %add3A_272, %broadcast_in_dim3A_276 : vector<16xi1>, vector<16xi32>
    %swap3A_278 = arith.constant 144 : index
    %swap3A_279 = tpu.vector_load %arg7[%swap3A_278] {strides = array<i32>} : memref<208xi32, #tpu.memory_space<vmem>>, vector<16xi32>,
    tpu.vector_store %arg7[%swap3A_278], %select_n3A_277 {strides = array<i32>} : memref<208xi32, #tpu.memory_space<vmem>>, vector<16xi32>,
    %add3A_280 = arith.constant 160 : i32
    %add3A_281 = vector.broadcast %add3A_280 : i32 to vector<16xi32>
    %add3A_282 = arith.addi %iota3A, %add3A_281 : vector<16xi32>
    %lt3A_283 = vector.broadcast %sub3A_182 : i32 to vector<16xi32>
    %lt3A_284 = arith.cmpi slt, %add3A_282, %lt3A_283 : vector<16xi32>
    %jit3A_285 = arith.constant 512 : i32
    %broadcast_in_dim3A_286 = vector.broadcast %jit3A_285 : i32 to vector<16xi32>
    %select_n3A_287 = arith.select %lt3A_284, %add3A_282, %broadcast_in_dim3A_286 : vector<16xi1>, vector<16xi32>
    %swap3A_288 = arith.constant 160 : index
    %swap3A_289 = tpu.vector_load %arg7[%swap3A_288] {strides = array<i32>} : memref<208xi32, #tpu.memory_space<vmem>>, vector<16xi32>,
    tpu.vector_store %arg7[%swap3A_288], %select_n3A_287 {strides = array<i32>} : memref<208xi32, #tpu.memory_space<vmem>>, vector<16xi32>,
    %add3A_290 = arith.constant 176 : i32
    %add3A_291 = vector.broadcast %add3A_290 : i32 to vector<16xi32>
    %add3A_292 = arith.addi %iota3A, %add3A_291 : vector<16xi32>
    %lt3A_293 = vector.broadcast %sub3A_182 : i32 to vector<16xi32>
    %lt3A_294 = arith.cmpi slt, %add3A_292, %lt3A_293 : vector<16xi32>
    %jit3A_295 = arith.constant 512 : i32
    %broadcast_in_dim3A_296 = vector.broadcast %jit3A_295 : i32 to vector<16xi32>
    %select_n3A_297 = arith.select %lt3A_294, %add3A_292, %broadcast_in_dim3A_296 : vector<16xi1>, vector<16xi32>
    %swap3A_298 = arith.constant 176 : index
    %swap3A_299 = tpu.vector_load %arg7[%swap3A_298] {strides = array<i32>} : memref<208xi32, #tpu.memory_space<vmem>>, vector<16xi32>,
    tpu.vector_store %arg7[%swap3A_298], %select_n3A_297 {strides = array<i32>} : memref<208xi32, #tpu.memory_space<vmem>>, vector<16xi32>,
    %add3A_300 = arith.constant 192 : i32
    %add3A_301 = vector.broadcast %add3A_300 : i32 to vector<16xi32>
    %add3A_302 = arith.addi %iota3A, %add3A_301 : vector<16xi32>
    %lt3A_303 = vector.broadcast %sub3A_182 : i32 to vector<16xi32>
    %lt3A_304 = arith.cmpi slt, %add3A_302, %lt3A_303 : vector<16xi32>
    %jit3A_305 = arith.constant 512 : i32
    %broadcast_in_dim3A_306 = vector.broadcast %jit3A_305 : i32 to vector<16xi32>
    %select_n3A_307 = arith.select %lt3A_304, %add3A_302, %broadcast_in_dim3A_306 : vector<16xi1>, vector<16xi32>
    %swap3A_308 = arith.constant 192 : index
    %swap3A_309 = tpu.vector_load %arg7[%swap3A_308] {strides = array<i32>} : memref<208xi32, #tpu.memory_space<vmem>>, vector<16xi32>,
    tpu.vector_store %arg7[%swap3A_308], %select_n3A_307 {strides = array<i32>} : memref<208xi32, #tpu.memory_space<vmem>>, vector<16xi32>,
    %dma_start3A = arith.constant 0 : i32
    %dma_start3A_310 = arith.constant 0 : i32
    %dma_start3A_311 = tpu.memref_slice %arg8[%dma_start3A, %dma_start3A_310] : memref<200x64xf32, #tpu.memory_space<vmem>> -> memref<128x64xf32, #tpu.memory_space<vmem>>
    %dma_start3A_312 = arith.constant 0 : i32
    %dma_start3A_313 = tpu.memref_slice %arg7[%dma_start3A_312] : memref<208xi32, #tpu.memory_space<vmem>> -> memref<128xi32, #tpu.memory_space<vmem>>
    %dma_start3A_314 = arith.constant 0 : i32
    %dma_start3A_315 = arith.constant 0 : i32
    %dma_start3A_316 = tpu.memref_slice %arg4[%dma_start3A_314, %dma_start3A_315] : memref<513x64xf32, #tpu.memory_space<hbm>> -> memref<513x64xf32, #tpu.memory_space<hbm>>
    tpu.enqueue_indirect_dma source(%dma_start3A_316 : memref<513x64xf32, #tpu.memory_space<hbm>>) target(%dma_start3A_311 : memref<128x64xf32, #tpu.memory_space<vmem>>) offsets(%dma_start3A_313 : memref<128xi32, #tpu.memory_space<vmem>>) semaphore(%arg14 : memref<!tpu.dma_semaphore, #tpu.memory_space<semaphore_mem>>)
    %dma_start3A_317 = arith.constant 128 : i32
    %dma_start3A_318 = arith.constant 0 : i32
    %dma_start3A_319 = tpu.memref_slice %arg8[%dma_start3A_317, %dma_start3A_318] : memref<200x64xf32, #tpu.memory_space<vmem>> -> memref<72x64xf32, #tpu.memory_space<vmem>>
    %dma_start3A_320 = arith.constant 128 : i32
    %dma_start3A_321 = tpu.memref_slice %arg7[%dma_start3A_320] : memref<208xi32, #tpu.memory_space<vmem>> -> memref<72xi32, #tpu.memory_space<vmem>>
    %dma_start3A_322 = arith.constant 0 : i32
    %dma_start3A_323 = arith.constant 0 : i32
    %dma_start3A_324 = tpu.memref_slice %arg4[%dma_start3A_322, %dma_start3A_323] : memref<513x64xf32, #tpu.memory_space<hbm>> -> memref<513x64xf32, #tpu.memory_space<hbm>>
    tpu.enqueue_indirect_dma source(%dma_start3A_324 : memref<513x64xf32, #tpu.memory_space<hbm>>) target(%dma_start3A_319 : memref<72x64xf32, #tpu.memory_space<vmem>>) offsets(%dma_start3A_321 : memref<72xi32, #tpu.memory_space<vmem>>) semaphore(%arg14 : memref<!tpu.dma_semaphore, #tpu.memory_space<semaphore_mem>>)
    %dma_wait3A = arith.constant 0 : i32
    %dma_wait3A_325 = arith.constant 0 : i32
    %dma_wait3A_326 = tpu.memref_slice %arg8[%dma_wait3A, %dma_wait3A_325] : memref<200x64xf32, #tpu.memory_space<vmem>> -> memref<128x64xf32, #tpu.memory_space<vmem>>
    %dma_wait3A_327 = arith.constant 0 : i32
    %dma_wait3A_328 = tpu.memref_slice %arg7[%dma_wait3A_327] : memref<208xi32, #tpu.memory_space<vmem>> -> memref<128xi32, #tpu.memory_space<vmem>>
    %dma_wait3A_329 = arith.constant 0 : i32
    %dma_wait3A_330 = arith.constant 0 : i32
    %dma_wait3A_331 = tpu.memref_slice %arg4[%dma_wait3A_329, %dma_wait3A_330] : memref<513x64xf32, #tpu.memory_space<hbm>> -> memref<513x64xf32, #tpu.memory_space<hbm>>
    tpu.wait_indirect_dma semaphore(%arg14 : memref<!tpu.dma_semaphore, #tpu.memory_space<semaphore_mem>>) src(%dma_wait3A_331 : memref<513x64xf32, #tpu.memory_space<hbm>>) dst(%dma_wait3A_326 : memref<128x64xf32, #tpu.memory_space<vmem>>)
    %dma_wait3A_332 = arith.constant 128 : i32
    %dma_wait3A_333 = arith.constant 0 : i32
    %dma_wait3A_334 = tpu.memref_slice %arg8[%dma_wait3A_332, %dma_wait3A_333] : memref<200x64xf32, #tpu.memory_space<vmem>> -> memref<72x64xf32, #tpu.memory_space<vmem>>
    %dma_wait3A_335 = arith.constant 128 : i32
    %dma_wait3A_336 = tpu.memref_slice %arg7[%dma_wait3A_335] : memref<208xi32, #tpu.memory_space<vmem>> -> memref<72xi32, #tpu.memory_space<vmem>>
    %dma_wait3A_337 = arith.constant 0 : i32
    %dma_wait3A_338 = arith.constant 0 : i32
    %dma_wait3A_339 = tpu.memref_slice %arg4[%dma_wait3A_337, %dma_wait3A_338] : memref<513x64xf32, #tpu.memory_space<hbm>> -> memref<513x64xf32, #tpu.memory_space<hbm>>
    tpu.wait_indirect_dma semaphore(%arg14 : memref<!tpu.dma_semaphore, #tpu.memory_space<semaphore_mem>>) src(%dma_wait3A_339 : memref<513x64xf32, #tpu.memory_space<hbm>>) dst(%dma_wait3A_334 : memref<72x64xf32, #tpu.memory_space<vmem>>)
    %broadcast_in_dim3A_340 = arith.constant 0.000000e+00 : f32
    %broadcast_in_dim3A_341 = vector.broadcast %broadcast_in_dim3A_340 : f32 to vector<16xf32>
    %swap3A_342 = arith.index_cast %sub3A_182 : i32 to index
    %swap3A_343 = arith.constant 0 : index
    %swap3A_344 = tpu.vector_load %arg8[%swap3A_342, %swap3A_343] {strides = array<i32>} : memref<200x64xf32, #tpu.memory_space<vmem>>, vector<16xf32>,
    tpu.vector_store %arg8[%swap3A_342, %swap3A_343], %broadcast_in_dim3A_341 {strides = array<i32>} : memref<200x64xf32, #tpu.memory_space<vmem>>, vector<16xf32>,
    %broadcast_in_dim3A_345 = arith.constant 0.000000e+00 : f32
    %broadcast_in_dim3A_346 = vector.broadcast %broadcast_in_dim3A_345 : f32 to vector<16xf32>
    %swap3A_347 = arith.index_cast %sub3A_182 : i32 to index
    %swap3A_348 = arith.constant 16 : index
    %swap3A_349 = tpu.vector_load %arg8[%swap3A_347, %swap3A_348] {strides = array<i32>} : memref<200x64xf32, #tpu.memory_space<vmem>>, vector<16xf32>,
    tpu.vector_store %arg8[%swap3A_347, %swap3A_348], %broadcast_in_dim3A_346 {strides = array<i32>} : memref<200x64xf32, #tpu.memory_space<vmem>>, vector<16xf32>,
    %broadcast_in_dim3A_350 = arith.constant 0.000000e+00 : f32
    %broadcast_in_dim3A_351 = vector.broadcast %broadcast_in_dim3A_350 : f32 to vector<16xf32>
    %swap3A_352 = arith.index_cast %sub3A_182 : i32 to index
    %swap3A_353 = arith.constant 32 : index
    %swap3A_354 = tpu.vector_load %arg8[%swap3A_352, %swap3A_353] {strides = array<i32>} : memref<200x64xf32, #tpu.memory_space<vmem>>, vector<16xf32>,
    tpu.vector_store %arg8[%swap3A_352, %swap3A_353], %broadcast_in_dim3A_351 {strides = array<i32>} : memref<200x64xf32, #tpu.memory_space<vmem>>, vector<16xf32>,
    %broadcast_in_dim3A_355 = arith.constant 0.000000e+00 : f32
    %broadcast_in_dim3A_356 = vector.broadcast %broadcast_in_dim3A_355 : f32 to vector<16xf32>
    %swap3A_357 = arith.index_cast %sub3A_182 : i32 to index
    %swap3A_358 = arith.constant 48 : index
    %swap3A_359 = tpu.vector_load %arg8[%swap3A_357, %swap3A_358] {strides = array<i32>} : memref<200x64xf32, #tpu.memory_space<vmem>>, vector<16xf32>,
    tpu.vector_store %arg8[%swap3A_357, %swap3A_358], %broadcast_in_dim3A_356 {strides = array<i32>} : memref<200x64xf32, #tpu.memory_space<vmem>>, vector<16xf32>,
    "tpu.region"() ({
      %run_scoped3A_549 = tpu.sem_alloc : memref<!tpu.dma_semaphore, #tpu.memory_space<semaphore_mem>>
      %dma_start3A_550 = arith.constant 0 : i32
      %dma_start3A_551 = tpu.memref_slice %arg2[%mul3A_2, %dma_start3A_550] : memref<4096x200xi32, #tpu.memory_space<hbm>> -> memref<128x200xi32, #tpu.memory_space<hbm>>
      %dma_start3A_552 = arith.constant 0 : i32
      %dma_start3A_553 = tpu.memref_slice %arg2[%mul3A_2, %dma_start3A_552] : memref<4096x200xi32, #tpu.memory_space<hbm>> -> memref<128x200xi32, #tpu.memory_space<hbm>>
      tpu.enqueue_dma source(%dma_start3A_553 : memref<128x200xi32, #tpu.memory_space<hbm>>) target(%arg9 : memref<128x200xi32, #tpu.memory_space<vmem>>) target_semaphore(%run_scoped3A_549 : memref<!tpu.dma_semaphore, #tpu.memory_space<semaphore_mem>>)
      %dma_wait3A_554 = arith.constant 0 : i32
      %dma_wait3A_555 = tpu.memref_slice %arg2[%mul3A_2, %dma_wait3A_554] : memref<4096x200xi32, #tpu.memory_space<hbm>> -> memref<128x200xi32, #tpu.memory_space<hbm>>
      %dma_wait3A_556 = arith.constant 0 : i32
      %dma_wait3A_557 = tpu.memref_slice %arg2[%mul3A_2, %dma_wait3A_556] : memref<4096x200xi32, #tpu.memory_space<hbm>> -> memref<128x200xi32, #tpu.memory_space<hbm>>
      tpu.wait_dma2 semaphore(%run_scoped3A_549 : memref<!tpu.dma_semaphore, #tpu.memory_space<semaphore_mem>>) src(%dma_wait3A_557 : memref<128x200xi32, #tpu.memory_space<hbm>>) dst(%arg9 : memref<128x200xi32, #tpu.memory_space<vmem>>)
      tpu.yield
    }) : () -> ()
    %dma_start3A_360 = arith.constant 0 : i32
    %dma_start3A_361 = arith.constant 0 : i32
    %dma_start3A_362 = arith.constant 0 : i32
    %dma_start3A_363 = tpu.memref_slice %arg10[%dma_start3A_361, %dma_start3A_362] : memref<200x64xf32, #tpu.memory_space<vmem>> -> memref<128x64xf32, #tpu.memory_space<vmem>>
    %dma_start3A_364 = arith.constant 0 : i32
    %dma_start3A_365 = tpu.memref_slice %arg9[%dma_start3A_360, %dma_start3A_364] : memref<128x200xi32, #tpu.memory_space<vmem>> -> memref<1x128xi32, #tpu.memory_space<vmem>>
    %dma_start3A_366 = tpu.memref_squeeze %dma_start3A_365 : memref<1x128xi32, #tpu.memory_space<vmem>> -> memref<128xi32, #tpu.memory_space<vmem>>
    %dma_start3A_367 = arith.constant 0 : i32
    %dma_start3A_368 = arith.constant 0 : i32
    %dma_start3A_369 = tpu.memref_slice %arg3[%dma_start3A_367, %dma_start3A_368] : memref<33025x64xf32, #tpu.memory_space<hbm>> -> memref<33025x64xf32, #tpu.memory_space<hbm>>
    tpu.enqueue_indirect_dma source(%dma_start3A_369 : memref<33025x64xf32, #tpu.memory_space<hbm>>) target(%dma_start3A_363 : memref<128x64xf32, #tpu.memory_space<vmem>>) offsets(%dma_start3A_366 : memref<128xi32, #tpu.memory_space<vmem>>) semaphore(%arg14 : memref<!tpu.dma_semaphore, #tpu.memory_space<semaphore_mem>>)
    %dma_start3A_370 = arith.constant 0 : i32
    %dma_start3A_371 = arith.constant 128 : i32
    %dma_start3A_372 = arith.constant 0 : i32
    %dma_start3A_373 = tpu.memref_slice %arg10[%dma_start3A_371, %dma_start3A_372] : memref<200x64xf32, #tpu.memory_space<vmem>> -> memref<72x64xf32, #tpu.memory_space<vmem>>
    %dma_start3A_374 = arith.constant 128 : i32
    %dma_start3A_375 = tpu.memref_slice %arg9[%dma_start3A_370, %dma_start3A_374] : memref<128x200xi32, #tpu.memory_space<vmem>> -> memref<1x72xi32, #tpu.memory_space<vmem>>
    %dma_start3A_376 = tpu.memref_squeeze %dma_start3A_375 : memref<1x72xi32, #tpu.memory_space<vmem>> -> memref<72xi32, #tpu.memory_space<vmem>>
    %dma_start3A_377 = arith.constant 0 : i32
    %dma_start3A_378 = arith.constant 0 : i32
    %dma_start3A_379 = tpu.memref_slice %arg3[%dma_start3A_377, %dma_start3A_378] : memref<33025x64xf32, #tpu.memory_space<hbm>> -> memref<33025x64xf32, #tpu.memory_space<hbm>>
    tpu.enqueue_indirect_dma source(%dma_start3A_379 : memref<33025x64xf32, #tpu.memory_space<hbm>>) target(%dma_start3A_373 : memref<72x64xf32, #tpu.memory_space<vmem>>) offsets(%dma_start3A_376 : memref<72xi32, #tpu.memory_space<vmem>>) semaphore(%arg14 : memref<!tpu.dma_semaphore, #tpu.memory_space<semaphore_mem>>)
    %dma_start3A_380 = arith.constant 1 : i32
    %dma_start3A_381 = arith.constant 0 : i32
    %dma_start3A_382 = arith.constant 0 : i32
    %dma_start3A_383 = tpu.memref_slice %arg11[%dma_start3A_381, %dma_start3A_382] : memref<200x64xf32, #tpu.memory_space<vmem>> -> memref<128x64xf32, #tpu.memory_space<vmem>>
    %dma_start3A_384 = arith.constant 0 : i32
    %dma_start3A_385 = tpu.memref_slice %arg9[%dma_start3A_380, %dma_start3A_384] : memref<128x200xi32, #tpu.memory_space<vmem>> -> memref<1x128xi32, #tpu.memory_space<vmem>>
    %dma_start3A_386 = tpu.memref_squeeze %dma_start3A_385 : memref<1x128xi32, #tpu.memory_space<vmem>> -> memref<128xi32, #tpu.memory_space<vmem>>
    %dma_start3A_387 = arith.constant 0 : i32
    %dma_start3A_388 = arith.constant 0 : i32
    %dma_start3A_389 = tpu.memref_slice %arg3[%dma_start3A_387, %dma_start3A_388] : memref<33025x64xf32, #tpu.memory_space<hbm>> -> memref<33025x64xf32, #tpu.memory_space<hbm>>
    tpu.enqueue_indirect_dma source(%dma_start3A_389 : memref<33025x64xf32, #tpu.memory_space<hbm>>) target(%dma_start3A_383 : memref<128x64xf32, #tpu.memory_space<vmem>>) offsets(%dma_start3A_386 : memref<128xi32, #tpu.memory_space<vmem>>) semaphore(%arg15 : memref<!tpu.dma_semaphore, #tpu.memory_space<semaphore_mem>>)
    %dma_start3A_390 = arith.constant 1 : i32
    %dma_start3A_391 = arith.constant 128 : i32
    %dma_start3A_392 = arith.constant 0 : i32
    %dma_start3A_393 = tpu.memref_slice %arg11[%dma_start3A_391, %dma_start3A_392] : memref<200x64xf32, #tpu.memory_space<vmem>> -> memref<72x64xf32, #tpu.memory_space<vmem>>
    %dma_start3A_394 = arith.constant 128 : i32
    %dma_start3A_395 = tpu.memref_slice %arg9[%dma_start3A_390, %dma_start3A_394] : memref<128x200xi32, #tpu.memory_space<vmem>> -> memref<1x72xi32, #tpu.memory_space<vmem>>
    %dma_start3A_396 = tpu.memref_squeeze %dma_start3A_395 : memref<1x72xi32, #tpu.memory_space<vmem>> -> memref<72xi32, #tpu.memory_space<vmem>>
    %dma_start3A_397 = arith.constant 0 : i32
    %dma_start3A_398 = arith.constant 0 : i32
    %dma_start3A_399 = tpu.memref_slice %arg3[%dma_start3A_397, %dma_start3A_398] : memref<33025x64xf32, #tpu.memory_space<hbm>> -> memref<33025x64xf32, #tpu.memory_space<hbm>>
    tpu.enqueue_indirect_dma source(%dma_start3A_399 : memref<33025x64xf32, #tpu.memory_space<hbm>>) target(%dma_start3A_393 : memref<72x64xf32, #tpu.memory_space<vmem>>) offsets(%dma_start3A_396 : memref<72xi32, #tpu.memory_space<vmem>>) semaphore(%arg15 : memref<!tpu.dma_semaphore, #tpu.memory_space<semaphore_mem>>)
    %dma_start3A_400 = arith.constant 2 : i32
    %dma_start3A_401 = arith.constant 0 : i32
    %dma_start3A_402 = arith.constant 0 : i32
    %dma_start3A_403 = tpu.memref_slice %arg12[%dma_start3A_401, %dma_start3A_402] : memref<200x64xf32, #tpu.memory_space<vmem>> -> memref<128x64xf32, #tpu.memory_space<vmem>>
    %dma_start3A_404 = arith.constant 0 : i32
    %dma_start3A_405 = tpu.memref_slice %arg9[%dma_start3A_400, %dma_start3A_404] : memref<128x200xi32, #tpu.memory_space<vmem>> -> memref<1x128xi32, #tpu.memory_space<vmem>>
    %dma_start3A_406 = tpu.memref_squeeze %dma_start3A_405 : memref<1x128xi32, #tpu.memory_space<vmem>> -> memref<128xi32, #tpu.memory_space<vmem>>
    %dma_start3A_407 = arith.constant 0 : i32
    %dma_start3A_408 = arith.constant 0 : i32
    %dma_start3A_409 = tpu.memref_slice %arg3[%dma_start3A_407, %dma_start3A_408] : memref<33025x64xf32, #tpu.memory_space<hbm>> -> memref<33025x64xf32, #tpu.memory_space<hbm>>
    tpu.enqueue_indirect_dma source(%dma_start3A_409 : memref<33025x64xf32, #tpu.memory_space<hbm>>) target(%dma_start3A_403 : memref<128x64xf32, #tpu.memory_space<vmem>>) offsets(%dma_start3A_406 : memref<128xi32, #tpu.memory_space<vmem>>) semaphore(%arg16 : memref<!tpu.dma_semaphore, #tpu.memory_space<semaphore_mem>>)
    %dma_start3A_410 = arith.constant 2 : i32
    %dma_start3A_411 = arith.constant 128 : i32
    %dma_start3A_412 = arith.constant 0 : i32
    %dma_start3A_413 = tpu.memref_slice %arg12[%dma_start3A_411, %dma_start3A_412] : memref<200x64xf32, #tpu.memory_space<vmem>> -> memref<72x64xf32, #tpu.memory_space<vmem>>
    %dma_start3A_414 = arith.constant 128 : i32
    %dma_start3A_415 = tpu.memref_slice %arg9[%dma_start3A_410, %dma_start3A_414] : memref<128x200xi32, #tpu.memory_space<vmem>> -> memref<1x72xi32, #tpu.memory_space<vmem>>
    %dma_start3A_416 = tpu.memref_squeeze %dma_start3A_415 : memref<1x72xi32, #tpu.memory_space<vmem>> -> memref<72xi32, #tpu.memory_space<vmem>>
    %dma_start3A_417 = arith.constant 0 : i32
    %dma_start3A_418 = arith.constant 0 : i32
    %dma_start3A_419 = tpu.memref_slice %arg3[%dma_start3A_417, %dma_start3A_418] : memref<33025x64xf32, #tpu.memory_space<hbm>> -> memref<33025x64xf32, #tpu.memory_space<hbm>>
    tpu.enqueue_indirect_dma source(%dma_start3A_419 : memref<33025x64xf32, #tpu.memory_space<hbm>>) target(%dma_start3A_413 : memref<72x64xf32, #tpu.memory_space<vmem>>) offsets(%dma_start3A_416 : memref<72xi32, #tpu.memory_space<vmem>>) semaphore(%arg16 : memref<!tpu.dma_semaphore, #tpu.memory_space<semaphore_mem>>)
    %dma_wait3A_420 = arith.constant 0 : i32
    %dma_wait3A_421 = arith.constant 0 : i32
    %dma_wait3A_422 = tpu.memref_slice %arg3[%dma_wait3A_420, %dma_wait3A_421] : memref<33025x64xf32, #tpu.memory_space<hbm>> -> memref<200x64xf32, #tpu.memory_space<hbm>>
    %dma_wait3A_423 = arith.constant 0 : i32
    %dma_wait3A_424 = arith.constant 0 : i32
    %dma_wait3A_425 = tpu.memref_slice %arg3[%dma_wait3A_423, %dma_wait3A_424] : memref<33025x64xf32, #tpu.memory_space<hbm>> -> memref<200x64xf32, #tpu.memory_space<hbm>>
    tpu.wait_dma2 semaphore(%arg14 : memref<!tpu.dma_semaphore, #tpu.memory_space<semaphore_mem>>) src(%dma_wait3A_425 : memref<200x64xf32, #tpu.memory_space<hbm>>) dst(%arg10 : memref<200x64xf32, #tpu.memory_space<vmem>>)
    %scan3A = arith.constant 0 : i32
    %scan3A_426 = arith.constant 0 : i32
    %scan3A_427 = arith.constant 100 : i32
    %scan3A_428 = arith.addi %scan3A_426, %scan3A_427 : i32
    %scan3A_429 = arith.constant 1 : i32
    scf.for %scan3A_549 = %scan3A_426 to %scan3A_428 step %scan3A_429  : i32 {
      %mul3A_550 = arith.constant 2 : i32
      %mul3A_551 = arith.muli %mul3A_550, %scan3A_549 : i32
      %add3A_552 = arith.constant 0 : i32
      %add3A_553 = arith.addi %mul3A_551, %add3A_552 : i32
      %mul3A_554 = arith.constant 2 : i32
      %mul3A_555 = arith.muli %mul3A_554, %scan3A_549 : i32
      %add3A_556 = arith.constant 0 : i32
      %add3A_557 = arith.addi %mul3A_555, %add3A_556 : i32
      %get3A_558 = arith.index_cast %add3A_557 : i32 to index
      %get3A_559 = arith.constant 0 : index
      %get3A_560 = tpu.vector_load %arg8[%get3A_558, %get3A_559] {strides = array<i32>} : memref<200x64xf32, #tpu.memory_space<vmem>>, vector<16xf32>,
      %swap3A_561 = arith.index_cast %add3A_553 : i32 to index
      %swap3A_562 = arith.constant 0 : index
      %swap3A_563 = tpu.vector_load %arg10[%swap3A_561, %swap3A_562] {strides = array<i32>} : memref<200x64xf32, #tpu.memory_space<vmem>>, vector<16xf32>,
      tpu.vector_store %arg10[%swap3A_561, %swap3A_562], %get3A_560 {add = true, strides = array<i32>} : memref<200x64xf32, #tpu.memory_space<vmem>>, vector<16xf32>,
      %mul3A_564 = arith.constant 2 : i32
      %mul3A_565 = arith.muli %mul3A_564, %scan3A_549 : i32
      %add3A_566 = arith.constant 0 : i32
      %add3A_567 = arith.addi %mul3A_565, %add3A_566 : i32
      %mul3A_568 = arith.constant 2 : i32
      %mul3A_569 = arith.muli %mul3A_568, %scan3A_549 : i32
      %add3A_570 = arith.constant 0 : i32
      %add3A_571 = arith.addi %mul3A_569, %add3A_570 : i32
      %get3A_572 = arith.index_cast %add3A_571 : i32 to index
      %get3A_573 = arith.constant 16 : index
      %get3A_574 = tpu.vector_load %arg8[%get3A_572, %get3A_573] {strides = array<i32>} : memref<200x64xf32, #tpu.memory_space<vmem>>, vector<16xf32>,
      %swap3A_575 = arith.index_cast %add3A_567 : i32 to index
      %swap3A_576 = arith.constant 16 : index
      %swap3A_577 = tpu.vector_load %arg10[%swap3A_575, %swap3A_576] {strides = array<i32>} : memref<200x64xf32, #tpu.memory_space<vmem>>, vector<16xf32>,
      tpu.vector_store %arg10[%swap3A_575, %swap3A_576], %get3A_574 {add = true, strides = array<i32>} : memref<200x64xf32, #tpu.memory_space<vmem>>, vector<16xf32>,
      %mul3A_578 = arith.constant 2 : i32
      %mul3A_579 = arith.muli %mul3A_578, %scan3A_549 : i32
      %add3A_580 = arith.constant 0 : i32
      %add3A_581 = arith.addi %mul3A_579, %add3A_580 : i32
      %mul3A_582 = arith.constant 2 : i32
      %mul3A_583 = arith.muli %mul3A_582, %scan3A_549 : i32
      %add3A_584 = arith.constant 0 : i32
      %add3A_585 = arith.addi %mul3A_583, %add3A_584 : i32
      %get3A_586 = arith.index_cast %add3A_585 : i32 to index
      %get3A_587 = arith.constant 32 : index
      %get3A_588 = tpu.vector_load %arg8[%get3A_586, %get3A_587] {strides = array<i32>} : memref<200x64xf32, #tpu.memory_space<vmem>>, vector<16xf32>,
      %swap3A_589 = arith.index_cast %add3A_581 : i32 to index
      %swap3A_590 = arith.constant 32 : index
      %swap3A_591 = tpu.vector_load %arg10[%swap3A_589, %swap3A_590] {strides = array<i32>} : memref<200x64xf32, #tpu.memory_space<vmem>>, vector<16xf32>,
      tpu.vector_store %arg10[%swap3A_589, %swap3A_590], %get3A_588 {add = true, strides = array<i32>} : memref<200x64xf32, #tpu.memory_space<vmem>>, vector<16xf32>,
      %mul3A_592 = arith.constant 2 : i32
      %mul3A_593 = arith.muli %mul3A_592, %scan3A_549 : i32
      %add3A_594 = arith.constant 0 : i32
      %add3A_595 = arith.addi %mul3A_593, %add3A_594 : i32
      %mul3A_596 = arith.constant 2 : i32
      %mul3A_597 = arith.muli %mul3A_596, %scan3A_549 : i32
      %add3A_598 = arith.constant 0 : i32
      %add3A_599 = arith.addi %mul3A_597, %add3A_598 : i32
      %get3A_600 = arith.index_cast %add3A_599 : i32 to index
      %get3A_601 = arith.constant 48 : index
      %get3A_602 = tpu.vector_load %arg8[%get3A_600, %get3A_601] {strides = array<i32>} : memref<200x64xf32, #tpu.memory_space<vmem>>, vector<16xf32>,
      %swap3A_603 = arith.index_cast %add3A_595 : i32 to index
      %swap3A_604 = arith.constant 48 : index
      %swap3A_605 = tpu.vector_load %arg10[%swap3A_603, %swap3A_604] {strides = array<i32>} : memref<200x64xf32, #tpu.memory_space<vmem>>, vector<16xf32>,
      tpu.vector_store %arg10[%swap3A_603, %swap3A_604], %get3A_602 {add = true, strides = array<i32>} : memref<200x64xf32, #tpu.memory_space<vmem>>, vector<16xf32>,
      %mul3A_606 = arith.constant 2 : i32
      %mul3A_607 = arith.muli %mul3A_606, %scan3A_549 : i32
      %add3A_608 = arith.constant 1 : i32
      %add3A_609 = arith.addi %mul3A_607, %add3A_608 : i32
      %mul3A_610 = arith.constant 2 : i32
      %mul3A_611 = arith.muli %mul3A_610, %scan3A_549 : i32
      %add3A_612 = arith.constant 1 : i32
      %add3A_613 = arith.addi %mul3A_611, %add3A_612 : i32
      %get3A_614 = arith.index_cast %add3A_613 : i32 to index
      %get3A_615 = arith.constant 0 : index
      %get3A_616 = tpu.vector_load %arg8[%get3A_614, %get3A_615] {strides = array<i32>} : memref<200x64xf32, #tpu.memory_space<vmem>>, vector<16xf32>,
      %swap3A_617 = arith.index_cast %add3A_609 : i32 to index
      %swap3A_618 = arith.constant 0 : index
      %swap3A_619 = tpu.vector_load %arg10[%swap3A_617, %swap3A_618] {strides = array<i32>} : memref<200x64xf32, #tpu.memory_space<vmem>>, vector<16xf32>,
      tpu.vector_store %arg10[%swap3A_617, %swap3A_618], %get3A_616 {add = true, strides = array<i32>} : memref<200x64xf32, #tpu.memory_space<vmem>>, vector<16xf32>,
      %mul3A_620 = arith.constant 2 : i32
      %mul3A_621 = arith.muli %mul3A_620, %scan3A_549 : i32
      %add3A_622 = arith.constant 1 : i32
      %add3A_623 = arith.addi %mul3A_621, %add3A_622 : i32
      %mul3A_624 = arith.constant 2 : i32
      %mul3A_625 = arith.muli %mul3A_624, %scan3A_549 : i32
      %add3A_626 = arith.constant 1 : i32
      %add3A_627 = arith.addi %mul3A_625, %add3A_626 : i32
      %get3A_628 = arith.index_cast %add3A_627 : i32 to index
      %get3A_629 = arith.constant 16 : index
      %get3A_630 = tpu.vector_load %arg8[%get3A_628, %get3A_629] {strides = array<i32>} : memref<200x64xf32, #tpu.memory_space<vmem>>, vector<16xf32>,
      %swap3A_631 = arith.index_cast %add3A_623 : i32 to index
      %swap3A_632 = arith.constant 16 : index
      %swap3A_633 = tpu.vector_load %arg10[%swap3A_631, %swap3A_632] {strides = array<i32>} : memref<200x64xf32, #tpu.memory_space<vmem>>, vector<16xf32>,
      tpu.vector_store %arg10[%swap3A_631, %swap3A_632], %get3A_630 {add = true, strides = array<i32>} : memref<200x64xf32, #tpu.memory_space<vmem>>, vector<16xf32>,
      %mul3A_634 = arith.constant 2 : i32
      %mul3A_635 = arith.muli %mul3A_634, %scan3A_549 : i32
      %add3A_636 = arith.constant 1 : i32
      %add3A_637 = arith.addi %mul3A_635, %add3A_636 : i32
      %mul3A_638 = arith.constant 2 : i32
      %mul3A_639 = arith.muli %mul3A_638, %scan3A_549 : i32
      %add3A_640 = arith.constant 1 : i32
      %add3A_641 = arith.addi %mul3A_639, %add3A_640 : i32
      %get3A_642 = arith.index_cast %add3A_641 : i32 to index
      %get3A_643 = arith.constant 32 : index
      %get3A_644 = tpu.vector_load %arg8[%get3A_642, %get3A_643] {strides = array<i32>} : memref<200x64xf32, #tpu.memory_space<vmem>>, vector<16xf32>,
      %swap3A_645 = arith.index_cast %add3A_637 : i32 to index
      %swap3A_646 = arith.constant 32 : index
      %swap3A_647 = tpu.vector_load %arg10[%swap3A_645, %swap3A_646] {strides = array<i32>} : memref<200x64xf32, #tpu.memory_space<vmem>>, vector<16xf32>,
      tpu.vector_store %arg10[%swap3A_645, %swap3A_646], %get3A_644 {add = true, strides = array<i32>} : memref<200x64xf32, #tpu.memory_space<vmem>>, vector<16xf32>,
      %mul3A_648 = arith.constant 2 : i32
      %mul3A_649 = arith.muli %mul3A_648, %scan3A_549 : i32
      %add3A_650 = arith.constant 1 : i32
      %add3A_651 = arith.addi %mul3A_649, %add3A_650 : i32
      %mul3A_652 = arith.constant 2 : i32
      %mul3A_653 = arith.muli %mul3A_652, %scan3A_549 : i32
      %add3A_654 = arith.constant 1 : i32
      %add3A_655 = arith.addi %mul3A_653, %add3A_654 : i32
      %get3A_656 = arith.index_cast %add3A_655 : i32 to index
      %get3A_657 = arith.constant 48 : index
      %get3A_658 = tpu.vector_load %arg8[%get3A_656, %get3A_657] {strides = array<i32>} : memref<200x64xf32, #tpu.memory_space<vmem>>, vector<16xf32>,
      %swap3A_659 = arith.index_cast %add3A_651 : i32 to index
      %swap3A_660 = arith.constant 48 : index
      %swap3A_661 = tpu.vector_load %arg10[%swap3A_659, %swap3A_660] {strides = array<i32>} : memref<200x64xf32, #tpu.memory_space<vmem>>, vector<16xf32>,
      tpu.vector_store %arg10[%swap3A_659, %swap3A_660], %get3A_658 {add = true, strides = array<i32>} : memref<200x64xf32, #tpu.memory_space<vmem>>, vector<16xf32>,
    }
    %scan3A_430 = arith.constant 100 : i32
    %add3A_431 = arith.constant 0 : i32
    %add3A_432 = arith.addi %mul3A_2, %add3A_431 : i32
    %mul3A_433 = arith.constant 200 : i32
    %mul3A_434 = arith.muli %add3A_432, %mul3A_433 : i32
    %dma_start3A_435 = arith.constant 0 : i32
    %dma_start3A_436 = tpu.memref_slice %arg5[%mul3A_434, %dma_start3A_435] : memref<819200x64xf32, #tpu.memory_space<hbm>> -> memref<200x64xf32, #tpu.memory_space<hbm>>
    %dma_start3A_437 = arith.constant 0 : i32
    %dma_start3A_438 = tpu.memref_slice %arg5[%mul3A_434, %dma_start3A_437] : memref<819200x64xf32, #tpu.memory_space<hbm>> -> memref<200x64xf32, #tpu.memory_space<hbm>>
    tpu.enqueue_dma source(%arg10 : memref<200x64xf32, #tpu.memory_space<vmem>>) target(%dma_start3A_438 : memref<200x64xf32, #tpu.memory_space<hbm>>) target_semaphore(%arg18 : memref<!tpu.dma_semaphore, #tpu.memory_space<semaphore_mem>>)
    %dma_start3A_439 = arith.constant 3 : i32
    %dma_start3A_440 = arith.constant 0 : i32
    %dma_start3A_441 = arith.constant 0 : i32
    %dma_start3A_442 = tpu.memref_slice %arg13[%dma_start3A_440, %dma_start3A_441] : memref<200x64xf32, #tpu.memory_space<vmem>> -> memref<128x64xf32, #tpu.memory_space<vmem>>
    %dma_start3A_443 = arith.constant 0 : i32
    %dma_start3A_444 = tpu.memref_slice %arg9[%dma_start3A_439, %dma_start3A_443] : memref<128x200xi32, #tpu.memory_space<vmem>> -> memref<1x128xi32, #tpu.memory_space<vmem>>
    %dma_start3A_445 = tpu.memref_squeeze %dma_start3A_444 : memref<1x128xi32, #tpu.memory_space<vmem>> -> memref<128xi32, #tpu.memory_space<vmem>>
    %dma_start3A_446 = arith.constant 0 : i32
    %dma_start3A_447 = arith.constant 0 : i32
    %dma_start3A_448 = tpu.memref_slice %arg3[%dma_start3A_446, %dma_start3A_447] : memref<33025x64xf32, #tpu.memory_space<hbm>> -> memref<33025x64xf32, #tpu.memory_space<hbm>>
    tpu.enqueue_indirect_dma source(%dma_start3A_448 : memref<33025x64xf32, #tpu.memory_space<hbm>>) target(%dma_start3A_442 : memref<128x64xf32, #tpu.memory_space<vmem>>) offsets(%dma_start3A_445 : memref<128xi32, #tpu.memory_space<vmem>>) semaphore(%arg17 : memref<!tpu.dma_semaphore, #tpu.memory_space<semaphore_mem>>)
    %dma_start3A_449 = arith.constant 3 : i32
    %dma_start3A_450 = arith.constant 128 : i32
    %dma_start3A_451 = arith.constant 0 : i32
    %dma_start3A_452 = tpu.memref_slice %arg13[%dma_start3A_450, %dma_start3A_451] : memref<200x64xf32, #tpu.memory_space<vmem>> -> memref<72x64xf32, #tpu.memory_space<vmem>>
    %dma_start3A_453 = arith.constant 128 : i32
    %dma_start3A_454 = tpu.memref_slice %arg9[%dma_start3A_449, %dma_start3A_453] : memref<128x200xi32, #tpu.memory_space<vmem>> -> memref<1x72xi32, #tpu.memory_space<vmem>>
    %dma_start3A_455 = tpu.memref_squeeze %dma_start3A_454 : memref<1x72xi32, #tpu.memory_space<vmem>> -> memref<72xi32, #tpu.memory_space<vmem>>
    %dma_start3A_456 = arith.constant 0 : i32
    %dma_start3A_457 = arith.constant 0 : i32
    %dma_start3A_458 = tpu.memref_slice %arg3[%dma_start3A_456, %dma_start3A_457] : memref<33025x64xf32, #tpu.memory_space<hbm>> -> memref<33025x64xf32, #tpu.memory_space<hbm>>
    tpu.enqueue_indirect_dma source(%dma_start3A_458 : memref<33025x64xf32, #tpu.memory_space<hbm>>) target(%dma_start3A_452 : memref<72x64xf32, #tpu.memory_space<vmem>>) offsets(%dma_start3A_455 : memref<72xi32, #tpu.memory_space<vmem>>) semaphore(%arg17 : memref<!tpu.dma_semaphore, #tpu.memory_space<semaphore_mem>>)
    %scan3A_459 = arith.constant 0 : i32
    %scan3A_460 = arith.constant 0 : i32
    %scan3A_461 = arith.constant 31 : i32
    %scan3A_462 = arith.addi %scan3A_460, %scan3A_461 : i32
    %scan3A_463 = arith.constant 1 : i32
    scf.for %scan3A_549 = %scan3A_460 to %scan3A_462 step %scan3A_463  : i32 {
      %mul3A_550 = arith.constant 4 : i32
      %mul3A_551 = arith.muli %mul3A_550, %scan3A_549 : i32
      %add3A_552 = arith.constant 1 : i32
      %add3A_553 = arith.addi %mul3A_551, %add3A_552 : i32
      %dma_wait3A_554 = arith.constant 0 : i32
      %dma_wait3A_555 = arith.constant 0 : i32
      %dma_wait3A_556 = tpu.memref_slice %arg3[%dma_wait3A_554, %dma_wait3A_555] : memref<33025x64xf32, #tpu.memory_space<hbm>> -> memref<200x64xf32, #tpu.memory_space<hbm>>
      %dma_wait3A_557 = arith.constant 0 : i32
      %dma_wait3A_558 = arith.constant 0 : i32
      %dma_wait3A_559 = tpu.memref_slice %arg3[%dma_wait3A_557, %dma_wait3A_558] : memref<33025x64xf32, #tpu.memory_space<hbm>> -> memref<200x64xf32, #tpu.memory_space<hbm>>
      tpu.wait_dma2 semaphore(%arg15 : memref<!tpu.dma_semaphore, #tpu.memory_space<semaphore_mem>>) src(%dma_wait3A_559 : memref<200x64xf32, #tpu.memory_space<hbm>>) dst(%arg11 : memref<200x64xf32, #tpu.memory_space<vmem>>)
      %scan3A_560 = arith.constant 0 : i32
      %scan3A_561 = arith.constant 0 : i32
      %scan3A_562 = arith.constant 100 : i32
      %scan3A_563 = arith.addi %scan3A_561, %scan3A_562 : i32
      %scan3A_564 = arith.constant 1 : i32
      scf.for %scan3A_750 = %scan3A_561 to %scan3A_563 step %scan3A_564  : i32 {
        %mul3A_751 = arith.constant 2 : i32
        %mul3A_752 = arith.muli %mul3A_751, %scan3A_750 : i32
        %add3A_753 = arith.constant 0 : i32
        %add3A_754 = arith.addi %mul3A_752, %add3A_753 : i32
        %mul3A_755 = arith.constant 2 : i32
        %mul3A_756 = arith.muli %mul3A_755, %scan3A_750 : i32
        %add3A_757 = arith.constant 0 : i32
        %add3A_758 = arith.addi %mul3A_756, %add3A_757 : i32
        %get3A_759 = arith.index_cast %add3A_758 : i32 to index
        %get3A_760 = arith.constant 0 : index
        %get3A_761 = tpu.vector_load %arg8[%get3A_759, %get3A_760] {strides = array<i32>} : memref<200x64xf32, #tpu.memory_space<vmem>>, vector<16xf32>,
        %swap3A_762 = arith.index_cast %add3A_754 : i32 to index
        %swap3A_763 = arith.constant 0 : index
        %swap3A_764 = tpu.vector_load %arg11[%swap3A_762, %swap3A_763] {strides = array<i32>} : memref<200x64xf32, #tpu.memory_space<vmem>>, vector<16xf32>,
        tpu.vector_store %arg11[%swap3A_762, %swap3A_763], %get3A_761 {add = true, strides = array<i32>} : memref<200x64xf32, #tpu.memory_space<vmem>>, vector<16xf32>,
        %mul3A_765 = arith.constant 2 : i32
        %mul3A_766 = arith.muli %mul3A_765, %scan3A_750 : i32
        %add3A_767 = arith.constant 0 : i32
        %add3A_768 = arith.addi %mul3A_766, %add3A_767 : i32
        %mul3A_769 = arith.constant 2 : i32
        %mul3A_770 = arith.muli %mul3A_769, %scan3A_750 : i32
        %add3A_771 = arith.constant 0 : i32
        %add3A_772 = arith.addi %mul3A_770, %add3A_771 : i32
        %get3A_773 = arith.index_cast %add3A_772 : i32 to index
        %get3A_774 = arith.constant 16 : index
        %get3A_775 = tpu.vector_load %arg8[%get3A_773, %get3A_774] {strides = array<i32>} : memref<200x64xf32, #tpu.memory_space<vmem>>, vector<16xf32>,
        %swap3A_776 = arith.index_cast %add3A_768 : i32 to index
        %swap3A_777 = arith.constant 16 : index
        %swap3A_778 = tpu.vector_load %arg11[%swap3A_776, %swap3A_777] {strides = array<i32>} : memref<200x64xf32, #tpu.memory_space<vmem>>, vector<16xf32>,
        tpu.vector_store %arg11[%swap3A_776, %swap3A_777], %get3A_775 {add = true, strides = array<i32>} : memref<200x64xf32, #tpu.memory_space<vmem>>, vector<16xf32>,
        %mul3A_779 = arith.constant 2 : i32
        %mul3A_780 = arith.muli %mul3A_779, %scan3A_750 : i32
        %add3A_781 = arith.constant 0 : i32
        %add3A_782 = arith.addi %mul3A_780, %add3A_781 : i32
        %mul3A_783 = arith.constant 2 : i32
        %mul3A_784 = arith.muli %mul3A_783, %scan3A_750 : i32
        %add3A_785 = arith.constant 0 : i32
        %add3A_786 = arith.addi %mul3A_784, %add3A_785 : i32
        %get3A_787 = arith.index_cast %add3A_786 : i32 to index
        %get3A_788 = arith.constant 32 : index
        %get3A_789 = tpu.vector_load %arg8[%get3A_787, %get3A_788] {strides = array<i32>} : memref<200x64xf32, #tpu.memory_space<vmem>>, vector<16xf32>,
        %swap3A_790 = arith.index_cast %add3A_782 : i32 to index
        %swap3A_791 = arith.constant 32 : index
        %swap3A_792 = tpu.vector_load %arg11[%swap3A_790, %swap3A_791] {strides = array<i32>} : memref<200x64xf32, #tpu.memory_space<vmem>>, vector<16xf32>,
        tpu.vector_store %arg11[%swap3A_790, %swap3A_791], %get3A_789 {add = true, strides = array<i32>} : memref<200x64xf32, #tpu.memory_space<vmem>>, vector<16xf32>,
        %mul3A_793 = arith.constant 2 : i32
        %mul3A_794 = arith.muli %mul3A_793, %scan3A_750 : i32
        %add3A_795 = arith.constant 0 : i32
        %add3A_796 = arith.addi %mul3A_794, %add3A_795 : i32
        %mul3A_797 = arith.constant 2 : i32
        %mul3A_798 = arith.muli %mul3A_797, %scan3A_750 : i32
        %add3A_799 = arith.constant 0 : i32
        %add3A_800 = arith.addi %mul3A_798, %add3A_799 : i32
        %get3A_801 = arith.index_cast %add3A_800 : i32 to index
        %get3A_802 = arith.constant 48 : index
        %get3A_803 = tpu.vector_load %arg8[%get3A_801, %get3A_802] {strides = array<i32>} : memref<200x64xf32, #tpu.memory_space<vmem>>, vector<16xf32>,
        %swap3A_804 = arith.index_cast %add3A_796 : i32 to index
        %swap3A_805 = arith.constant 48 : index
        %swap3A_806 = tpu.vector_load %arg11[%swap3A_804, %swap3A_805] {strides = array<i32>} : memref<200x64xf32, #tpu.memory_space<vmem>>, vector<16xf32>,
        tpu.vector_store %arg11[%swap3A_804, %swap3A_805], %get3A_803 {add = true, strides = array<i32>} : memref<200x64xf32, #tpu.memory_space<vmem>>, vector<16xf32>,
        %mul3A_807 = arith.constant 2 : i32
        %mul3A_808 = arith.muli %mul3A_807, %scan3A_750 : i32
        %add3A_809 = arith.constant 1 : i32
        %add3A_810 = arith.addi %mul3A_808, %add3A_809 : i32
        %mul3A_811 = arith.constant 2 : i32
        %mul3A_812 = arith.muli %mul3A_811, %scan3A_750 : i32
        %add3A_813 = arith.constant 1 : i32
        %add3A_814 = arith.addi %mul3A_812, %add3A_813 : i32
        %get3A_815 = arith.index_cast %add3A_814 : i32 to index
        %get3A_816 = arith.constant 0 : index
        %get3A_817 = tpu.vector_load %arg8[%get3A_815, %get3A_816] {strides = array<i32>} : memref<200x64xf32, #tpu.memory_space<vmem>>, vector<16xf32>,
        %swap3A_818 = arith.index_cast %add3A_810 : i32 to index
        %swap3A_819 = arith.constant 0 : index
        %swap3A_820 = tpu.vector_load %arg11[%swap3A_818, %swap3A_819] {strides = array<i32>} : memref<200x64xf32, #tpu.memory_space<vmem>>, vector<16xf32>,
        tpu.vector_store %arg11[%swap3A_818, %swap3A_819], %get3A_817 {add = true, strides = array<i32>} : memref<200x64xf32, #tpu.memory_space<vmem>>, vector<16xf32>,
        %mul3A_821 = arith.constant 2 : i32
        %mul3A_822 = arith.muli %mul3A_821, %scan3A_750 : i32
        %add3A_823 = arith.constant 1 : i32
        %add3A_824 = arith.addi %mul3A_822, %add3A_823 : i32
        %mul3A_825 = arith.constant 2 : i32
        %mul3A_826 = arith.muli %mul3A_825, %scan3A_750 : i32
        %add3A_827 = arith.constant 1 : i32
        %add3A_828 = arith.addi %mul3A_826, %add3A_827 : i32
        %get3A_829 = arith.index_cast %add3A_828 : i32 to index
        %get3A_830 = arith.constant 16 : index
        %get3A_831 = tpu.vector_load %arg8[%get3A_829, %get3A_830] {strides = array<i32>} : memref<200x64xf32, #tpu.memory_space<vmem>>, vector<16xf32>,
        %swap3A_832 = arith.index_cast %add3A_824 : i32 to index
        %swap3A_833 = arith.constant 16 : index
        %swap3A_834 = tpu.vector_load %arg11[%swap3A_832, %swap3A_833] {strides = array<i32>} : memref<200x64xf32, #tpu.memory_space<vmem>>, vector<16xf32>,
        tpu.vector_store %arg11[%swap3A_832, %swap3A_833], %get3A_831 {add = true, strides = array<i32>} : memref<200x64xf32, #tpu.memory_space<vmem>>, vector<16xf32>,
        %mul3A_835 = arith.constant 2 : i32
        %mul3A_836 = arith.muli %mul3A_835, %scan3A_750 : i32
        %add3A_837 = arith.constant 1 : i32
        %add3A_838 = arith.addi %mul3A_836, %add3A_837 : i32
        %mul3A_839 = arith.constant 2 : i32
        %mul3A_840 = arith.muli %mul3A_839, %scan3A_750 : i32
        %add3A_841 = arith.constant 1 : i32
        %add3A_842 = arith.addi %mul3A_840, %add3A_841 : i32
        %get3A_843 = arith.index_cast %add3A_842 : i32 to index
        %get3A_844 = arith.constant 32 : index
        %get3A_845 = tpu.vector_load %arg8[%get3A_843, %get3A_844] {strides = array<i32>} : memref<200x64xf32, #tpu.memory_space<vmem>>, vector<16xf32>,
        %swap3A_846 = arith.index_cast %add3A_838 : i32 to index
        %swap3A_847 = arith.constant 32 : index
        %swap3A_848 = tpu.vector_load %arg11[%swap3A_846, %swap3A_847] {strides = array<i32>} : memref<200x64xf32, #tpu.memory_space<vmem>>, vector<16xf32>,
        tpu.vector_store %arg11[%swap3A_846, %swap3A_847], %get3A_845 {add = true, strides = array<i32>} : memref<200x64xf32, #tpu.memory_space<vmem>>, vector<16xf32>,
        %mul3A_849 = arith.constant 2 : i32
        %mul3A_850 = arith.muli %mul3A_849, %scan3A_750 : i32
        %add3A_851 = arith.constant 1 : i32
        %add3A_852 = arith.addi %mul3A_850, %add3A_851 : i32
        %mul3A_853 = arith.constant 2 : i32
        %mul3A_854 = arith.muli %mul3A_853, %scan3A_750 : i32
        %add3A_855 = arith.constant 1 : i32
        %add3A_856 = arith.addi %mul3A_854, %add3A_855 : i32
        %get3A_857 = arith.index_cast %add3A_856 : i32 to index
        %get3A_858 = arith.constant 48 : index
        %get3A_859 = tpu.vector_load %arg8[%get3A_857, %get3A_858] {strides = array<i32>} : memref<200x64xf32, #tpu.memory_space<vmem>>, vector<16xf32>,
        %swap3A_860 = arith.index_cast %add3A_852 : i32 to index
        %swap3A_861 = arith.constant 48 : index
        %swap3A_862 = tpu.vector_load %arg11[%swap3A_860, %swap3A_861] {strides = array<i32>} : memref<200x64xf32, #tpu.memory_space<vmem>>, vector<16xf32>,
        tpu.vector_store %arg11[%swap3A_860, %swap3A_861], %get3A_859 {add = true, strides = array<i32>} : memref<200x64xf32, #tpu.memory_space<vmem>>, vector<16xf32>,
      }
      %scan3A_565 = arith.constant 100 : i32
      %add3A_566 = arith.constant 0 : i32
      %add3A_567 = arith.addi %add3A_553, %add3A_566 : i32
      %add3A_568 = arith.addi %mul3A_2, %add3A_567 : i32
      %mul3A_569 = arith.constant 200 : i32
      %mul3A_570 = arith.muli %add3A_568, %mul3A_569 : i32
      %dma_start3A_571 = arith.constant 0 : i32
      %dma_start3A_572 = tpu.memref_slice %arg5[%mul3A_570, %dma_start3A_571] : memref<819200x64xf32, #tpu.memory_space<hbm>> -> memref<200x64xf32, #tpu.memory_space<hbm>>
      %dma_start3A_573 = arith.constant 0 : i32
      %dma_start3A_574 = tpu.memref_slice %arg5[%mul3A_570, %dma_start3A_573] : memref<819200x64xf32, #tpu.memory_space<hbm>> -> memref<200x64xf32, #tpu.memory_space<hbm>>
      tpu.enqueue_dma source(%arg11 : memref<200x64xf32, #tpu.memory_space<vmem>>) target(%dma_start3A_574 : memref<200x64xf32, #tpu.memory_space<hbm>>) target_semaphore(%arg19 : memref<!tpu.dma_semaphore, #tpu.memory_space<semaphore_mem>>)
      %dma_wait3A_575 = arith.constant 0 : i32
      %dma_wait3A_576 = arith.constant 0 : i32
      %dma_wait3A_577 = tpu.memref_slice %arg5[%dma_wait3A_575, %dma_wait3A_576] : memref<819200x64xf32, #tpu.memory_space<hbm>> -> memref<200x64xf32, #tpu.memory_space<hbm>>
      %dma_wait3A_578 = arith.constant 0 : i32
      %dma_wait3A_579 = arith.constant 0 : i32
      %dma_wait3A_580 = tpu.memref_slice %arg5[%dma_wait3A_578, %dma_wait3A_579] : memref<819200x64xf32, #tpu.memory_space<hbm>> -> memref<200x64xf32, #tpu.memory_space<hbm>>
      tpu.wait_dma2 semaphore(%arg18 : memref<!tpu.dma_semaphore, #tpu.memory_space<semaphore_mem>>) src(%arg10 : memref<200x64xf32, #tpu.memory_space<vmem>>) dst(%dma_wait3A_580 : memref<200x64xf32, #tpu.memory_space<hbm>>)
      %add3A_581 = arith.constant 0 : i32
      %add3A_582 = arith.addi %add3A_553, %add3A_581 : i32
      %add3A_583 = arith.constant 3 : i32
      %add3A_584 = arith.addi %add3A_582, %add3A_583 : i32
      %dma_start3A_585 = arith.constant 0 : i32
      %dma_start3A_586 = arith.constant 0 : i32
      %dma_start3A_587 = tpu.memref_slice %arg10[%dma_start3A_585, %dma_start3A_586] : memref<200x64xf32, #tpu.memory_space<vmem>> -> memref<128x64xf32, #tpu.memory_space<vmem>>
      %dma_start3A_588 = arith.constant 0 : i32
      %dma_start3A_589 = tpu.memref_slice %arg9[%add3A_584, %dma_start3A_588] : memref<128x200xi32, #tpu.memory_space<vmem>> -> memref<1x128xi32, #tpu.memory_space<vmem>>
      %dma_start3A_590 = tpu.memref_squeeze %dma_start3A_589 : memref<1x128xi32, #tpu.memory_space<vmem>> -> memref<128xi32, #tpu.memory_space<vmem>>
      %dma_start3A_591 = arith.constant 0 : i32
      %dma_start3A_592 = arith.constant 0 : i32
      %dma_start3A_593 = tpu.memref_slice %arg3[%dma_start3A_591, %dma_start3A_592] : memref<33025x64xf32, #tpu.memory_space<hbm>> -> memref<33025x64xf32, #tpu.memory_space<hbm>>
      tpu.enqueue_indirect_dma source(%dma_start3A_593 : memref<33025x64xf32, #tpu.memory_space<hbm>>) target(%dma_start3A_587 : memref<128x64xf32, #tpu.memory_space<vmem>>) offsets(%dma_start3A_590 : memref<128xi32, #tpu.memory_space<vmem>>) semaphore(%arg14 : memref<!tpu.dma_semaphore, #tpu.memory_space<semaphore_mem>>)
      %dma_start3A_594 = arith.constant 128 : i32
      %dma_start3A_595 = arith.constant 0 : i32
      %dma_start3A_596 = tpu.memref_slice %arg10[%dma_start3A_594, %dma_start3A_595] : memref<200x64xf32, #tpu.memory_space<vmem>> -> memref<72x64xf32, #tpu.memory_space<vmem>>
      %dma_start3A_597 = arith.constant 128 : i32
      %dma_start3A_598 = tpu.memref_slice %arg9[%add3A_584, %dma_start3A_597] : memref<128x200xi32, #tpu.memory_space<vmem>> -> memref<1x72xi32, #tpu.memory_space<vmem>>
      %dma_start3A_599 = tpu.memref_squeeze %dma_start3A_598 : memref<1x72xi32, #tpu.memory_space<vmem>> -> memref<72xi32, #tpu.memory_space<vmem>>
      %dma_start3A_600 = arith.constant 0 : i32
      %dma_start3A_601 = arith.constant 0 : i32
      %dma_start3A_602 = tpu.memref_slice %arg3[%dma_start3A_600, %dma_start3A_601] : memref<33025x64xf32, #tpu.memory_space<hbm>> -> memref<33025x64xf32, #tpu.memory_space<hbm>>
      tpu.enqueue_indirect_dma source(%dma_start3A_602 : memref<33025x64xf32, #tpu.memory_space<hbm>>) target(%dma_start3A_596 : memref<72x64xf32, #tpu.memory_space<vmem>>) offsets(%dma_start3A_599 : memref<72xi32, #tpu.memory_space<vmem>>) semaphore(%arg14 : memref<!tpu.dma_semaphore, #tpu.memory_space<semaphore_mem>>)
      %dma_wait3A_603 = arith.constant 0 : i32
      %dma_wait3A_604 = arith.constant 0 : i32
      %dma_wait3A_605 = tpu.memref_slice %arg3[%dma_wait3A_603, %dma_wait3A_604] : memref<33025x64xf32, #tpu.memory_space<hbm>> -> memref<200x64xf32, #tpu.memory_space<hbm>>
      %dma_wait3A_606 = arith.constant 0 : i32
      %dma_wait3A_607 = arith.constant 0 : i32
      %dma_wait3A_608 = tpu.memref_slice %arg3[%dma_wait3A_606, %dma_wait3A_607] : memref<33025x64xf32, #tpu.memory_space<hbm>> -> memref<200x64xf32, #tpu.memory_space<hbm>>
      tpu.wait_dma2 semaphore(%arg16 : memref<!tpu.dma_semaphore, #tpu.memory_space<semaphore_mem>>) src(%dma_wait3A_608 : memref<200x64xf32, #tpu.memory_space<hbm>>) dst(%arg12 : memref<200x64xf32, #tpu.memory_space<vmem>>)
      %scan3A_609 = arith.constant 0 : i32
      %scan3A_610 = arith.constant 0 : i32
      %scan3A_611 = arith.constant 100 : i32
      %scan3A_612 = arith.addi %scan3A_610, %scan3A_611 : i32
      %scan3A_613 = arith.constant 1 : i32
      scf.for %scan3A_750 = %scan3A_610 to %scan3A_612 step %scan3A_613  : i32 {
        %mul3A_751 = arith.constant 2 : i32
        %mul3A_752 = arith.muli %mul3A_751, %scan3A_750 : i32
        %add3A_753 = arith.constant 0 : i32
        %add3A_754 = arith.addi %mul3A_752, %add3A_753 : i32
        %mul3A_755 = arith.constant 2 : i32
        %mul3A_756 = arith.muli %mul3A_755, %scan3A_750 : i32
        %add3A_757 = arith.constant 0 : i32
        %add3A_758 = arith.addi %mul3A_756, %add3A_757 : i32
        %get3A_759 = arith.index_cast %add3A_758 : i32 to index
        %get3A_760 = arith.constant 0 : index
        %get3A_761 = tpu.vector_load %arg8[%get3A_759, %get3A_760] {strides = array<i32>} : memref<200x64xf32, #tpu.memory_space<vmem>>, vector<16xf32>,
        %swap3A_762 = arith.index_cast %add3A_754 : i32 to index
        %swap3A_763 = arith.constant 0 : index
        %swap3A_764 = tpu.vector_load %arg12[%swap3A_762, %swap3A_763] {strides = array<i32>} : memref<200x64xf32, #tpu.memory_space<vmem>>, vector<16xf32>,
        tpu.vector_store %arg12[%swap3A_762, %swap3A_763], %get3A_761 {add = true, strides = array<i32>} : memref<200x64xf32, #tpu.memory_space<vmem>>, vector<16xf32>,
        %mul3A_765 = arith.constant 2 : i32
        %mul3A_766 = arith.muli %mul3A_765, %scan3A_750 : i32
        %add3A_767 = arith.constant 0 : i32
        %add3A_768 = arith.addi %mul3A_766, %add3A_767 : i32
        %mul3A_769 = arith.constant 2 : i32
        %mul3A_770 = arith.muli %mul3A_769, %scan3A_750 : i32
        %add3A_771 = arith.constant 0 : i32
        %add3A_772 = arith.addi %mul3A_770, %add3A_771 : i32
        %get3A_773 = arith.index_cast %add3A_772 : i32 to index
        %get3A_774 = arith.constant 16 : index
        %get3A_775 = tpu.vector_load %arg8[%get3A_773, %get3A_774] {strides = array<i32>} : memref<200x64xf32, #tpu.memory_space<vmem>>, vector<16xf32>,
        %swap3A_776 = arith.index_cast %add3A_768 : i32 to index
        %swap3A_777 = arith.constant 16 : index
        %swap3A_778 = tpu.vector_load %arg12[%swap3A_776, %swap3A_777] {strides = array<i32>} : memref<200x64xf32, #tpu.memory_space<vmem>>, vector<16xf32>,
        tpu.vector_store %arg12[%swap3A_776, %swap3A_777], %get3A_775 {add = true, strides = array<i32>} : memref<200x64xf32, #tpu.memory_space<vmem>>, vector<16xf32>,
        %mul3A_779 = arith.constant 2 : i32
        %mul3A_780 = arith.muli %mul3A_779, %scan3A_750 : i32
        %add3A_781 = arith.constant 0 : i32
        %add3A_782 = arith.addi %mul3A_780, %add3A_781 : i32
        %mul3A_783 = arith.constant 2 : i32
        %mul3A_784 = arith.muli %mul3A_783, %scan3A_750 : i32
        %add3A_785 = arith.constant 0 : i32
        %add3A_786 = arith.addi %mul3A_784, %add3A_785 : i32
        %get3A_787 = arith.index_cast %add3A_786 : i32 to index
        %get3A_788 = arith.constant 32 : index
        %get3A_789 = tpu.vector_load %arg8[%get3A_787, %get3A_788] {strides = array<i32>} : memref<200x64xf32, #tpu.memory_space<vmem>>, vector<16xf32>,
        %swap3A_790 = arith.index_cast %add3A_782 : i32 to index
        %swap3A_791 = arith.constant 32 : index
        %swap3A_792 = tpu.vector_load %arg12[%swap3A_790, %swap3A_791] {strides = array<i32>} : memref<200x64xf32, #tpu.memory_space<vmem>>, vector<16xf32>,
        tpu.vector_store %arg12[%swap3A_790, %swap3A_791], %get3A_789 {add = true, strides = array<i32>} : memref<200x64xf32, #tpu.memory_space<vmem>>, vector<16xf32>,
        %mul3A_793 = arith.constant 2 : i32
        %mul3A_794 = arith.muli %mul3A_793, %scan3A_750 : i32
        %add3A_795 = arith.constant 0 : i32
        %add3A_796 = arith.addi %mul3A_794, %add3A_795 : i32
        %mul3A_797 = arith.constant 2 : i32
        %mul3A_798 = arith.muli %mul3A_797, %scan3A_750 : i32
        %add3A_799 = arith.constant 0 : i32
        %add3A_800 = arith.addi %mul3A_798, %add3A_799 : i32
        %get3A_801 = arith.index_cast %add3A_800 : i32 to index
        %get3A_802 = arith.constant 48 : index
        %get3A_803 = tpu.vector_load %arg8[%get3A_801, %get3A_802] {strides = array<i32>} : memref<200x64xf32, #tpu.memory_space<vmem>>, vector<16xf32>,
        %swap3A_804 = arith.index_cast %add3A_796 : i32 to index
        %swap3A_805 = arith.constant 48 : index
        %swap3A_806 = tpu.vector_load %arg12[%swap3A_804, %swap3A_805] {strides = array<i32>} : memref<200x64xf32, #tpu.memory_space<vmem>>, vector<16xf32>,
        tpu.vector_store %arg12[%swap3A_804, %swap3A_805], %get3A_803 {add = true, strides = array<i32>} : memref<200x64xf32, #tpu.memory_space<vmem>>, vector<16xf32>,
        %mul3A_807 = arith.constant 2 : i32
        %mul3A_808 = arith.muli %mul3A_807, %scan3A_750 : i32
        %add3A_809 = arith.constant 1 : i32
        %add3A_810 = arith.addi %mul3A_808, %add3A_809 : i32
        %mul3A_811 = arith.constant 2 : i32
        %mul3A_812 = arith.muli %mul3A_811, %scan3A_750 : i32
        %add3A_813 = arith.constant 1 : i32
        %add3A_814 = arith.addi %mul3A_812, %add3A_813 : i32
        %get3A_815 = arith.index_cast %add3A_814 : i32 to index
        %get3A_816 = arith.constant 0 : index
        %get3A_817 = tpu.vector_load %arg8[%get3A_815, %get3A_816] {strides = array<i32>} : memref<200x64xf32, #tpu.memory_space<vmem>>, vector<16xf32>,
        %swap3A_818 = arith.index_cast %add3A_810 : i32 to index
        %swap3A_819 = arith.constant 0 : index
        %swap3A_820 = tpu.vector_load %arg12[%swap3A_818, %swap3A_819] {strides = array<i32>} : memref<200x64xf32, #tpu.memory_space<vmem>>, vector<16xf32>,
        tpu.vector_store %arg12[%swap3A_818, %swap3A_819], %get3A_817 {add = true, strides = array<i32>} : memref<200x64xf32, #tpu.memory_space<vmem>>, vector<16xf32>,
        %mul3A_821 = arith.constant 2 : i32
        %mul3A_822 = arith.muli %mul3A_821, %scan3A_750 : i32
        %add3A_823 = arith.constant 1 : i32
        %add3A_824 = arith.addi %mul3A_822, %add3A_823 : i32
        %mul3A_825 = arith.constant 2 : i32
        %mul3A_826 = arith.muli %mul3A_825, %scan3A_750 : i32
        %add3A_827 = arith.constant 1 : i32
        %add3A_828 = arith.addi %mul3A_826, %add3A_827 : i32
        %get3A_829 = arith.index_cast %add3A_828 : i32 to index
        %get3A_830 = arith.constant 16 : index
        %get3A_831 = tpu.vector_load %arg8[%get3A_829, %get3A_830] {strides = array<i32>} : memref<200x64xf32, #tpu.memory_space<vmem>>, vector<16xf32>,
        %swap3A_832 = arith.index_cast %add3A_824 : i32 to index
        %swap3A_833 = arith.constant 16 : index
        %swap3A_834 = tpu.vector_load %arg12[%swap3A_832, %swap3A_833] {strides = array<i32>} : memref<200x64xf32, #tpu.memory_space<vmem>>, vector<16xf32>,
        tpu.vector_store %arg12[%swap3A_832, %swap3A_833], %get3A_831 {add = true, strides = array<i32>} : memref<200x64xf32, #tpu.memory_space<vmem>>, vector<16xf32>,
        %mul3A_835 = arith.constant 2 : i32
        %mul3A_836 = arith.muli %mul3A_835, %scan3A_750 : i32
        %add3A_837 = arith.constant 1 : i32
        %add3A_838 = arith.addi %mul3A_836, %add3A_837 : i32
        %mul3A_839 = arith.constant 2 : i32
        %mul3A_840 = arith.muli %mul3A_839, %scan3A_750 : i32
        %add3A_841 = arith.constant 1 : i32
        %add3A_842 = arith.addi %mul3A_840, %add3A_841 : i32
        %get3A_843 = arith.index_cast %add3A_842 : i32 to index
        %get3A_844 = arith.constant 32 : index
        %get3A_845 = tpu.vector_load %arg8[%get3A_843, %get3A_844] {strides = array<i32>} : memref<200x64xf32, #tpu.memory_space<vmem>>, vector<16xf32>,
        %swap3A_846 = arith.index_cast %add3A_838 : i32 to index
        %swap3A_847 = arith.constant 32 : index
        %swap3A_848 = tpu.vector_load %arg12[%swap3A_846, %swap3A_847] {strides = array<i32>} : memref<200x64xf32, #tpu.memory_space<vmem>>, vector<16xf32>,
        tpu.vector_store %arg12[%swap3A_846, %swap3A_847], %get3A_845 {add = true, strides = array<i32>} : memref<200x64xf32, #tpu.memory_space<vmem>>, vector<16xf32>,
        %mul3A_849 = arith.constant 2 : i32
        %mul3A_850 = arith.muli %mul3A_849, %scan3A_750 : i32
        %add3A_851 = arith.constant 1 : i32
        %add3A_852 = arith.addi %mul3A_850, %add3A_851 : i32
        %mul3A_853 = arith.constant 2 : i32
        %mul3A_854 = arith.muli %mul3A_853, %scan3A_750 : i32
        %add3A_855 = arith.constant 1 : i32
        %add3A_856 = arith.addi %mul3A_854, %add3A_855 : i32
        %get3A_857 = arith.index_cast %add3A_856 : i32 to index
        %get3A_858 = arith.constant 48 : index
        %get3A_859 = tpu.vector_load %arg8[%get3A_857, %get3A_858] {strides = array<i32>} : memref<200x64xf32, #tpu.memory_space<vmem>>, vector<16xf32>,
        %swap3A_860 = arith.index_cast %add3A_852 : i32 to index
        %swap3A_861 = arith.constant 48 : index
        %swap3A_862 = tpu.vector_load %arg12[%swap3A_860, %swap3A_861] {strides = array<i32>} : memref<200x64xf32, #tpu.memory_space<vmem>>, vector<16xf32>,
        tpu.vector_store %arg12[%swap3A_860, %swap3A_861], %get3A_859 {add = true, strides = array<i32>} : memref<200x64xf32, #tpu.memory_space<vmem>>, vector<16xf32>,
      }
      %scan3A_614 = arith.constant 100 : i32
      %add3A_615 = arith.constant 1 : i32
      %add3A_616 = arith.addi %add3A_553, %add3A_615 : i32
      %add3A_617 = arith.addi %mul3A_2, %add3A_616 : i32
      %mul3A_618 = arith.constant 200 : i32
      %mul3A_619 = arith.muli %add3A_617, %mul3A_618 : i32
      %dma_start3A_620 = arith.constant 0 : i32
      %dma_start3A_621 = tpu.memref_slice %arg5[%mul3A_619, %dma_start3A_620] : memref<819200x64xf32, #tpu.memory_space<hbm>> -> memref<200x64xf32, #tpu.memory_space<hbm>>
      %dma_start3A_622 = arith.constant 0 : i32
      %dma_start3A_623 = tpu.memref_slice %arg5[%mul3A_619, %dma_start3A_622] : memref<819200x64xf32, #tpu.memory_space<hbm>> -> memref<200x64xf32, #tpu.memory_space<hbm>>
      tpu.enqueue_dma source(%arg12 : memref<200x64xf32, #tpu.memory_space<vmem>>) target(%dma_start3A_623 : memref<200x64xf32, #tpu.memory_space<hbm>>) target_semaphore(%arg20 : memref<!tpu.dma_semaphore, #tpu.memory_space<semaphore_mem>>)
      %dma_wait3A_624 = arith.constant 0 : i32
      %dma_wait3A_625 = arith.constant 0 : i32
      %dma_wait3A_626 = tpu.memref_slice %arg5[%dma_wait3A_624, %dma_wait3A_625] : memref<819200x64xf32, #tpu.memory_space<hbm>> -> memref<200x64xf32, #tpu.memory_space<hbm>>
      %dma_wait3A_627 = arith.constant 0 : i32
      %dma_wait3A_628 = arith.constant 0 : i32
      %dma_wait3A_629 = tpu.memref_slice %arg5[%dma_wait3A_627, %dma_wait3A_628] : memref<819200x64xf32, #tpu.memory_space<hbm>> -> memref<200x64xf32, #tpu.memory_space<hbm>>
      tpu.wait_dma2 semaphore(%arg19 : memref<!tpu.dma_semaphore, #tpu.memory_space<semaphore_mem>>) src(%arg11 : memref<200x64xf32, #tpu.memory_space<vmem>>) dst(%dma_wait3A_629 : memref<200x64xf32, #tpu.memory_space<hbm>>)
      %add3A_630 = arith.constant 1 : i32
      %add3A_631 = arith.addi %add3A_553, %add3A_630 : i32
      %add3A_632 = arith.constant 3 : i32
      %add3A_633 = arith.addi %add3A_631, %add3A_632 : i32
      %dma_start3A_634 = arith.constant 0 : i32
      %dma_start3A_635 = arith.constant 0 : i32
      %dma_start3A_636 = tpu.memref_slice %arg11[%dma_start3A_634, %dma_start3A_635] : memref<200x64xf32, #tpu.memory_space<vmem>> -> memref<128x64xf32, #tpu.memory_space<vmem>>
      %dma_start3A_637 = arith.constant 0 : i32
      %dma_start3A_638 = tpu.memref_slice %arg9[%add3A_633, %dma_start3A_637] : memref<128x200xi32, #tpu.memory_space<vmem>> -> memref<1x128xi32, #tpu.memory_space<vmem>>
      %dma_start3A_639 = tpu.memref_squeeze %dma_start3A_638 : memref<1x128xi32, #tpu.memory_space<vmem>> -> memref<128xi32, #tpu.memory_space<vmem>>
      %dma_start3A_640 = arith.constant 0 : i32
      %dma_start3A_641 = arith.constant 0 : i32
      %dma_start3A_642 = tpu.memref_slice %arg3[%dma_start3A_640, %dma_start3A_641] : memref<33025x64xf32, #tpu.memory_space<hbm>> -> memref<33025x64xf32, #tpu.memory_space<hbm>>
      tpu.enqueue_indirect_dma source(%dma_start3A_642 : memref<33025x64xf32, #tpu.memory_space<hbm>>) target(%dma_start3A_636 : memref<128x64xf32, #tpu.memory_space<vmem>>) offsets(%dma_start3A_639 : memref<128xi32, #tpu.memory_space<vmem>>) semaphore(%arg15 : memref<!tpu.dma_semaphore, #tpu.memory_space<semaphore_mem>>)
      %dma_start3A_643 = arith.constant 128 : i32
      %dma_start3A_644 = arith.constant 0 : i32
      %dma_start3A_645 = tpu.memref_slice %arg11[%dma_start3A_643, %dma_start3A_644] : memref<200x64xf32, #tpu.memory_space<vmem>> -> memref<72x64xf32, #tpu.memory_space<vmem>>
      %dma_start3A_646 = arith.constant 128 : i32
      %dma_start3A_647 = tpu.memref_slice %arg9[%add3A_633, %dma_start3A_646] : memref<128x200xi32, #tpu.memory_space<vmem>> -> memref<1x72xi32, #tpu.memory_space<vmem>>
      %dma_start3A_648 = tpu.memref_squeeze %dma_start3A_647 : memref<1x72xi32, #tpu.memory_space<vmem>> -> memref<72xi32, #tpu.memory_space<vmem>>
      %dma_start3A_649 = arith.constant 0 : i32
      %dma_start3A_650 = arith.constant 0 : i32
      %dma_start3A_651 = tpu.memref_slice %arg3[%dma_start3A_649, %dma_start3A_650] : memref<33025x64xf32, #tpu.memory_space<hbm>> -> memref<33025x64xf32, #tpu.memory_space<hbm>>
      tpu.enqueue_indirect_dma source(%dma_start3A_651 : memref<33025x64xf32, #tpu.memory_space<hbm>>) target(%dma_start3A_645 : memref<72x64xf32, #tpu.memory_space<vmem>>) offsets(%dma_start3A_648 : memref<72xi32, #tpu.memory_space<vmem>>) semaphore(%arg15 : memref<!tpu.dma_semaphore, #tpu.memory_space<semaphore_mem>>)
      %dma_wait3A_652 = arith.constant 0 : i32
      %dma_wait3A_653 = arith.constant 0 : i32
      %dma_wait3A_654 = tpu.memref_slice %arg3[%dma_wait3A_652, %dma_wait3A_653] : memref<33025x64xf32, #tpu.memory_space<hbm>> -> memref<200x64xf32, #tpu.memory_space<hbm>>
      %dma_wait3A_655 = arith.constant 0 : i32
      %dma_wait3A_656 = arith.constant 0 : i32
      %dma_wait3A_657 = tpu.memref_slice %arg3[%dma_wait3A_655, %dma_wait3A_656] : memref<33025x64xf32, #tpu.memory_space<hbm>> -> memref<200x64xf32, #tpu.memory_space<hbm>>
      tpu.wait_dma2 semaphore(%arg17 : memref<!tpu.dma_semaphore, #tpu.memory_space<semaphore_mem>>) src(%dma_wait3A_657 : memref<200x64xf32, #tpu.memory_space<hbm>>) dst(%arg13 : memref<200x64xf32, #tpu.memory_space<vmem>>)
      %scan3A_658 = arith.constant 0 : i32
      %scan3A_659 = arith.constant 0 : i32
      %scan3A_660 = arith.constant 100 : i32
      %scan3A_661 = arith.addi %scan3A_659, %scan3A_660 : i32
      %scan3A_662 = arith.constant 1 : i32
      scf.for %scan3A_750 = %scan3A_659 to %scan3A_661 step %scan3A_662  : i32 {
        %mul3A_751 = arith.constant 2 : i32
        %mul3A_752 = arith.muli %mul3A_751, %scan3A_750 : i32
        %add3A_753 = arith.constant 0 : i32
        %add3A_754 = arith.addi %mul3A_752, %add3A_753 : i32
        %mul3A_755 = arith.constant 2 : i32
        %mul3A_756 = arith.muli %mul3A_755, %scan3A_750 : i32
        %add3A_757 = arith.constant 0 : i32
        %add3A_758 = arith.addi %mul3A_756, %add3A_757 : i32
        %get3A_759 = arith.index_cast %add3A_758 : i32 to index
        %get3A_760 = arith.constant 0 : index
        %get3A_761 = tpu.vector_load %arg8[%get3A_759, %get3A_760] {strides = array<i32>} : memref<200x64xf32, #tpu.memory_space<vmem>>, vector<16xf32>,
        %swap3A_762 = arith.index_cast %add3A_754 : i32 to index
        %swap3A_763 = arith.constant 0 : index
        %swap3A_764 = tpu.vector_load %arg13[%swap3A_762, %swap3A_763] {strides = array<i32>} : memref<200x64xf32, #tpu.memory_space<vmem>>, vector<16xf32>,
        tpu.vector_store %arg13[%swap3A_762, %swap3A_763], %get3A_761 {add = true, strides = array<i32>} : memref<200x64xf32, #tpu.memory_space<vmem>>, vector<16xf32>,
        %mul3A_765 = arith.constant 2 : i32
        %mul3A_766 = arith.muli %mul3A_765, %scan3A_750 : i32
        %add3A_767 = arith.constant 0 : i32
        %add3A_768 = arith.addi %mul3A_766, %add3A_767 : i32
        %mul3A_769 = arith.constant 2 : i32
        %mul3A_770 = arith.muli %mul3A_769, %scan3A_750 : i32
        %add3A_771 = arith.constant 0 : i32
        %add3A_772 = arith.addi %mul3A_770, %add3A_771 : i32
        %get3A_773 = arith.index_cast %add3A_772 : i32 to index
        %get3A_774 = arith.constant 16 : index
        %get3A_775 = tpu.vector_load %arg8[%get3A_773, %get3A_774] {strides = array<i32>} : memref<200x64xf32, #tpu.memory_space<vmem>>, vector<16xf32>,
        %swap3A_776 = arith.index_cast %add3A_768 : i32 to index
        %swap3A_777 = arith.constant 16 : index
        %swap3A_778 = tpu.vector_load %arg13[%swap3A_776, %swap3A_777] {strides = array<i32>} : memref<200x64xf32, #tpu.memory_space<vmem>>, vector<16xf32>,
        tpu.vector_store %arg13[%swap3A_776, %swap3A_777], %get3A_775 {add = true, strides = array<i32>} : memref<200x64xf32, #tpu.memory_space<vmem>>, vector<16xf32>,
        %mul3A_779 = arith.constant 2 : i32
        %mul3A_780 = arith.muli %mul3A_779, %scan3A_750 : i32
        %add3A_781 = arith.constant 0 : i32
        %add3A_782 = arith.addi %mul3A_780, %add3A_781 : i32
        %mul3A_783 = arith.constant 2 : i32
        %mul3A_784 = arith.muli %mul3A_783, %scan3A_750 : i32
        %add3A_785 = arith.constant 0 : i32
        %add3A_786 = arith.addi %mul3A_784, %add3A_785 : i32
        %get3A_787 = arith.index_cast %add3A_786 : i32 to index
        %get3A_788 = arith.constant 32 : index
        %get3A_789 = tpu.vector_load %arg8[%get3A_787, %get3A_788] {strides = array<i32>} : memref<200x64xf32, #tpu.memory_space<vmem>>, vector<16xf32>,
        %swap3A_790 = arith.index_cast %add3A_782 : i32 to index
        %swap3A_791 = arith.constant 32 : index
        %swap3A_792 = tpu.vector_load %arg13[%swap3A_790, %swap3A_791] {strides = array<i32>} : memref<200x64xf32, #tpu.memory_space<vmem>>, vector<16xf32>,
        tpu.vector_store %arg13[%swap3A_790, %swap3A_791], %get3A_789 {add = true, strides = array<i32>} : memref<200x64xf32, #tpu.memory_space<vmem>>, vector<16xf32>,
        %mul3A_793 = arith.constant 2 : i32
        %mul3A_794 = arith.muli %mul3A_793, %scan3A_750 : i32
        %add3A_795 = arith.constant 0 : i32
        %add3A_796 = arith.addi %mul3A_794, %add3A_795 : i32
        %mul3A_797 = arith.constant 2 : i32
        %mul3A_798 = arith.muli %mul3A_797, %scan3A_750 : i32
        %add3A_799 = arith.constant 0 : i32
        %add3A_800 = arith.addi %mul3A_798, %add3A_799 : i32
        %get3A_801 = arith.index_cast %add3A_800 : i32 to index
        %get3A_802 = arith.constant 48 : index
        %get3A_803 = tpu.vector_load %arg8[%get3A_801, %get3A_802] {strides = array<i32>} : memref<200x64xf32, #tpu.memory_space<vmem>>, vector<16xf32>,
        %swap3A_804 = arith.index_cast %add3A_796 : i32 to index
        %swap3A_805 = arith.constant 48 : index
        %swap3A_806 = tpu.vector_load %arg13[%swap3A_804, %swap3A_805] {strides = array<i32>} : memref<200x64xf32, #tpu.memory_space<vmem>>, vector<16xf32>,
        tpu.vector_store %arg13[%swap3A_804, %swap3A_805], %get3A_803 {add = true, strides = array<i32>} : memref<200x64xf32, #tpu.memory_space<vmem>>, vector<16xf32>,
        %mul3A_807 = arith.constant 2 : i32
        %mul3A_808 = arith.muli %mul3A_807, %scan3A_750 : i32
        %add3A_809 = arith.constant 1 : i32
        %add3A_810 = arith.addi %mul3A_808, %add3A_809 : i32
        %mul3A_811 = arith.constant 2 : i32
        %mul3A_812 = arith.muli %mul3A_811, %scan3A_750 : i32
        %add3A_813 = arith.constant 1 : i32
        %add3A_814 = arith.addi %mul3A_812, %add3A_813 : i32
        %get3A_815 = arith.index_cast %add3A_814 : i32 to index
        %get3A_816 = arith.constant 0 : index
        %get3A_817 = tpu.vector_load %arg8[%get3A_815, %get3A_816] {strides = array<i32>} : memref<200x64xf32, #tpu.memory_space<vmem>>, vector<16xf32>,
        %swap3A_818 = arith.index_cast %add3A_810 : i32 to index
        %swap3A_819 = arith.constant 0 : index
        %swap3A_820 = tpu.vector_load %arg13[%swap3A_818, %swap3A_819] {strides = array<i32>} : memref<200x64xf32, #tpu.memory_space<vmem>>, vector<16xf32>,
        tpu.vector_store %arg13[%swap3A_818, %swap3A_819], %get3A_817 {add = true, strides = array<i32>} : memref<200x64xf32, #tpu.memory_space<vmem>>, vector<16xf32>,
        %mul3A_821 = arith.constant 2 : i32
        %mul3A_822 = arith.muli %mul3A_821, %scan3A_750 : i32
        %add3A_823 = arith.constant 1 : i32
        %add3A_824 = arith.addi %mul3A_822, %add3A_823 : i32
        %mul3A_825 = arith.constant 2 : i32
        %mul3A_826 = arith.muli %mul3A_825, %scan3A_750 : i32
        %add3A_827 = arith.constant 1 : i32
        %add3A_828 = arith.addi %mul3A_826, %add3A_827 : i32
        %get3A_829 = arith.index_cast %add3A_828 : i32 to index
        %get3A_830 = arith.constant 16 : index
        %get3A_831 = tpu.vector_load %arg8[%get3A_829, %get3A_830] {strides = array<i32>} : memref<200x64xf32, #tpu.memory_space<vmem>>, vector<16xf32>,
        %swap3A_832 = arith.index_cast %add3A_824 : i32 to index
        %swap3A_833 = arith.constant 16 : index
        %swap3A_834 = tpu.vector_load %arg13[%swap3A_832, %swap3A_833] {strides = array<i32>} : memref<200x64xf32, #tpu.memory_space<vmem>>, vector<16xf32>,
        tpu.vector_store %arg13[%swap3A_832, %swap3A_833], %get3A_831 {add = true, strides = array<i32>} : memref<200x64xf32, #tpu.memory_space<vmem>>, vector<16xf32>,
        %mul3A_835 = arith.constant 2 : i32
        %mul3A_836 = arith.muli %mul3A_835, %scan3A_750 : i32
        %add3A_837 = arith.constant 1 : i32
        %add3A_838 = arith.addi %mul3A_836, %add3A_837 : i32
        %mul3A_839 = arith.constant 2 : i32
        %mul3A_840 = arith.muli %mul3A_839, %scan3A_750 : i32
        %add3A_841 = arith.constant 1 : i32
        %add3A_842 = arith.addi %mul3A_840, %add3A_841 : i32
        %get3A_843 = arith.index_cast %add3A_842 : i32 to index
        %get3A_844 = arith.constant 32 : index
        %get3A_845 = tpu.vector_load %arg8[%get3A_843, %get3A_844] {strides = array<i32>} : memref<200x64xf32, #tpu.memory_space<vmem>>, vector<16xf32>,
        %swap3A_846 = arith.index_cast %add3A_838 : i32 to index
        %swap3A_847 = arith.constant 32 : index
        %swap3A_848 = tpu.vector_load %arg13[%swap3A_846, %swap3A_847] {strides = array<i32>} : memref<200x64xf32, #tpu.memory_space<vmem>>, vector<16xf32>,
        tpu.vector_store %arg13[%swap3A_846, %swap3A_847], %get3A_845 {add = true, strides = array<i32>} : memref<200x64xf32, #tpu.memory_space<vmem>>, vector<16xf32>,
        %mul3A_849 = arith.constant 2 : i32
        %mul3A_850 = arith.muli %mul3A_849, %scan3A_750 : i32
        %add3A_851 = arith.constant 1 : i32
        %add3A_852 = arith.addi %mul3A_850, %add3A_851 : i32
        %mul3A_853 = arith.constant 2 : i32
        %mul3A_854 = arith.muli %mul3A_853, %scan3A_750 : i32
        %add3A_855 = arith.constant 1 : i32
        %add3A_856 = arith.addi %mul3A_854, %add3A_855 : i32
        %get3A_857 = arith.index_cast %add3A_856 : i32 to index
        %get3A_858 = arith.constant 48 : index
        %get3A_859 = tpu.vector_load %arg8[%get3A_857, %get3A_858] {strides = array<i32>} : memref<200x64xf32, #tpu.memory_space<vmem>>, vector<16xf32>,
        %swap3A_860 = arith.index_cast %add3A_852 : i32 to index
        %swap3A_861 = arith.constant 48 : index
        %swap3A_862 = tpu.vector_load %arg13[%swap3A_860, %swap3A_861] {strides = array<i32>} : memref<200x64xf32, #tpu.memory_space<vmem>>, vector<16xf32>,
        tpu.vector_store %arg13[%swap3A_860, %swap3A_861], %get3A_859 {add = true, strides = array<i32>} : memref<200x64xf32, #tpu.memory_space<vmem>>, vector<16xf32>,
      }
      %scan3A_663 = arith.constant 100 : i32
      %add3A_664 = arith.constant 2 : i32
      %add3A_665 = arith.addi %add3A_553, %add3A_664 : i32
      %add3A_666 = arith.addi %mul3A_2, %add3A_665 : i32
      %mul3A_667 = arith.constant 200 : i32
      %mul3A_668 = arith.muli %add3A_666, %mul3A_667 : i32
      %dma_start3A_669 = arith.constant 0 : i32
      %dma_start3A_670 = tpu.memref_slice %arg5[%mul3A_668, %dma_start3A_669] : memref<819200x64xf32, #tpu.memory_space<hbm>> -> memref<200x64xf32, #tpu.memory_space<hbm>>
      %dma_start3A_671 = arith.constant 0 : i32
      %dma_start3A_672 = tpu.memref_slice %arg5[%mul3A_668, %dma_start3A_671] : memref<819200x64xf32, #tpu.memory_space<hbm>> -> memref<200x64xf32, #tpu.memory_space<hbm>>
      tpu.enqueue_dma source(%arg13 : memref<200x64xf32, #tpu.memory_space<vmem>>) target(%dma_start3A_672 : memref<200x64xf32, #tpu.memory_space<hbm>>) target_semaphore(%arg21 : memref<!tpu.dma_semaphore, #tpu.memory_space<semaphore_mem>>)
      %dma_wait3A_673 = arith.constant 0 : i32
      %dma_wait3A_674 = arith.constant 0 : i32
      %dma_wait3A_675 = tpu.memref_slice %arg5[%dma_wait3A_673, %dma_wait3A_674] : memref<819200x64xf32, #tpu.memory_space<hbm>> -> memref<200x64xf32, #tpu.memory_space<hbm>>
      %dma_wait3A_676 = arith.constant 0 : i32
      %dma_wait3A_677 = arith.constant 0 : i32
      %dma_wait3A_678 = tpu.memref_slice %arg5[%dma_wait3A_676, %dma_wait3A_677] : memref<819200x64xf32, #tpu.memory_space<hbm>> -> memref<200x64xf32, #tpu.memory_space<hbm>>
      tpu.wait_dma2 semaphore(%arg20 : memref<!tpu.dma_semaphore, #tpu.memory_space<semaphore_mem>>) src(%arg12 : memref<200x64xf32, #tpu.memory_space<vmem>>) dst(%dma_wait3A_678 : memref<200x64xf32, #tpu.memory_space<hbm>>)
      %add3A_679 = arith.constant 2 : i32
      %add3A_680 = arith.addi %add3A_553, %add3A_679 : i32
      %add3A_681 = arith.constant 3 : i32
      %add3A_682 = arith.addi %add3A_680, %add3A_681 : i32
      %dma_start3A_683 = arith.constant 0 : i32
      %dma_start3A_684 = arith.constant 0 : i32
      %dma_start3A_685 = tpu.memref_slice %arg12[%dma_start3A_683, %dma_start3A_684] : memref<200x64xf32, #tpu.memory_space<vmem>> -> memref<128x64xf32, #tpu.memory_space<vmem>>
      %dma_start3A_686 = arith.constant 0 : i32
      %dma_start3A_687 = tpu.memref_slice %arg9[%add3A_682, %dma_start3A_686] : memref<128x200xi32, #tpu.memory_space<vmem>> -> memref<1x128xi32, #tpu.memory_space<vmem>>
      %dma_start3A_688 = tpu.memref_squeeze %dma_start3A_687 : memref<1x128xi32, #tpu.memory_space<vmem>> -> memref<128xi32, #tpu.memory_space<vmem>>
      %dma_start3A_689 = arith.constant 0 : i32
      %dma_start3A_690 = arith.constant 0 : i32
      %dma_start3A_691 = tpu.memref_slice %arg3[%dma_start3A_689, %dma_start3A_690] : memref<33025x64xf32, #tpu.memory_space<hbm>> -> memref<33025x64xf32, #tpu.memory_space<hbm>>
      tpu.enqueue_indirect_dma source(%dma_start3A_691 : memref<33025x64xf32, #tpu.memory_space<hbm>>) target(%dma_start3A_685 : memref<128x64xf32, #tpu.memory_space<vmem>>) offsets(%dma_start3A_688 : memref<128xi32, #tpu.memory_space<vmem>>) semaphore(%arg16 : memref<!tpu.dma_semaphore, #tpu.memory_space<semaphore_mem>>)
      %dma_start3A_692 = arith.constant 128 : i32
      %dma_start3A_693 = arith.constant 0 : i32
      %dma_start3A_694 = tpu.memref_slice %arg12[%dma_start3A_692, %dma_start3A_693] : memref<200x64xf32, #tpu.memory_space<vmem>> -> memref<72x64xf32, #tpu.memory_space<vmem>>
      %dma_start3A_695 = arith.constant 128 : i32
      %dma_start3A_696 = tpu.memref_slice %arg9[%add3A_682, %dma_start3A_695] : memref<128x200xi32, #tpu.memory_space<vmem>> -> memref<1x72xi32, #tpu.memory_space<vmem>>
      %dma_start3A_697 = tpu.memref_squeeze %dma_start3A_696 : memref<1x72xi32, #tpu.memory_space<vmem>> -> memref<72xi32, #tpu.memory_space<vmem>>
      %dma_start3A_698 = arith.constant 0 : i32
      %dma_start3A_699 = arith.constant 0 : i32
      %dma_start3A_700 = tpu.memref_slice %arg3[%dma_start3A_698, %dma_start3A_699] : memref<33025x64xf32, #tpu.memory_space<hbm>> -> memref<33025x64xf32, #tpu.memory_space<hbm>>
      tpu.enqueue_indirect_dma source(%dma_start3A_700 : memref<33025x64xf32, #tpu.memory_space<hbm>>) target(%dma_start3A_694 : memref<72x64xf32, #tpu.memory_space<vmem>>) offsets(%dma_start3A_697 : memref<72xi32, #tpu.memory_space<vmem>>) semaphore(%arg16 : memref<!tpu.dma_semaphore, #tpu.memory_space<semaphore_mem>>)
      %dma_wait3A_701 = arith.constant 0 : i32
      %dma_wait3A_702 = arith.constant 0 : i32
      %dma_wait3A_703 = tpu.memref_slice %arg3[%dma_wait3A_701, %dma_wait3A_702] : memref<33025x64xf32, #tpu.memory_space<hbm>> -> memref<200x64xf32, #tpu.memory_space<hbm>>
      %dma_wait3A_704 = arith.constant 0 : i32
      %dma_wait3A_705 = arith.constant 0 : i32
      %dma_wait3A_706 = tpu.memref_slice %arg3[%dma_wait3A_704, %dma_wait3A_705] : memref<33025x64xf32, #tpu.memory_space<hbm>> -> memref<200x64xf32, #tpu.memory_space<hbm>>
      tpu.wait_dma2 semaphore(%arg14 : memref<!tpu.dma_semaphore, #tpu.memory_space<semaphore_mem>>) src(%dma_wait3A_706 : memref<200x64xf32, #tpu.memory_space<hbm>>) dst(%arg10 : memref<200x64xf32, #tpu.memory_space<vmem>>)
      %scan3A_707 = arith.constant 0 : i32
      %scan3A_708 = arith.constant 0 : i32
      %scan3A_709 = arith.constant 100 : i32
      %scan3A_710 = arith.addi %scan3A_708, %scan3A_709 : i32
      %scan3A_711 = arith.constant 1 : i32
      scf.for %scan3A_750 = %scan3A_708 to %scan3A_710 step %scan3A_711  : i32 {
        %mul3A_751 = arith.constant 2 : i32
        %mul3A_752 = arith.muli %mul3A_751, %scan3A_750 : i32
        %add3A_753 = arith.constant 0 : i32
        %add3A_754 = arith.addi %mul3A_752, %add3A_753 : i32
        %mul3A_755 = arith.constant 2 : i32
        %mul3A_756 = arith.muli %mul3A_755, %scan3A_750 : i32
        %add3A_757 = arith.constant 0 : i32
        %add3A_758 = arith.addi %mul3A_756, %add3A_757 : i32
        %get3A_759 = arith.index_cast %add3A_758 : i32 to index
        %get3A_760 = arith.constant 0 : index
        %get3A_761 = tpu.vector_load %arg8[%get3A_759, %get3A_760] {strides = array<i32>} : memref<200x64xf32, #tpu.memory_space<vmem>>, vector<16xf32>,
        %swap3A_762 = arith.index_cast %add3A_754 : i32 to index
        %swap3A_763 = arith.constant 0 : index
        %swap3A_764 = tpu.vector_load %arg10[%swap3A_762, %swap3A_763] {strides = array<i32>} : memref<200x64xf32, #tpu.memory_space<vmem>>, vector<16xf32>,
        tpu.vector_store %arg10[%swap3A_762, %swap3A_763], %get3A_761 {add = true, strides = array<i32>} : memref<200x64xf32, #tpu.memory_space<vmem>>, vector<16xf32>,
        %mul3A_765 = arith.constant 2 : i32
        %mul3A_766 = arith.muli %mul3A_765, %scan3A_750 : i32
        %add3A_767 = arith.constant 0 : i32
        %add3A_768 = arith.addi %mul3A_766, %add3A_767 : i32
        %mul3A_769 = arith.constant 2 : i32
        %mul3A_770 = arith.muli %mul3A_769, %scan3A_750 : i32
        %add3A_771 = arith.constant 0 : i32
        %add3A_772 = arith.addi %mul3A_770, %add3A_771 : i32
        %get3A_773 = arith.index_cast %add3A_772 : i32 to index
        %get3A_774 = arith.constant 16 : index
        %get3A_775 = tpu.vector_load %arg8[%get3A_773, %get3A_774] {strides = array<i32>} : memref<200x64xf32, #tpu.memory_space<vmem>>, vector<16xf32>,
        %swap3A_776 = arith.index_cast %add3A_768 : i32 to index
        %swap3A_777 = arith.constant 16 : index
        %swap3A_778 = tpu.vector_load %arg10[%swap3A_776, %swap3A_777] {strides = array<i32>} : memref<200x64xf32, #tpu.memory_space<vmem>>, vector<16xf32>,
        tpu.vector_store %arg10[%swap3A_776, %swap3A_777], %get3A_775 {add = true, strides = array<i32>} : memref<200x64xf32, #tpu.memory_space<vmem>>, vector<16xf32>,
        %mul3A_779 = arith.constant 2 : i32
        %mul3A_780 = arith.muli %mul3A_779, %scan3A_750 : i32
        %add3A_781 = arith.constant 0 : i32
        %add3A_782 = arith.addi %mul3A_780, %add3A_781 : i32
        %mul3A_783 = arith.constant 2 : i32
        %mul3A_784 = arith.muli %mul3A_783, %scan3A_750 : i32
        %add3A_785 = arith.constant 0 : i32
        %add3A_786 = arith.addi %mul3A_784, %add3A_785 : i32
        %get3A_787 = arith.index_cast %add3A_786 : i32 to index
        %get3A_788 = arith.constant 32 : index
        %get3A_789 = tpu.vector_load %arg8[%get3A_787, %get3A_788] {strides = array<i32>} : memref<200x64xf32, #tpu.memory_space<vmem>>, vector<16xf32>,
        %swap3A_790 = arith.index_cast %add3A_782 : i32 to index
        %swap3A_791 = arith.constant 32 : index
        %swap3A_792 = tpu.vector_load %arg10[%swap3A_790, %swap3A_791] {strides = array<i32>} : memref<200x64xf32, #tpu.memory_space<vmem>>, vector<16xf32>,
        tpu.vector_store %arg10[%swap3A_790, %swap3A_791], %get3A_789 {add = true, strides = array<i32>} : memref<200x64xf32, #tpu.memory_space<vmem>>, vector<16xf32>,
        %mul3A_793 = arith.constant 2 : i32
        %mul3A_794 = arith.muli %mul3A_793, %scan3A_750 : i32
        %add3A_795 = arith.constant 0 : i32
        %add3A_796 = arith.addi %mul3A_794, %add3A_795 : i32
        %mul3A_797 = arith.constant 2 : i32
        %mul3A_798 = arith.muli %mul3A_797, %scan3A_750 : i32
        %add3A_799 = arith.constant 0 : i32
        %add3A_800 = arith.addi %mul3A_798, %add3A_799 : i32
        %get3A_801 = arith.index_cast %add3A_800 : i32 to index
        %get3A_802 = arith.constant 48 : index
        %get3A_803 = tpu.vector_load %arg8[%get3A_801, %get3A_802] {strides = array<i32>} : memref<200x64xf32, #tpu.memory_space<vmem>>, vector<16xf32>,
        %swap3A_804 = arith.index_cast %add3A_796 : i32 to index
        %swap3A_805 = arith.constant 48 : index
        %swap3A_806 = tpu.vector_load %arg10[%swap3A_804, %swap3A_805] {strides = array<i32>} : memref<200x64xf32, #tpu.memory_space<vmem>>, vector<16xf32>,
        tpu.vector_store %arg10[%swap3A_804, %swap3A_805], %get3A_803 {add = true, strides = array<i32>} : memref<200x64xf32, #tpu.memory_space<vmem>>, vector<16xf32>,
        %mul3A_807 = arith.constant 2 : i32
        %mul3A_808 = arith.muli %mul3A_807, %scan3A_750 : i32
        %add3A_809 = arith.constant 1 : i32
        %add3A_810 = arith.addi %mul3A_808, %add3A_809 : i32
        %mul3A_811 = arith.constant 2 : i32
        %mul3A_812 = arith.muli %mul3A_811, %scan3A_750 : i32
        %add3A_813 = arith.constant 1 : i32
        %add3A_814 = arith.addi %mul3A_812, %add3A_813 : i32
        %get3A_815 = arith.index_cast %add3A_814 : i32 to index
        %get3A_816 = arith.constant 0 : index
        %get3A_817 = tpu.vector_load %arg8[%get3A_815, %get3A_816] {strides = array<i32>} : memref<200x64xf32, #tpu.memory_space<vmem>>, vector<16xf32>,
        %swap3A_818 = arith.index_cast %add3A_810 : i32 to index
        %swap3A_819 = arith.constant 0 : index
        %swap3A_820 = tpu.vector_load %arg10[%swap3A_818, %swap3A_819] {strides = array<i32>} : memref<200x64xf32, #tpu.memory_space<vmem>>, vector<16xf32>,
        tpu.vector_store %arg10[%swap3A_818, %swap3A_819], %get3A_817 {add = true, strides = array<i32>} : memref<200x64xf32, #tpu.memory_space<vmem>>, vector<16xf32>,
        %mul3A_821 = arith.constant 2 : i32
        %mul3A_822 = arith.muli %mul3A_821, %scan3A_750 : i32
        %add3A_823 = arith.constant 1 : i32
        %add3A_824 = arith.addi %mul3A_822, %add3A_823 : i32
        %mul3A_825 = arith.constant 2 : i32
        %mul3A_826 = arith.muli %mul3A_825, %scan3A_750 : i32
        %add3A_827 = arith.constant 1 : i32
        %add3A_828 = arith.addi %mul3A_826, %add3A_827 : i32
        %get3A_829 = arith.index_cast %add3A_828 : i32 to index
        %get3A_830 = arith.constant 16 : index
        %get3A_831 = tpu.vector_load %arg8[%get3A_829, %get3A_830] {strides = array<i32>} : memref<200x64xf32, #tpu.memory_space<vmem>>, vector<16xf32>,
        %swap3A_832 = arith.index_cast %add3A_824 : i32 to index
        %swap3A_833 = arith.constant 16 : index
        %swap3A_834 = tpu.vector_load %arg10[%swap3A_832, %swap3A_833] {strides = array<i32>} : memref<200x64xf32, #tpu.memory_space<vmem>>, vector<16xf32>,
        tpu.vector_store %arg10[%swap3A_832, %swap3A_833], %get3A_831 {add = true, strides = array<i32>} : memref<200x64xf32, #tpu.memory_space<vmem>>, vector<16xf32>,
        %mul3A_835 = arith.constant 2 : i32
        %mul3A_836 = arith.muli %mul3A_835, %scan3A_750 : i32
        %add3A_837 = arith.constant 1 : i32
        %add3A_838 = arith.addi %mul3A_836, %add3A_837 : i32
        %mul3A_839 = arith.constant 2 : i32
        %mul3A_840 = arith.muli %mul3A_839, %scan3A_750 : i32
        %add3A_841 = arith.constant 1 : i32
        %add3A_842 = arith.addi %mul3A_840, %add3A_841 : i32
        %get3A_843 = arith.index_cast %add3A_842 : i32 to index
        %get3A_844 = arith.constant 32 : index
        %get3A_845 = tpu.vector_load %arg8[%get3A_843, %get3A_844] {strides = array<i32>} : memref<200x64xf32, #tpu.memory_space<vmem>>, vector<16xf32>,
        %swap3A_846 = arith.index_cast %add3A_838 : i32 to index
        %swap3A_847 = arith.constant 32 : index
        %swap3A_848 = tpu.vector_load %arg10[%swap3A_846, %swap3A_847] {strides = array<i32>} : memref<200x64xf32, #tpu.memory_space<vmem>>, vector<16xf32>,
        tpu.vector_store %arg10[%swap3A_846, %swap3A_847], %get3A_845 {add = true, strides = array<i32>} : memref<200x64xf32, #tpu.memory_space<vmem>>, vector<16xf32>,
        %mul3A_849 = arith.constant 2 : i32
        %mul3A_850 = arith.muli %mul3A_849, %scan3A_750 : i32
        %add3A_851 = arith.constant 1 : i32
        %add3A_852 = arith.addi %mul3A_850, %add3A_851 : i32
        %mul3A_853 = arith.constant 2 : i32
        %mul3A_854 = arith.muli %mul3A_853, %scan3A_750 : i32
        %add3A_855 = arith.constant 1 : i32
        %add3A_856 = arith.addi %mul3A_854, %add3A_855 : i32
        %get3A_857 = arith.index_cast %add3A_856 : i32 to index
        %get3A_858 = arith.constant 48 : index
        %get3A_859 = tpu.vector_load %arg8[%get3A_857, %get3A_858] {strides = array<i32>} : memref<200x64xf32, #tpu.memory_space<vmem>>, vector<16xf32>,
        %swap3A_860 = arith.index_cast %add3A_852 : i32 to index
        %swap3A_861 = arith.constant 48 : index
        %swap3A_862 = tpu.vector_load %arg10[%swap3A_860, %swap3A_861] {strides = array<i32>} : memref<200x64xf32, #tpu.memory_space<vmem>>, vector<16xf32>,
        tpu.vector_store %arg10[%swap3A_860, %swap3A_861], %get3A_859 {add = true, strides = array<i32>} : memref<200x64xf32, #tpu.memory_space<vmem>>, vector<16xf32>,
      }
      %scan3A_712 = arith.constant 100 : i32
      %add3A_713 = arith.constant 3 : i32
      %add3A_714 = arith.addi %add3A_553, %add3A_713 : i32
      %add3A_715 = arith.addi %mul3A_2, %add3A_714 : i32
      %mul3A_716 = arith.constant 200 : i32
      %mul3A_717 = arith.muli %add3A_715, %mul3A_716 : i32
      %dma_start3A_718 = arith.constant 0 : i32
      %dma_start3A_719 = tpu.memref_slice %arg5[%mul3A_717, %dma_start3A_718] : memref<819200x64xf32, #tpu.memory_space<hbm>> -> memref<200x64xf32, #tpu.memory_space<hbm>>
      %dma_start3A_720 = arith.constant 0 : i32
      %dma_start3A_721 = tpu.memref_slice %arg5[%mul3A_717, %dma_start3A_720] : memref<819200x64xf32, #tpu.memory_space<hbm>> -> memref<200x64xf32, #tpu.memory_space<hbm>>
      tpu.enqueue_dma source(%arg10 : memref<200x64xf32, #tpu.memory_space<vmem>>) target(%dma_start3A_721 : memref<200x64xf32, #tpu.memory_space<hbm>>) target_semaphore(%arg18 : memref<!tpu.dma_semaphore, #tpu.memory_space<semaphore_mem>>)
      %dma_wait3A_722 = arith.constant 0 : i32
      %dma_wait3A_723 = arith.constant 0 : i32
      %dma_wait3A_724 = tpu.memref_slice %arg5[%dma_wait3A_722, %dma_wait3A_723] : memref<819200x64xf32, #tpu.memory_space<hbm>> -> memref<200x64xf32, #tpu.memory_space<hbm>>
      %dma_wait3A_725 = arith.constant 0 : i32
      %dma_wait3A_726 = arith.constant 0 : i32
      %dma_wait3A_727 = tpu.memref_slice %arg5[%dma_wait3A_725, %dma_wait3A_726] : memref<819200x64xf32, #tpu.memory_space<hbm>> -> memref<200x64xf32, #tpu.memory_space<hbm>>
      tpu.wait_dma2 semaphore(%arg21 : memref<!tpu.dma_semaphore, #tpu.memory_space<semaphore_mem>>) src(%arg13 : memref<200x64xf32, #tpu.memory_space<vmem>>) dst(%dma_wait3A_727 : memref<200x64xf32, #tpu.memory_space<hbm>>)
      %add3A_728 = arith.constant 3 : i32
      %add3A_729 = arith.addi %add3A_553, %add3A_728 : i32
      %add3A_730 = arith.constant 3 : i32
      %add3A_731 = arith.addi %add3A_729, %add3A_730 : i32
      %dma_start3A_732 = arith.constant 0 : i32
      %dma_start3A_733 = arith.constant 0 : i32
      %dma_start3A_734 = tpu.memref_slice %arg13[%dma_start3A_732, %dma_start3A_733] : memref<200x64xf32, #tpu.memory_space<vmem>> -> memref<128x64xf32, #tpu.memory_space<vmem>>
      %dma_start3A_735 = arith.constant 0 : i32
      %dma_start3A_736 = tpu.memref_slice %arg9[%add3A_731, %dma_start3A_735] : memref<128x200xi32, #tpu.memory_space<vmem>> -> memref<1x128xi32, #tpu.memory_space<vmem>>
      %dma_start3A_737 = tpu.memref_squeeze %dma_start3A_736 : memref<1x128xi32, #tpu.memory_space<vmem>> -> memref<128xi32, #tpu.memory_space<vmem>>
      %dma_start3A_738 = arith.constant 0 : i32
      %dma_start3A_739 = arith.constant 0 : i32
      %dma_start3A_740 = tpu.memref_slice %arg3[%dma_start3A_738, %dma_start3A_739] : memref<33025x64xf32, #tpu.memory_space<hbm>> -> memref<33025x64xf32, #tpu.memory_space<hbm>>
      tpu.enqueue_indirect_dma source(%dma_start3A_740 : memref<33025x64xf32, #tpu.memory_space<hbm>>) target(%dma_start3A_734 : memref<128x64xf32, #tpu.memory_space<vmem>>) offsets(%dma_start3A_737 : memref<128xi32, #tpu.memory_space<vmem>>) semaphore(%arg17 : memref<!tpu.dma_semaphore, #tpu.memory_space<semaphore_mem>>)
      %dma_start3A_741 = arith.constant 128 : i32
      %dma_start3A_742 = arith.constant 0 : i32
      %dma_start3A_743 = tpu.memref_slice %arg13[%dma_start3A_741, %dma_start3A_742] : memref<200x64xf32, #tpu.memory_space<vmem>> -> memref<72x64xf32, #tpu.memory_space<vmem>>
      %dma_start3A_744 = arith.constant 128 : i32
      %dma_start3A_745 = tpu.memref_slice %arg9[%add3A_731, %dma_start3A_744] : memref<128x200xi32, #tpu.memory_space<vmem>> -> memref<1x72xi32, #tpu.memory_space<vmem>>
      %dma_start3A_746 = tpu.memref_squeeze %dma_start3A_745 : memref<1x72xi32, #tpu.memory_space<vmem>> -> memref<72xi32, #tpu.memory_space<vmem>>
      %dma_start3A_747 = arith.constant 0 : i32
      %dma_start3A_748 = arith.constant 0 : i32
      %dma_start3A_749 = tpu.memref_slice %arg3[%dma_start3A_747, %dma_start3A_748] : memref<33025x64xf32, #tpu.memory_space<hbm>> -> memref<33025x64xf32, #tpu.memory_space<hbm>>
      tpu.enqueue_indirect_dma source(%dma_start3A_749 : memref<33025x64xf32, #tpu.memory_space<hbm>>) target(%dma_start3A_743 : memref<72x64xf32, #tpu.memory_space<vmem>>) offsets(%dma_start3A_746 : memref<72xi32, #tpu.memory_space<vmem>>) semaphore(%arg17 : memref<!tpu.dma_semaphore, #tpu.memory_space<semaphore_mem>>)
    }
    %scan3A_464 = arith.constant 31 : i32
    %dma_wait3A_465 = arith.constant 0 : i32
    %dma_wait3A_466 = arith.constant 0 : i32
    %dma_wait3A_467 = tpu.memref_slice %arg3[%dma_wait3A_465, %dma_wait3A_466] : memref<33025x64xf32, #tpu.memory_space<hbm>> -> memref<200x64xf32, #tpu.memory_space<hbm>>
    %dma_wait3A_468 = arith.constant 0 : i32
    %dma_wait3A_469 = arith.constant 0 : i32
    %dma_wait3A_470 = tpu.memref_slice %arg3[%dma_wait3A_468, %dma_wait3A_469] : memref<33025x64xf32, #tpu.memory_space<hbm>> -> memref<200x64xf32, #tpu.memory_space<hbm>>
    tpu.wait_dma2 semaphore(%arg15 : memref<!tpu.dma_semaphore, #tpu.memory_space<semaphore_mem>>) src(%dma_wait3A_470 : memref<200x64xf32, #tpu.memory_space<hbm>>) dst(%arg11 : memref<200x64xf32, #tpu.memory_space<vmem>>)
    %scan3A_471 = arith.constant 0 : i32
    %scan3A_472 = arith.constant 0 : i32
    %scan3A_473 = arith.constant 100 : i32
    %scan3A_474 = arith.addi %scan3A_472, %scan3A_473 : i32
    %scan3A_475 = arith.constant 1 : i32
    scf.for %scan3A_549 = %scan3A_472 to %scan3A_474 step %scan3A_475  : i32 {
      %mul3A_550 = arith.constant 2 : i32
      %mul3A_551 = arith.muli %mul3A_550, %scan3A_549 : i32
      %add3A_552 = arith.constant 0 : i32
      %add3A_553 = arith.addi %mul3A_551, %add3A_552 : i32
      %mul3A_554 = arith.constant 2 : i32
      %mul3A_555 = arith.muli %mul3A_554, %scan3A_549 : i32
      %add3A_556 = arith.constant 0 : i32
      %add3A_557 = arith.addi %mul3A_555, %add3A_556 : i32
      %get3A_558 = arith.index_cast %add3A_557 : i32 to index
      %get3A_559 = arith.constant 0 : index
      %get3A_560 = tpu.vector_load %arg8[%get3A_558, %get3A_559] {strides = array<i32>} : memref<200x64xf32, #tpu.memory_space<vmem>>, vector<16xf32>,
      %swap3A_561 = arith.index_cast %add3A_553 : i32 to index
      %swap3A_562 = arith.constant 0 : index
      %swap3A_563 = tpu.vector_load %arg11[%swap3A_561, %swap3A_562] {strides = array<i32>} : memref<200x64xf32, #tpu.memory_space<vmem>>, vector<16xf32>,
      tpu.vector_store %arg11[%swap3A_561, %swap3A_562], %get3A_560 {add = true, strides = array<i32>} : memref<200x64xf32, #tpu.memory_space<vmem>>, vector<16xf32>,
      %mul3A_564 = arith.constant 2 : i32
      %mul3A_565 = arith.muli %mul3A_564, %scan3A_549 : i32
      %add3A_566 = arith.constant 0 : i32
      %add3A_567 = arith.addi %mul3A_565, %add3A_566 : i32
      %mul3A_568 = arith.constant 2 : i32
      %mul3A_569 = arith.muli %mul3A_568, %scan3A_549 : i32
      %add3A_570 = arith.constant 0 : i32
      %add3A_571 = arith.addi %mul3A_569, %add3A_570 : i32
      %get3A_572 = arith.index_cast %add3A_571 : i32 to index
      %get3A_573 = arith.constant 16 : index
      %get3A_574 = tpu.vector_load %arg8[%get3A_572, %get3A_573] {strides = array<i32>} : memref<200x64xf32, #tpu.memory_space<vmem>>, vector<16xf32>,
      %swap3A_575 = arith.index_cast %add3A_567 : i32 to index
      %swap3A_576 = arith.constant 16 : index
      %swap3A_577 = tpu.vector_load %arg11[%swap3A_575, %swap3A_576] {strides = array<i32>} : memref<200x64xf32, #tpu.memory_space<vmem>>, vector<16xf32>,
      tpu.vector_store %arg11[%swap3A_575, %swap3A_576], %get3A_574 {add = true, strides = array<i32>} : memref<200x64xf32, #tpu.memory_space<vmem>>, vector<16xf32>,
      %mul3A_578 = arith.constant 2 : i32
      %mul3A_579 = arith.muli %mul3A_578, %scan3A_549 : i32
      %add3A_580 = arith.constant 0 : i32
      %add3A_581 = arith.addi %mul3A_579, %add3A_580 : i32
      %mul3A_582 = arith.constant 2 : i32
      %mul3A_583 = arith.muli %mul3A_582, %scan3A_549 : i32
      %add3A_584 = arith.constant 0 : i32
      %add3A_585 = arith.addi %mul3A_583, %add3A_584 : i32
      %get3A_586 = arith.index_cast %add3A_585 : i32 to index
      %get3A_587 = arith.constant 32 : index
      %get3A_588 = tpu.vector_load %arg8[%get3A_586, %get3A_587] {strides = array<i32>} : memref<200x64xf32, #tpu.memory_space<vmem>>, vector<16xf32>,
      %swap3A_589 = arith.index_cast %add3A_581 : i32 to index
      %swap3A_590 = arith.constant 32 : index
      %swap3A_591 = tpu.vector_load %arg11[%swap3A_589, %swap3A_590] {strides = array<i32>} : memref<200x64xf32, #tpu.memory_space<vmem>>, vector<16xf32>,
      tpu.vector_store %arg11[%swap3A_589, %swap3A_590], %get3A_588 {add = true, strides = array<i32>} : memref<200x64xf32, #tpu.memory_space<vmem>>, vector<16xf32>,
      %mul3A_592 = arith.constant 2 : i32
      %mul3A_593 = arith.muli %mul3A_592, %scan3A_549 : i32
      %add3A_594 = arith.constant 0 : i32
      %add3A_595 = arith.addi %mul3A_593, %add3A_594 : i32
      %mul3A_596 = arith.constant 2 : i32
      %mul3A_597 = arith.muli %mul3A_596, %scan3A_549 : i32
      %add3A_598 = arith.constant 0 : i32
      %add3A_599 = arith.addi %mul3A_597, %add3A_598 : i32
      %get3A_600 = arith.index_cast %add3A_599 : i32 to index
      %get3A_601 = arith.constant 48 : index
      %get3A_602 = tpu.vector_load %arg8[%get3A_600, %get3A_601] {strides = array<i32>} : memref<200x64xf32, #tpu.memory_space<vmem>>, vector<16xf32>,
      %swap3A_603 = arith.index_cast %add3A_595 : i32 to index
      %swap3A_604 = arith.constant 48 : index
      %swap3A_605 = tpu.vector_load %arg11[%swap3A_603, %swap3A_604] {strides = array<i32>} : memref<200x64xf32, #tpu.memory_space<vmem>>, vector<16xf32>,
      tpu.vector_store %arg11[%swap3A_603, %swap3A_604], %get3A_602 {add = true, strides = array<i32>} : memref<200x64xf32, #tpu.memory_space<vmem>>, vector<16xf32>,
      %mul3A_606 = arith.constant 2 : i32
      %mul3A_607 = arith.muli %mul3A_606, %scan3A_549 : i32
      %add3A_608 = arith.constant 1 : i32
      %add3A_609 = arith.addi %mul3A_607, %add3A_608 : i32
      %mul3A_610 = arith.constant 2 : i32
      %mul3A_611 = arith.muli %mul3A_610, %scan3A_549 : i32
      %add3A_612 = arith.constant 1 : i32
      %add3A_613 = arith.addi %mul3A_611, %add3A_612 : i32
      %get3A_614 = arith.index_cast %add3A_613 : i32 to index
      %get3A_615 = arith.constant 0 : index
      %get3A_616 = tpu.vector_load %arg8[%get3A_614, %get3A_615] {strides = array<i32>} : memref<200x64xf32, #tpu.memory_space<vmem>>, vector<16xf32>,
      %swap3A_617 = arith.index_cast %add3A_609 : i32 to index
      %swap3A_618 = arith.constant 0 : index
      %swap3A_619 = tpu.vector_load %arg11[%swap3A_617, %swap3A_618] {strides = array<i32>} : memref<200x64xf32, #tpu.memory_space<vmem>>, vector<16xf32>,
      tpu.vector_store %arg11[%swap3A_617, %swap3A_618], %get3A_616 {add = true, strides = array<i32>} : memref<200x64xf32, #tpu.memory_space<vmem>>, vector<16xf32>,
      %mul3A_620 = arith.constant 2 : i32
      %mul3A_621 = arith.muli %mul3A_620, %scan3A_549 : i32
      %add3A_622 = arith.constant 1 : i32
      %add3A_623 = arith.addi %mul3A_621, %add3A_622 : i32
      %mul3A_624 = arith.constant 2 : i32
      %mul3A_625 = arith.muli %mul3A_624, %scan3A_549 : i32
      %add3A_626 = arith.constant 1 : i32
      %add3A_627 = arith.addi %mul3A_625, %add3A_626 : i32
      %get3A_628 = arith.index_cast %add3A_627 : i32 to index
      %get3A_629 = arith.constant 16 : index
      %get3A_630 = tpu.vector_load %arg8[%get3A_628, %get3A_629] {strides = array<i32>} : memref<200x64xf32, #tpu.memory_space<vmem>>, vector<16xf32>,
      %swap3A_631 = arith.index_cast %add3A_623 : i32 to index
      %swap3A_632 = arith.constant 16 : index
      %swap3A_633 = tpu.vector_load %arg11[%swap3A_631, %swap3A_632] {strides = array<i32>} : memref<200x64xf32, #tpu.memory_space<vmem>>, vector<16xf32>,
      tpu.vector_store %arg11[%swap3A_631, %swap3A_632], %get3A_630 {add = true, strides = array<i32>} : memref<200x64xf32, #tpu.memory_space<vmem>>, vector<16xf32>,
      %mul3A_634 = arith.constant 2 : i32
      %mul3A_635 = arith.muli %mul3A_634, %scan3A_549 : i32
      %add3A_636 = arith.constant 1 : i32
      %add3A_637 = arith.addi %mul3A_635, %add3A_636 : i32
      %mul3A_638 = arith.constant 2 : i32
      %mul3A_639 = arith.muli %mul3A_638, %scan3A_549 : i32
      %add3A_640 = arith.constant 1 : i32
      %add3A_641 = arith.addi %mul3A_639, %add3A_640 : i32
      %get3A_642 = arith.index_cast %add3A_641 : i32 to index
      %get3A_643 = arith.constant 32 : index
      %get3A_644 = tpu.vector_load %arg8[%get3A_642, %get3A_643] {strides = array<i32>} : memref<200x64xf32, #tpu.memory_space<vmem>>, vector<16xf32>,
      %swap3A_645 = arith.index_cast %add3A_637 : i32 to index
      %swap3A_646 = arith.constant 32 : index
      %swap3A_647 = tpu.vector_load %arg11[%swap3A_645, %swap3A_646] {strides = array<i32>} : memref<200x64xf32, #tpu.memory_space<vmem>>, vector<16xf32>,
      tpu.vector_store %arg11[%swap3A_645, %swap3A_646], %get3A_644 {add = true, strides = array<i32>} : memref<200x64xf32, #tpu.memory_space<vmem>>, vector<16xf32>,
      %mul3A_648 = arith.constant 2 : i32
      %mul3A_649 = arith.muli %mul3A_648, %scan3A_549 : i32
      %add3A_650 = arith.constant 1 : i32
      %add3A_651 = arith.addi %mul3A_649, %add3A_650 : i32
      %mul3A_652 = arith.constant 2 : i32
      %mul3A_653 = arith.muli %mul3A_652, %scan3A_549 : i32
      %add3A_654 = arith.constant 1 : i32
      %add3A_655 = arith.addi %mul3A_653, %add3A_654 : i32
      %get3A_656 = arith.index_cast %add3A_655 : i32 to index
      %get3A_657 = arith.constant 48 : index
      %get3A_658 = tpu.vector_load %arg8[%get3A_656, %get3A_657] {strides = array<i32>} : memref<200x64xf32, #tpu.memory_space<vmem>>, vector<16xf32>,
      %swap3A_659 = arith.index_cast %add3A_651 : i32 to index
      %swap3A_660 = arith.constant 48 : index
      %swap3A_661 = tpu.vector_load %arg11[%swap3A_659, %swap3A_660] {strides = array<i32>} : memref<200x64xf32, #tpu.memory_space<vmem>>, vector<16xf32>,
      tpu.vector_store %arg11[%swap3A_659, %swap3A_660], %get3A_658 {add = true, strides = array<i32>} : memref<200x64xf32, #tpu.memory_space<vmem>>, vector<16xf32>,
    }
    %scan3A_476 = arith.constant 100 : i32
    %add3A_477 = arith.constant 125 : i32
    %add3A_478 = arith.addi %mul3A_2, %add3A_477 : i32
    %mul3A_479 = arith.constant 200 : i32
    %mul3A_480 = arith.muli %add3A_478, %mul3A_479 : i32
    %dma_start3A_481 = arith.constant 0 : i32
    %dma_start3A_482 = tpu.memref_slice %arg5[%mul3A_480, %dma_start3A_481] : memref<819200x64xf32, #tpu.memory_space<hbm>> -> memref<200x64xf32, #tpu.memory_space<hbm>>
    %dma_start3A_483 = arith.constant 0 : i32
    %dma_start3A_484 = tpu.memref_slice %arg5[%mul3A_480, %dma_start3A_483] : memref<819200x64xf32, #tpu.memory_space<hbm>> -> memref<200x64xf32, #tpu.memory_space<hbm>>
    tpu.enqueue_dma source(%arg11 : memref<200x64xf32, #tpu.memory_space<vmem>>) target(%dma_start3A_484 : memref<200x64xf32, #tpu.memory_space<hbm>>) target_semaphore(%arg19 : memref<!tpu.dma_semaphore, #tpu.memory_space<semaphore_mem>>)
    %dma_wait3A_485 = arith.constant 0 : i32
    %dma_wait3A_486 = arith.constant 0 : i32
    %dma_wait3A_487 = tpu.memref_slice %arg3[%dma_wait3A_485, %dma_wait3A_486] : memref<33025x64xf32, #tpu.memory_space<hbm>> -> memref<200x64xf32, #tpu.memory_space<hbm>>
    %dma_wait3A_488 = arith.constant 0 : i32
    %dma_wait3A_489 = arith.constant 0 : i32
    %dma_wait3A_490 = tpu.memref_slice %arg3[%dma_wait3A_488, %dma_wait3A_489] : memref<33025x64xf32, #tpu.memory_space<hbm>> -> memref<200x64xf32, #tpu.memory_space<hbm>>
    tpu.wait_dma2 semaphore(%arg16 : memref<!tpu.dma_semaphore, #tpu.memory_space<semaphore_mem>>) src(%dma_wait3A_490 : memref<200x64xf32, #tpu.memory_space<hbm>>) dst(%arg12 : memref<200x64xf32, #tpu.memory_space<vmem>>)
    %scan3A_491 = arith.constant 0 : i32
    %scan3A_492 = arith.constant 0 : i32
    %scan3A_493 = arith.constant 100 : i32
    %scan3A_494 = arith.addi %scan3A_492, %scan3A_493 : i32
    %scan3A_495 = arith.constant 1 : i32
    scf.for %scan3A_549 = %scan3A_492 to %scan3A_494 step %scan3A_495  : i32 {
      %mul3A_550 = arith.constant 2 : i32
      %mul3A_551 = arith.muli %mul3A_550, %scan3A_549 : i32
      %add3A_552 = arith.constant 0 : i32
      %add3A_553 = arith.addi %mul3A_551, %add3A_552 : i32
      %mul3A_554 = arith.constant 2 : i32
      %mul3A_555 = arith.muli %mul3A_554, %scan3A_549 : i32
      %add3A_556 = arith.constant 0 : i32
      %add3A_557 = arith.addi %mul3A_555, %add3A_556 : i32
      %get3A_558 = arith.index_cast %add3A_557 : i32 to index
      %get3A_559 = arith.constant 0 : index
      %get3A_560 = tpu.vector_load %arg8[%get3A_558, %get3A_559] {strides = array<i32>} : memref<200x64xf32, #tpu.memory_space<vmem>>, vector<16xf32>,
      %swap3A_561 = arith.index_cast %add3A_553 : i32 to index
      %swap3A_562 = arith.constant 0 : index
      %swap3A_563 = tpu.vector_load %arg12[%swap3A_561, %swap3A_562] {strides = array<i32>} : memref<200x64xf32, #tpu.memory_space<vmem>>, vector<16xf32>,
      tpu.vector_store %arg12[%swap3A_561, %swap3A_562], %get3A_560 {add = true, strides = array<i32>} : memref<200x64xf32, #tpu.memory_space<vmem>>, vector<16xf32>,
      %mul3A_564 = arith.constant 2 : i32
      %mul3A_565 = arith.muli %mul3A_564, %scan3A_549 : i32
      %add3A_566 = arith.constant 0 : i32
      %add3A_567 = arith.addi %mul3A_565, %add3A_566 : i32
      %mul3A_568 = arith.constant 2 : i32
      %mul3A_569 = arith.muli %mul3A_568, %scan3A_549 : i32
      %add3A_570 = arith.constant 0 : i32
      %add3A_571 = arith.addi %mul3A_569, %add3A_570 : i32
      %get3A_572 = arith.index_cast %add3A_571 : i32 to index
      %get3A_573 = arith.constant 16 : index
      %get3A_574 = tpu.vector_load %arg8[%get3A_572, %get3A_573] {strides = array<i32>} : memref<200x64xf32, #tpu.memory_space<vmem>>, vector<16xf32>,
      %swap3A_575 = arith.index_cast %add3A_567 : i32 to index
      %swap3A_576 = arith.constant 16 : index
      %swap3A_577 = tpu.vector_load %arg12[%swap3A_575, %swap3A_576] {strides = array<i32>} : memref<200x64xf32, #tpu.memory_space<vmem>>, vector<16xf32>,
      tpu.vector_store %arg12[%swap3A_575, %swap3A_576], %get3A_574 {add = true, strides = array<i32>} : memref<200x64xf32, #tpu.memory_space<vmem>>, vector<16xf32>,
      %mul3A_578 = arith.constant 2 : i32
      %mul3A_579 = arith.muli %mul3A_578, %scan3A_549 : i32
      %add3A_580 = arith.constant 0 : i32
      %add3A_581 = arith.addi %mul3A_579, %add3A_580 : i32
      %mul3A_582 = arith.constant 2 : i32
      %mul3A_583 = arith.muli %mul3A_582, %scan3A_549 : i32
      %add3A_584 = arith.constant 0 : i32
      %add3A_585 = arith.addi %mul3A_583, %add3A_584 : i32
      %get3A_586 = arith.index_cast %add3A_585 : i32 to index
      %get3A_587 = arith.constant 32 : index
      %get3A_588 = tpu.vector_load %arg8[%get3A_586, %get3A_587] {strides = array<i32>} : memref<200x64xf32, #tpu.memory_space<vmem>>, vector<16xf32>,
      %swap3A_589 = arith.index_cast %add3A_581 : i32 to index
      %swap3A_590 = arith.constant 32 : index
      %swap3A_591 = tpu.vector_load %arg12[%swap3A_589, %swap3A_590] {strides = array<i32>} : memref<200x64xf32, #tpu.memory_space<vmem>>, vector<16xf32>,
      tpu.vector_store %arg12[%swap3A_589, %swap3A_590], %get3A_588 {add = true, strides = array<i32>} : memref<200x64xf32, #tpu.memory_space<vmem>>, vector<16xf32>,
      %mul3A_592 = arith.constant 2 : i32
      %mul3A_593 = arith.muli %mul3A_592, %scan3A_549 : i32
      %add3A_594 = arith.constant 0 : i32
      %add3A_595 = arith.addi %mul3A_593, %add3A_594 : i32
      %mul3A_596 = arith.constant 2 : i32
      %mul3A_597 = arith.muli %mul3A_596, %scan3A_549 : i32
      %add3A_598 = arith.constant 0 : i32
      %add3A_599 = arith.addi %mul3A_597, %add3A_598 : i32
      %get3A_600 = arith.index_cast %add3A_599 : i32 to index
      %get3A_601 = arith.constant 48 : index
      %get3A_602 = tpu.vector_load %arg8[%get3A_600, %get3A_601] {strides = array<i32>} : memref<200x64xf32, #tpu.memory_space<vmem>>, vector<16xf32>,
      %swap3A_603 = arith.index_cast %add3A_595 : i32 to index
      %swap3A_604 = arith.constant 48 : index
      %swap3A_605 = tpu.vector_load %arg12[%swap3A_603, %swap3A_604] {strides = array<i32>} : memref<200x64xf32, #tpu.memory_space<vmem>>, vector<16xf32>,
      tpu.vector_store %arg12[%swap3A_603, %swap3A_604], %get3A_602 {add = true, strides = array<i32>} : memref<200x64xf32, #tpu.memory_space<vmem>>, vector<16xf32>,
      %mul3A_606 = arith.constant 2 : i32
      %mul3A_607 = arith.muli %mul3A_606, %scan3A_549 : i32
      %add3A_608 = arith.constant 1 : i32
      %add3A_609 = arith.addi %mul3A_607, %add3A_608 : i32
      %mul3A_610 = arith.constant 2 : i32
      %mul3A_611 = arith.muli %mul3A_610, %scan3A_549 : i32
      %add3A_612 = arith.constant 1 : i32
      %add3A_613 = arith.addi %mul3A_611, %add3A_612 : i32
      %get3A_614 = arith.index_cast %add3A_613 : i32 to index
      %get3A_615 = arith.constant 0 : index
      %get3A_616 = tpu.vector_load %arg8[%get3A_614, %get3A_615] {strides = array<i32>} : memref<200x64xf32, #tpu.memory_space<vmem>>, vector<16xf32>,
      %swap3A_617 = arith.index_cast %add3A_609 : i32 to index
      %swap3A_618 = arith.constant 0 : index
      %swap3A_619 = tpu.vector_load %arg12[%swap3A_617, %swap3A_618] {strides = array<i32>} : memref<200x64xf32, #tpu.memory_space<vmem>>, vector<16xf32>,
      tpu.vector_store %arg12[%swap3A_617, %swap3A_618], %get3A_616 {add = true, strides = array<i32>} : memref<200x64xf32, #tpu.memory_space<vmem>>, vector<16xf32>,
      %mul3A_620 = arith.constant 2 : i32
      %mul3A_621 = arith.muli %mul3A_620, %scan3A_549 : i32
      %add3A_622 = arith.constant 1 : i32
      %add3A_623 = arith.addi %mul3A_621, %add3A_622 : i32
      %mul3A_624 = arith.constant 2 : i32
      %mul3A_625 = arith.muli %mul3A_624, %scan3A_549 : i32
      %add3A_626 = arith.constant 1 : i32
      %add3A_627 = arith.addi %mul3A_625, %add3A_626 : i32
      %get3A_628 = arith.index_cast %add3A_627 : i32 to index
      %get3A_629 = arith.constant 16 : index
      %get3A_630 = tpu.vector_load %arg8[%get3A_628, %get3A_629] {strides = array<i32>} : memref<200x64xf32, #tpu.memory_space<vmem>>, vector<16xf32>,
      %swap3A_631 = arith.index_cast %add3A_623 : i32 to index
      %swap3A_632 = arith.constant 16 : index
      %swap3A_633 = tpu.vector_load %arg12[%swap3A_631, %swap3A_632] {strides = array<i32>} : memref<200x64xf32, #tpu.memory_space<vmem>>, vector<16xf32>,
      tpu.vector_store %arg12[%swap3A_631, %swap3A_632], %get3A_630 {add = true, strides = array<i32>} : memref<200x64xf32, #tpu.memory_space<vmem>>, vector<16xf32>,
      %mul3A_634 = arith.constant 2 : i32
      %mul3A_635 = arith.muli %mul3A_634, %scan3A_549 : i32
      %add3A_636 = arith.constant 1 : i32
      %add3A_637 = arith.addi %mul3A_635, %add3A_636 : i32
      %mul3A_638 = arith.constant 2 : i32
      %mul3A_639 = arith.muli %mul3A_638, %scan3A_549 : i32
      %add3A_640 = arith.constant 1 : i32
      %add3A_641 = arith.addi %mul3A_639, %add3A_640 : i32
      %get3A_642 = arith.index_cast %add3A_641 : i32 to index
      %get3A_643 = arith.constant 32 : index
      %get3A_644 = tpu.vector_load %arg8[%get3A_642, %get3A_643] {strides = array<i32>} : memref<200x64xf32, #tpu.memory_space<vmem>>, vector<16xf32>,
      %swap3A_645 = arith.index_cast %add3A_637 : i32 to index
      %swap3A_646 = arith.constant 32 : index
      %swap3A_647 = tpu.vector_load %arg12[%swap3A_645, %swap3A_646] {strides = array<i32>} : memref<200x64xf32, #tpu.memory_space<vmem>>, vector<16xf32>,
      tpu.vector_store %arg12[%swap3A_645, %swap3A_646], %get3A_644 {add = true, strides = array<i32>} : memref<200x64xf32, #tpu.memory_space<vmem>>, vector<16xf32>,
      %mul3A_648 = arith.constant 2 : i32
      %mul3A_649 = arith.muli %mul3A_648, %scan3A_549 : i32
      %add3A_650 = arith.constant 1 : i32
      %add3A_651 = arith.addi %mul3A_649, %add3A_650 : i32
      %mul3A_652 = arith.constant 2 : i32
      %mul3A_653 = arith.muli %mul3A_652, %scan3A_549 : i32
      %add3A_654 = arith.constant 1 : i32
      %add3A_655 = arith.addi %mul3A_653, %add3A_654 : i32
      %get3A_656 = arith.index_cast %add3A_655 : i32 to index
      %get3A_657 = arith.constant 48 : index
      %get3A_658 = tpu.vector_load %arg8[%get3A_656, %get3A_657] {strides = array<i32>} : memref<200x64xf32, #tpu.memory_space<vmem>>, vector<16xf32>,
      %swap3A_659 = arith.index_cast %add3A_651 : i32 to index
      %swap3A_660 = arith.constant 48 : index
      %swap3A_661 = tpu.vector_load %arg12[%swap3A_659, %swap3A_660] {strides = array<i32>} : memref<200x64xf32, #tpu.memory_space<vmem>>, vector<16xf32>,
      tpu.vector_store %arg12[%swap3A_659, %swap3A_660], %get3A_658 {add = true, strides = array<i32>} : memref<200x64xf32, #tpu.memory_space<vmem>>, vector<16xf32>,
    }
    %scan3A_496 = arith.constant 100 : i32
    %add3A_497 = arith.constant 126 : i32
    %add3A_498 = arith.addi %mul3A_2, %add3A_497 : i32
    %mul3A_499 = arith.constant 200 : i32
    %mul3A_500 = arith.muli %add3A_498, %mul3A_499 : i32
    %dma_start3A_501 = arith.constant 0 : i32
    %dma_start3A_502 = tpu.memref_slice %arg5[%mul3A_500, %dma_start3A_501] : memref<819200x64xf32, #tpu.memory_space<hbm>> -> memref<200x64xf32, #tpu.memory_space<hbm>>
    %dma_start3A_503 = arith.constant 0 : i32
    %dma_start3A_504 = tpu.memref_slice %arg5[%mul3A_500, %dma_start3A_503] : memref<819200x64xf32, #tpu.memory_space<hbm>> -> memref<200x64xf32, #tpu.memory_space<hbm>>
    tpu.enqueue_dma source(%arg12 : memref<200x64xf32, #tpu.memory_space<vmem>>) target(%dma_start3A_504 : memref<200x64xf32, #tpu.memory_space<hbm>>) target_semaphore(%arg20 : memref<!tpu.dma_semaphore, #tpu.memory_space<semaphore_mem>>)
    %dma_wait3A_505 = arith.constant 0 : i32
    %dma_wait3A_506 = arith.constant 0 : i32
    %dma_wait3A_507 = tpu.memref_slice %arg3[%dma_wait3A_505, %dma_wait3A_506] : memref<33025x64xf32, #tpu.memory_space<hbm>> -> memref<200x64xf32, #tpu.memory_space<hbm>>
    %dma_wait3A_508 = arith.constant 0 : i32
    %dma_wait3A_509 = arith.constant 0 : i32
    %dma_wait3A_510 = tpu.memref_slice %arg3[%dma_wait3A_508, %dma_wait3A_509] : memref<33025x64xf32, #tpu.memory_space<hbm>> -> memref<200x64xf32, #tpu.memory_space<hbm>>
    tpu.wait_dma2 semaphore(%arg17 : memref<!tpu.dma_semaphore, #tpu.memory_space<semaphore_mem>>) src(%dma_wait3A_510 : memref<200x64xf32, #tpu.memory_space<hbm>>) dst(%arg13 : memref<200x64xf32, #tpu.memory_space<vmem>>)
    %scan3A_511 = arith.constant 0 : i32
    %scan3A_512 = arith.constant 0 : i32
    %scan3A_513 = arith.constant 100 : i32
    %scan3A_514 = arith.addi %scan3A_512, %scan3A_513 : i32
    %scan3A_515 = arith.constant 1 : i32
    scf.for %scan3A_549 = %scan3A_512 to %scan3A_514 step %scan3A_515  : i32 {
      %mul3A_550 = arith.constant 2 : i32
      %mul3A_551 = arith.muli %mul3A_550, %scan3A_549 : i32
      %add3A_552 = arith.constant 0 : i32
      %add3A_553 = arith.addi %mul3A_551, %add3A_552 : i32
      %mul3A_554 = arith.constant 2 : i32
      %mul3A_555 = arith.muli %mul3A_554, %scan3A_549 : i32
      %add3A_556 = arith.constant 0 : i32
      %add3A_557 = arith.addi %mul3A_555, %add3A_556 : i32
      %get3A_558 = arith.index_cast %add3A_557 : i32 to index
      %get3A_559 = arith.constant 0 : index
      %get3A_560 = tpu.vector_load %arg8[%get3A_558, %get3A_559] {strides = array<i32>} : memref<200x64xf32, #tpu.memory_space<vmem>>, vector<16xf32>,
      %swap3A_561 = arith.index_cast %add3A_553 : i32 to index
      %swap3A_562 = arith.constant 0 : index
      %swap3A_563 = tpu.vector_load %arg13[%swap3A_561, %swap3A_562] {strides = array<i32>} : memref<200x64xf32, #tpu.memory_space<vmem>>, vector<16xf32>,
      tpu.vector_store %arg13[%swap3A_561, %swap3A_562], %get3A_560 {add = true, strides = array<i32>} : memref<200x64xf32, #tpu.memory_space<vmem>>, vector<16xf32>,
      %mul3A_564 = arith.constant 2 : i32
      %mul3A_565 = arith.muli %mul3A_564, %scan3A_549 : i32
      %add3A_566 = arith.constant 0 : i32
      %add3A_567 = arith.addi %mul3A_565, %add3A_566 : i32
      %mul3A_568 = arith.constant 2 : i32
      %mul3A_569 = arith.muli %mul3A_568, %scan3A_549 : i32
      %add3A_570 = arith.constant 0 : i32
      %add3A_571 = arith.addi %mul3A_569, %add3A_570 : i32
      %get3A_572 = arith.index_cast %add3A_571 : i32 to index
      %get3A_573 = arith.constant 16 : index
      %get3A_574 = tpu.vector_load %arg8[%get3A_572, %get3A_573] {strides = array<i32>} : memref<200x64xf32, #tpu.memory_space<vmem>>, vector<16xf32>,
      %swap3A_575 = arith.index_cast %add3A_567 : i32 to index
      %swap3A_576 = arith.constant 16 : index
      %swap3A_577 = tpu.vector_load %arg13[%swap3A_575, %swap3A_576] {strides = array<i32>} : memref<200x64xf32, #tpu.memory_space<vmem>>, vector<16xf32>,
      tpu.vector_store %arg13[%swap3A_575, %swap3A_576], %get3A_574 {add = true, strides = array<i32>} : memref<200x64xf32, #tpu.memory_space<vmem>>, vector<16xf32>,
      %mul3A_578 = arith.constant 2 : i32
      %mul3A_579 = arith.muli %mul3A_578, %scan3A_549 : i32
      %add3A_580 = arith.constant 0 : i32
      %add3A_581 = arith.addi %mul3A_579, %add3A_580 : i32
      %mul3A_582 = arith.constant 2 : i32
      %mul3A_583 = arith.muli %mul3A_582, %scan3A_549 : i32
      %add3A_584 = arith.constant 0 : i32
      %add3A_585 = arith.addi %mul3A_583, %add3A_584 : i32
      %get3A_586 = arith.index_cast %add3A_585 : i32 to index
      %get3A_587 = arith.constant 32 : index
      %get3A_588 = tpu.vector_load %arg8[%get3A_586, %get3A_587] {strides = array<i32>} : memref<200x64xf32, #tpu.memory_space<vmem>>, vector<16xf32>,
      %swap3A_589 = arith.index_cast %add3A_581 : i32 to index
      %swap3A_590 = arith.constant 32 : index
      %swap3A_591 = tpu.vector_load %arg13[%swap3A_589, %swap3A_590] {strides = array<i32>} : memref<200x64xf32, #tpu.memory_space<vmem>>, vector<16xf32>,
      tpu.vector_store %arg13[%swap3A_589, %swap3A_590], %get3A_588 {add = true, strides = array<i32>} : memref<200x64xf32, #tpu.memory_space<vmem>>, vector<16xf32>,
      %mul3A_592 = arith.constant 2 : i32
      %mul3A_593 = arith.muli %mul3A_592, %scan3A_549 : i32
      %add3A_594 = arith.constant 0 : i32
      %add3A_595 = arith.addi %mul3A_593, %add3A_594 : i32
      %mul3A_596 = arith.constant 2 : i32
      %mul3A_597 = arith.muli %mul3A_596, %scan3A_549 : i32
      %add3A_598 = arith.constant 0 : i32
      %add3A_599 = arith.addi %mul3A_597, %add3A_598 : i32
      %get3A_600 = arith.index_cast %add3A_599 : i32 to index
      %get3A_601 = arith.constant 48 : index
      %get3A_602 = tpu.vector_load %arg8[%get3A_600, %get3A_601] {strides = array<i32>} : memref<200x64xf32, #tpu.memory_space<vmem>>, vector<16xf32>,
      %swap3A_603 = arith.index_cast %add3A_595 : i32 to index
      %swap3A_604 = arith.constant 48 : index
      %swap3A_605 = tpu.vector_load %arg13[%swap3A_603, %swap3A_604] {strides = array<i32>} : memref<200x64xf32, #tpu.memory_space<vmem>>, vector<16xf32>,
      tpu.vector_store %arg13[%swap3A_603, %swap3A_604], %get3A_602 {add = true, strides = array<i32>} : memref<200x64xf32, #tpu.memory_space<vmem>>, vector<16xf32>,
      %mul3A_606 = arith.constant 2 : i32
      %mul3A_607 = arith.muli %mul3A_606, %scan3A_549 : i32
      %add3A_608 = arith.constant 1 : i32
      %add3A_609 = arith.addi %mul3A_607, %add3A_608 : i32
      %mul3A_610 = arith.constant 2 : i32
      %mul3A_611 = arith.muli %mul3A_610, %scan3A_549 : i32
      %add3A_612 = arith.constant 1 : i32
      %add3A_613 = arith.addi %mul3A_611, %add3A_612 : i32
      %get3A_614 = arith.index_cast %add3A_613 : i32 to index
      %get3A_615 = arith.constant 0 : index
      %get3A_616 = tpu.vector_load %arg8[%get3A_614, %get3A_615] {strides = array<i32>} : memref<200x64xf32, #tpu.memory_space<vmem>>, vector<16xf32>,
      %swap3A_617 = arith.index_cast %add3A_609 : i32 to index
      %swap3A_618 = arith.constant 0 : index
      %swap3A_619 = tpu.vector_load %arg13[%swap3A_617, %swap3A_618] {strides = array<i32>} : memref<200x64xf32, #tpu.memory_space<vmem>>, vector<16xf32>,
      tpu.vector_store %arg13[%swap3A_617, %swap3A_618], %get3A_616 {add = true, strides = array<i32>} : memref<200x64xf32, #tpu.memory_space<vmem>>, vector<16xf32>,
      %mul3A_620 = arith.constant 2 : i32
      %mul3A_621 = arith.muli %mul3A_620, %scan3A_549 : i32
      %add3A_622 = arith.constant 1 : i32
      %add3A_623 = arith.addi %mul3A_621, %add3A_622 : i32
      %mul3A_624 = arith.constant 2 : i32
      %mul3A_625 = arith.muli %mul3A_624, %scan3A_549 : i32
      %add3A_626 = arith.constant 1 : i32
      %add3A_627 = arith.addi %mul3A_625, %add3A_626 : i32
      %get3A_628 = arith.index_cast %add3A_627 : i32 to index
      %get3A_629 = arith.constant 16 : index
      %get3A_630 = tpu.vector_load %arg8[%get3A_628, %get3A_629] {strides = array<i32>} : memref<200x64xf32, #tpu.memory_space<vmem>>, vector<16xf32>,
      %swap3A_631 = arith.index_cast %add3A_623 : i32 to index
      %swap3A_632 = arith.constant 16 : index
      %swap3A_633 = tpu.vector_load %arg13[%swap3A_631, %swap3A_632] {strides = array<i32>} : memref<200x64xf32, #tpu.memory_space<vmem>>, vector<16xf32>,
      tpu.vector_store %arg13[%swap3A_631, %swap3A_632], %get3A_630 {add = true, strides = array<i32>} : memref<200x64xf32, #tpu.memory_space<vmem>>, vector<16xf32>,
      %mul3A_634 = arith.constant 2 : i32
      %mul3A_635 = arith.muli %mul3A_634, %scan3A_549 : i32
      %add3A_636 = arith.constant 1 : i32
      %add3A_637 = arith.addi %mul3A_635, %add3A_636 : i32
      %mul3A_638 = arith.constant 2 : i32
      %mul3A_639 = arith.muli %mul3A_638, %scan3A_549 : i32
      %add3A_640 = arith.constant 1 : i32
      %add3A_641 = arith.addi %mul3A_639, %add3A_640 : i32
      %get3A_642 = arith.index_cast %add3A_641 : i32 to index
      %get3A_643 = arith.constant 32 : index
      %get3A_644 = tpu.vector_load %arg8[%get3A_642, %get3A_643] {strides = array<i32>} : memref<200x64xf32, #tpu.memory_space<vmem>>, vector<16xf32>,
      %swap3A_645 = arith.index_cast %add3A_637 : i32 to index
      %swap3A_646 = arith.constant 32 : index
      %swap3A_647 = tpu.vector_load %arg13[%swap3A_645, %swap3A_646] {strides = array<i32>} : memref<200x64xf32, #tpu.memory_space<vmem>>, vector<16xf32>,
      tpu.vector_store %arg13[%swap3A_645, %swap3A_646], %get3A_644 {add = true, strides = array<i32>} : memref<200x64xf32, #tpu.memory_space<vmem>>, vector<16xf32>,
      %mul3A_648 = arith.constant 2 : i32
      %mul3A_649 = arith.muli %mul3A_648, %scan3A_549 : i32
      %add3A_650 = arith.constant 1 : i32
      %add3A_651 = arith.addi %mul3A_649, %add3A_650 : i32
      %mul3A_652 = arith.constant 2 : i32
      %mul3A_653 = arith.muli %mul3A_652, %scan3A_549 : i32
      %add3A_654 = arith.constant 1 : i32
      %add3A_655 = arith.addi %mul3A_653, %add3A_654 : i32
      %get3A_656 = arith.index_cast %add3A_655 : i32 to index
      %get3A_657 = arith.constant 48 : index
      %get3A_658 = tpu.vector_load %arg8[%get3A_656, %get3A_657] {strides = array<i32>} : memref<200x64xf32, #tpu.memory_space<vmem>>, vector<16xf32>,
      %swap3A_659 = arith.index_cast %add3A_651 : i32 to index
      %swap3A_660 = arith.constant 48 : index
      %swap3A_661 = tpu.vector_load %arg13[%swap3A_659, %swap3A_660] {strides = array<i32>} : memref<200x64xf32, #tpu.memory_space<vmem>>, vector<16xf32>,
      tpu.vector_store %arg13[%swap3A_659, %swap3A_660], %get3A_658 {add = true, strides = array<i32>} : memref<200x64xf32, #tpu.memory_space<vmem>>, vector<16xf32>,
    }
    %scan3A_516 = arith.constant 100 : i32
    %add3A_517 = arith.constant 127 : i32
    %add3A_518 = arith.addi %mul3A_2, %add3A_517 : i32
    %mul3A_519 = arith.constant 200 : i32
    %mul3A_520 = arith.muli %add3A_518, %mul3A_519 : i32
    %dma_start3A_521 = arith.constant 0 : i32
    %dma_start3A_522 = tpu.memref_slice %arg5[%mul3A_520, %dma_start3A_521] : memref<819200x64xf32, #tpu.memory_space<hbm>> -> memref<200x64xf32, #tpu.memory_space<hbm>>
    %dma_start3A_523 = arith.constant 0 : i32
    %dma_start3A_524 = tpu.memref_slice %arg5[%mul3A_520, %dma_start3A_523] : memref<819200x64xf32, #tpu.memory_space<hbm>> -> memref<200x64xf32, #tpu.memory_space<hbm>>
    tpu.enqueue_dma source(%arg13 : memref<200x64xf32, #tpu.memory_space<vmem>>) target(%dma_start3A_524 : memref<200x64xf32, #tpu.memory_space<hbm>>) target_semaphore(%arg21 : memref<!tpu.dma_semaphore, #tpu.memory_space<semaphore_mem>>)
    %dma_wait3A_525 = arith.constant 0 : i32
    %dma_wait3A_526 = arith.constant 0 : i32
    %dma_wait3A_527 = tpu.memref_slice %arg5[%dma_wait3A_525, %dma_wait3A_526] : memref<819200x64xf32, #tpu.memory_space<hbm>> -> memref<200x64xf32, #tpu.memory_space<hbm>>
    %dma_wait3A_528 = arith.constant 0 : i32
    %dma_wait3A_529 = arith.constant 0 : i32
    %dma_wait3A_530 = tpu.memref_slice %arg5[%dma_wait3A_528, %dma_wait3A_529] : memref<819200x64xf32, #tpu.memory_space<hbm>> -> memref<200x64xf32, #tpu.memory_space<hbm>>
    tpu.wait_dma2 semaphore(%arg18 : memref<!tpu.dma_semaphore, #tpu.memory_space<semaphore_mem>>) src(%arg10 : memref<200x64xf32, #tpu.memory_space<vmem>>) dst(%dma_wait3A_530 : memref<200x64xf32, #tpu.memory_space<hbm>>)
    %dma_wait3A_531 = arith.constant 0 : i32
    %dma_wait3A_532 = arith.constant 0 : i32
    %dma_wait3A_533 = tpu.memref_slice %arg5[%dma_wait3A_531, %dma_wait3A_532] : memref<819200x64xf32, #tpu.memory_space<hbm>> -> memref<200x64xf32, #tpu.memory_space<hbm>>
    %dma_wait3A_534 = arith.constant 0 : i32
    %dma_wait3A_535 = arith.constant 0 : i32
    %dma_wait3A_536 = tpu.memref_slice %arg5[%dma_wait3A_534, %dma_wait3A_535] : memref<819200x64xf32, #tpu.memory_space<hbm>> -> memref<200x64xf32, #tpu.memory_space<hbm>>
    tpu.wait_dma2 semaphore(%arg19 : memref<!tpu.dma_semaphore, #tpu.memory_space<semaphore_mem>>) src(%arg11 : memref<200x64xf32, #tpu.memory_space<vmem>>) dst(%dma_wait3A_536 : memref<200x64xf32, #tpu.memory_space<hbm>>)
    %dma_wait3A_537 = arith.constant 0 : i32
    %dma_wait3A_538 = arith.constant 0 : i32
    %dma_wait3A_539 = tpu.memref_slice %arg5[%dma_wait3A_537, %dma_wait3A_538] : memref<819200x64xf32, #tpu.memory_space<hbm>> -> memref<200x64xf32, #tpu.memory_space<hbm>>
    %dma_wait3A_540 = arith.constant 0 : i32
    %dma_wait3A_541 = arith.constant 0 : i32
    %dma_wait3A_542 = tpu.memref_slice %arg5[%dma_wait3A_540, %dma_wait3A_541] : memref<819200x64xf32, #tpu.memory_space<hbm>> -> memref<200x64xf32, #tpu.memory_space<hbm>>
    tpu.wait_dma2 semaphore(%arg20 : memref<!tpu.dma_semaphore, #tpu.memory_space<semaphore_mem>>) src(%arg12 : memref<200x64xf32, #tpu.memory_space<vmem>>) dst(%dma_wait3A_542 : memref<200x64xf32, #tpu.memory_space<hbm>>)
    %dma_wait3A_543 = arith.constant 0 : i32
    %dma_wait3A_544 = arith.constant 0 : i32
    %dma_wait3A_545 = tpu.memref_slice %arg5[%dma_wait3A_543, %dma_wait3A_544] : memref<819200x64xf32, #tpu.memory_space<hbm>> -> memref<200x64xf32, #tpu.memory_space<hbm>>
    %dma_wait3A_546 = arith.constant 0 : i32
    %dma_wait3A_547 = arith.constant 0 : i32
    %dma_wait3A_548 = tpu.memref_slice %arg5[%dma_wait3A_546, %dma_wait3A_547] : memref<819200x64xf32, #tpu.memory_space<hbm>> -> memref<200x64xf32, #tpu.memory_space<hbm>>
    tpu.wait_dma2 semaphore(%arg21 : memref<!tpu.dma_semaphore, #tpu.memory_space<semaphore_mem>>) src(%arg13 : memref<200x64xf32, #tpu.memory_space<vmem>>) dst(%dma_wait3A_548 : memref<200x64xf32, #tpu.memory_space<hbm>>)
    return
  }
}

</mosaic_0001>

<sc_bundles>
// kernel: kernel.3.cloned.1.call-start
scs
__scs_entry_jumppad:
0x0: {  	(pc) =	sbr.rel $0x88, $3  }
0x1: {  	(tag) =	ssettag $0x0;
	lr =	simm.s32 $0x1  }
0x2: {  	[smem:$0x3F9E] =	sst lr;
	_ =	strace $0xD0000000  }
0x3: {  	_ = 	snop  }
0x4: {  	_ = 	snop  }
0x5: {  	_ = 	snop  }
0x6: {  	_ = 	snop  }
0x7: {  	_ = 	snop  }
__scs_overlays_trampoline_lowered:
0x8: {  	[smem:$0x3FAD] =	sst s0  }
0x9: {  	[smem:$0x3FAE] =	sst s1  }
0xa: {  	[smem:$0x3FAF] =	sst s2  }
0xb: {  	[smem:$0x3FB0] =	sst s3  }
0xc: {  	[smem:$0x3FB1] =	sst s4  }
0xd: {  	[smem:$0x3FB2] =	sst s5  }
0xe: {  	[smem:$0x3FB3] =	sst s6  }
0xf: {  	[smem:$0x3FB4] =	sst s7  }
0x10: {  	[smem:$0x3FB5] =	sst s8  }
0x11: {  	[smem:$0x3FB6] =	sst s9;
	s0 =	simm.s32 @!p0 $0x0  }
0x12: {  	s1 =	sld [smem:$0x3F9C];
	s0 =	simm.s32 @p0 $0x1  }
0x13: {  	[smem:$0x3FB7] =	sst s0;
	s0 =	simm.s32 @!p1 $0x0  }
0x14: {  	s2 =	sld [smem:$0x3F9B];
	s0 =	simm.s32 @p1 $0x1  }
0x15: {  	[smem:$0x3FB8] =	sst s0;
	s0 =	simm.s32 @!p2 $0x0  }
0x16: {  	s3 =	sld [smem:$0x3FDB];
	s0 =	simm.s32 @p2 $0x1  }
0x17: {  	s4 =	simm.s32 $0x1BF5;
	[smem:$0x3FBA] =	sst s0  }
0x18: {  	s0 =	sld [smem:$0x3F9D];
	_ =	swait.ge [sflag:s4], $0x0  }
0x19: {  	s7 =	sld [smem:$0x3F9E]  }
0x1a: {  	s8 =	sadd.s32 $0xFFFFE003, lr  }
0x1b: {  	s9 =	sadd.s32 $0xFFFFFEF7, lr;
	s5 =	simm.s32 $0xFFFFFFFF;
	p2 =	slt.u32 s8, $0xFFFFF086  }
0x1c: {  	p1 =	slt.u32 s9, $0xF7A;
	s5 =	simm.s32 @!p2 $0x0  }
0x1d: {  	s5 =	simm.s32 @p1 $0x1;
	p0 =	seq.s32 s7, s2  }
0x1e: {  	s7 =	smul.u32 @!p0 $0xF7A, s2;
	p2 =	seq.s32 @!p0 s5, $0x0  }
0x1f: {  	s9 =	smul.u32 $0xF7A, s1;
	s8 =	simm.s32 @!p0 $0x1BF5;
	p2 =	por !p2, p0  }
0x20: {  	[sflag:s8] =	ssyncset.s32 @!p0 $0xFFFFF086;
	s6 =	sadd.s32 @!p0 s3, s7;
	s7 =	simm.s32 @!p0 $0x108  }
0x21: {  	s3 =	sadd.s32 s3, s9;
	s6 =	sadd.s32 @!p0 $0x88, s6;
	s7 =	simm.s32 @p2 $0x1082  }
0x22: {  	[simem:s7], [sflag:s8] =	dma.local @!p0 [hbm:s6], $0xF7A  }
0x23: {  	s9 =	sor.u32 $0xD0000000, s2;
	s6 =	simm.s32 $0x108;
	_ =	swait.ge @!p0 [sflag:s8], $0x0  }
0x24: {  	s3 =	sadd.s32 $0x88, s3;
	s6 =	simm.s32 @!p1 $0x1082;
	[sflag:s4] =	ssyncset.s32 $0xFFFFF086  }
0x25: {  	[simem:s6], [sflag:s4] =	dma.local [hbm:s3], $0xF7A  }
0x26: {  	[smem:$0x3F9E] =	sst s1;
	(tag) =	ssettag s2;
	_ =	strace s9  }
0x27: {  	s1 =	sld [smem:$0x3FAE]  }
0x28: {  	s2 =	sld [smem:$0x3FAF]  }
0x29: {  	s4 =	sld [smem:$0x3FB1]  }
0x2a: {  	p0 =	seq.s32 s5, $0x0;
	s5 =	sld [smem:$0x3FB2]  }
0x2b: {  	s6 =	sld [smem:$0x3FB3]  }
0x2c: {  	s7 =	sld [smem:$0x3FB4]  }
0x2d: {  	s3 =	simm.s32 $0x108;
	s8 =	sld [smem:$0x3FB5]  }
0x2e: {  	s3 =	simm.s32 @!p0 $0x1082;
	s9 =	sld [smem:$0x3FB6]  }
0x2f: {  	lr =	sadd.s32 s0, s3;
	s0 =	sld [smem:$0x3FAD]  }
0x30: {  	s3 =	sld [smem:$0x3FB0]  }
0x31: {  	[smem:$0x3FB9] =	sst s10  }
0x32: {  	s10 =	sld [smem:$0x3FB7];
	_ =	sdelay $0x3  }
0x33: {  	p0 =	seq.s32 s10, $0x1;
	s10 =	sld [smem:$0x3FB9];
	_ =	sdelay $0x3  }
0x34: {  	[smem:$0x3FB9] =	sst s10  }
0x35: {  	s10 =	sld [smem:$0x3FB8];
	_ =	sdelay $0x3  }
0x36: {  	p1 =	seq.s32 s10, $0x1;
	s10 =	sld [smem:$0x3FB9];
	_ =	sdelay $0x3  }
0x37: {  	[smem:$0x3FB9] =	sst s10  }
0x38: {  	s10 =	sld [smem:$0x3FBA]  }
0x39: {  	_ = 	snop;
	(pc) =	sbr.ind lr, $3  }
0x3a: {  	_ = 	snop  }
0x3b: {  	_ = 	snop  }
0x3c: {  	p2 =	seq.s32 s10, $0x1;
	s10 =	sld [smem:$0x3FB9]  }
0x3d: {  	_ =	shalt  }
0x3e: {  	_ =	shalt  }
0x3f: {  	_ =	shalt  }
0x40: {  	_ =	shalt  }
0x41: {  	_ =	shalt  }
0x42: {  	_ =	shalt  }
0x43: {  	_ =	shalt  }
0x44: {  	_ =	shalt  }
0x45: {  	_ =	shalt  }
0x46: {  	_ =	shalt  }
0x47: {  	_ =	shalt  }
0x48: {  	_ =	shalt  }
0x49: {  	_ =	shalt  }
0x4a: {  	_ =	shalt  }
0x4b: {  	_ =	shalt  }
0x4c: {  	_ =	shalt  }
0x4d: {  	_ =	shalt  }
0x4e: {  	_ =	shalt  }
0x4f: {  	_ =	shalt  }
0x50: {  	_ =	shalt  }
0x51: {  	_ =	shalt  }
0x52: {  	_ =	shalt  }
0x53: {  	_ =	shalt  }
0x54: {  	_ =	shalt  }
0x55: {  	_ =	shalt  }
0x56: {  	_ =	shalt  }
0x57: {  	_ =	shalt  }
0x58: {  	_ =	shalt  }
0x59: {  	_ =	shalt  }
0x5a: {  	_ =	shalt  }
0x5b: {  	_ =	shalt  }
0x5c: {  	_ =	shalt  }
0x5d: {  	_ =	shalt  }
0x5e: {  	_ =	shalt  }
0x5f: {  	_ =	shalt  }
0x60: {  	_ =	shalt  }
0x61: {  	_ =	shalt  }
0x62: {  	_ =	shalt  }
0x63: {  	_ =	shalt  }
0x64: {  	_ =	shalt  }
0x65: {  	_ =	shalt  }
0x66: {  	_ =	shalt  }
0x67: {  	_ =	shalt  }
0x68: {  	_ =	shalt  }
0x69: {  	_ =	shalt  }
0x6a: {  	_ =	shalt  }
0x6b: {  	_ =	shalt  }
0x6c: {  	_ =	shalt  }
0x6d: {  	_ =	shalt  }
0x6e: {  	_ =	shalt  }
0x6f: {  	_ =	shalt  }
0x70: {  	_ =	shalt  }
0x71: {  	_ =	shalt  }
0x72: {  	_ =	shalt  }
0x73: {  	_ =	shalt  }
0x74: {  	_ =	shalt  }
0x75: {  	_ =	shalt  }
0x76: {  	_ =	shalt  }
0x77: {  	_ =	shalt  }
0x78: {  	_ =	shalt  }
0x79: {  	_ =	shalt  }
0x7a: {  	_ =	shalt  }
0x7b: {  	_ =	shalt  }
0x7c: {  	_ =	shalt  }
0x7d: {  	_ =	shalt  }
0x7e: {  	_ =	shalt  }
0x7f: {  	_ =	shalt  }
0x80: {  	_ =	shalt  }
0x81: {  	_ =	shalt  }
0x82: {  	_ =	shalt  }
0x83: {  	_ =	shalt  }
0x84: {  	_ =	shalt  }
0x85: {  	_ =	shalt  }
0x86: {  	_ =	shalt  }
0x87: {  	_ =	shalt  }
.Lfunc_end0:
.L_simem_size_0:
called_computation.1_lowered:
.L_overlay_start_0:
0x88: {  	s2 =	sld [smem:$0x3FD9]  }
0x89: {  	s3 =	sld [smem:$0x3FFE];
	_ =	sdelay $0x1  }
0x8a: {  	s1 =	srdreg.scid  }
0x8b: {  	s0 =	sand.u32 $0x1, s1  }
0x8c: {  	s17 =	sshll.u32 s0, $0xA;
	s2 =	sadd.s32 s3, s2  }
0x8d: {  	s2 =	sadd.s32 s2, s17  }
0x8e: {  	[smem:$0x3FC5] =	sst s2  }
0x8f: {  	_ = 	snop  }
0x90: {  	s2 =	sld [smem:$0x3FD0];
	(tm) =	ssettm $0x1  }
0x91: {  	s18 =	sld [smem:$0x3FFB];
	_ =	sdelay $0x3  }
0x92: {  	_ =	strace s18  }
0x93: {  	s3 =	sld [smem:$0x3FFC];
	_ =	sdelay $0x3  }
0x94: {  	_ =	strace s3  }
0x95: {  	s3 =	sld [smem:$0x3FFD];
	_ =	sdelay $0x3  }
0x96: {  	_ =	strace s3  }
0x97: {  	_ =	strace $0x8FFFFFFF  }
0x98: {  	s19 =	sld [smem:$0x3FDB];
	_ =	sdelay $0x1  }
0x99: {  	s4 =	simm.s32 $_scs_section_size  }
0x9a: {  	s5 =	simm.s32 $_size__tile_overlayer_lowered;
	s6 =	simm.s32 $_tile_overlayer_lowered  }
0x9b: {  	s22 =	simm.s32 $0x1BFF;
	s21 =	sshll.u32 s6, $0x1;
	s3 =	sadd.s32 s4, s19  }
0x9c: {  	s7 =	simm.s32 $0x0;
	s20 =	sshll.u32 s5, $0x1;
	s5 =	sadd.s32 s21, s3  }
0x9d: {  	[timem:s7], [sflag:s22] =	dma.local [hbm:s5], s20  }
0x9e: {  	_ =	swait.ge [sflag:s22], s20  }
0x9f: {  	s4 =	ssub.s32 $0x0, s20;
	[sflag:s22] =	ssyncset.done $0x0  }
0xa0: {  	[sflag:s22] =	ssyncadd.s32 s4;
	_ =	sdelay $0x1  }
0xa1: {  	s23 =	simm.s32 $0x1B8B  }
0xa2: {  	_ =	swait.ge [sflag:s23], $0x1  }
0xa3: {  	[sflag:s23] =	ssyncset.done $0x0  }
0xa4: {  	s25 =	simm.s32 $0x1B8E;
	s24 =	sld [smem:$0x3FFE];
	[sflag:s23] =	ssyncadd.s32 $0xFFFFFFFF  }
0xa5: {  	s26 =	simm.s32 $execute0_lowered;
	[smem:$0x3FD2] =	sst s25  }
0xa6: {  	s5 =	sshll.u32 s26, $0x1;
	_ =	strace $0x80000046;
	[dreg:$0x1] =	wrdreg $0xFFFFFFFF  }
0xa7: {  	s28 =	simm.s32 $_size_execute0_lowered;
	s3 =	sadd.s32 s3, s5;
	[dreg:$0x0] =	wrdreg $0x0  }
0xa8: {  	s5 =	sshll.u32 s28, $0x1;
	[dreg:$0x2] =	wrdreg s3  }
0xa9: {  	[dreg:$0x3] =	wrdreg s5  }
0xaa: {  	[dreg:$0x4] =	wrdreg $0xC0  }
0xab: {  	_ =	task [dreg:s7], $0x5FFFF  }
0xac: {  	[dreg:$0x1] =	wrdreg $0xFFFFFFFF  }
0xad: {  	[dreg:$0x0] =	wrdreg $0x60  }
0xae: {  	[dreg:$0x2] =	wrdreg s24  }
0xaf: {  	[dreg:$0x3] =	wrdreg s2  }
0xb0: {  	[dreg:$0x4] =	wrdreg $0x9  }
0xb1: {  	_ =	task.clear_ibuf [dreg:s7], $0x5FFFF;
	_ =	strace $0x90000046  }
0xb2: {  	s29 =	simm.s32 $0x9;
	_ =	strace $0x80000048  }
0xb3: {  	_ =	swait.ge [sflag:s29], $0x1  }
0xb4: {  	[sflag:s29] =	ssyncadd.s32 $0xFFFFFFFF  }
0xb5: {  	_ =	strace $0x90000048  }
0xb6: {  	_ =	sfence  }
0xb7: {  	s30 =	sld [smem:$0x0];
	_ =	sdelay $0x2  }
0xb8: {  	s31 =	sshll.u32 s1, $0xD;
	s1 =	sshrl.u32 s1, $0x2  }
0xb9: {  	s3 =	sand.u32 $0x4000, s31;
	s1 =	sadd.s32 s1, s30  }
0xba: {  	s0 =	sor.u32 s3, s0;
	s1 =	sshll.u32 s1, $0x11  }
0xbb: {  	s0 =	sor.u32 s1, s0  }
0xbc: {  	s0 =	sadd.s32 $0x8F2B, s0  }
0xbd: {  	[sflag:s0] =	ssyncadd.remote.s32 $0x1  }
0xbe: {  	_ =	sfence.sel $0xFFFF  }
0xbf: {  	[dreg:$0x0] =	wrdreg $0xFFFFFFFF;
	(pc) =	sbr.abs _section_cstart, $3  }
0xc0: {  	[dreg:$0x1] =	wrdreg $0xFFFFFFFF  }
0xc1: {  	_ =	task.clear_ibuf [dreg:s7], $0x2FFFF;
	_ =	strace $0x9FFFFFFF  }
0xc2: {  	(tm) =	ssettm $0x7FFFFFFF  }
0xc3: {  	_ =	shalt  }
tec
execute0_lowered:
.L_overlay_start_1:
0x0: {  	(tag) =	ssettag $0x1  }
0x1: {  	s0 =	rddreg [dreg:$0x0]  }
0x2: {  	s2 =	rddreg [dreg:$0x1]  }
0x3: {  	s1 =	srdreg.scid;
	s4 =	stileid.u32  }
0x4: {  	s3 =	simm.s32 $0x0;
	s14 =	simm.s32 $0x9;
	s15 =	simm.s32 $0x80  }
0x5: {  	s18 =	simm.s32 $0x48;
	s28 =	simm.s32 $0xC9A0;
	s30 =	simm.s32 $0xE9A0  }
0x6: {  	s16 =	simm.s32 $0x11BA0;
	s19 =	simm.s32 $0x12DA0;
	s29 =	simm.s32 $0x5  }
0x7: {  	s31 =	simm.s32 $0x3;
	s17 =	simm.s32 $0x4;
	s20 =	simm.s32 $0x7  }
0x8: {  	s1 =	sand.u32 $0x1, s1;
	s4 =	sshll.u32 s4, $0x1;
	[smem:$0x7FF] =	sst s3  }
0x9: {  	s11 =	sadd.s32 $0x1C00, s0;
	s5 =	sadd.s32 $0x1AC00, s0;
	s4 =	sor.u32 s1, s4  }
0xa: {  	s6 =	sadd.s32 $0xA00, s0;
	_ =	strace $0x80000047;
	s8 =	smul.u32 $0xC80, s4  }
0xb: {  	v0 =	vlaneseq.u32;
	v1 =	vimm.s32 $0xFFFFFFFF;
	s1 =	ssub.s32 $0x2, s1;
	[dreg:$0x3] =	wrdreg s11;
	s9 =	smul.u32 $0x190000, s4  }
0xc: {  	v27 =	vimm.f32 $0.0e+00;
	v14 =	vmul.u32 $0xFFFFFFFF, v0;
	v15 =	vor.u32 $0x10, v0;
	s21 =	sshrl.u32 s1, $0x1;
	s10 =	smul.u32 $0x32000, s4;
	s7 =	sshll.u32 s4, $0x7  }
0xd: {  	v16 =	vor.u32 $0x20, v0;
	v17 =	vor.u32 $0x30, v0;
	v18 =	vor.u32 $0x40, v0;
	s0 =	ssub.s32 s1, s21;
	s21 =	simm.s32 $0x1;
	s23 =	sadd.s32 s11, s8  }
0xe: {  	v19 =	vor.u32 $0x50, v0;
	v20 =	vor.u32 $0x60, v0;
	v21 =	vor.u32 $0x70, v0;
	s22 =	sshrl.u32 s9, $0x3;
	s24 =	sadd.s32 s2, s10;
	[dreg:$0x4] =	wrdreg s23  }
0xf: {  	v22 =	vor.u32 $0x80, v0;
	v23 =	vor.u32 $0x90, v0;
	v24 =	vor.u32 $0xA0, v0;
	s0 =	smax.u32 s0, $0x1;
	[dreg:$0x5] =	wrdreg s24;
	s1 =	sadd.s32 s2, s22  }
0x10: {  	v25 =	vor.u32 $0xB0, v0;
	v26 =	vor.u32 $0xC0, v0;
	v2 =	vadd.s32 $0xCF, v14;
	s8 =	simm.s32 $0x8;
	[dreg:$0x9] =	wrdreg s0;
	s25 =	sadd.s32 $0x30D40, s1  }
0x11: {  	v3 =	vadd.s32 $0xBF, v14;
	v4 =	vadd.s32 $0xAF, v14;
	v5 =	vadd.s32 $0x9F, v14;
	s9 =	simm.s32 $0x0;
	s26 =	sadd.s32 $0x31380, s1;
	[dreg:$0x6] =	wrdreg s25  }
0x12: {  	v6 =	vadd.s32 $0x8F, v14;
	v7 =	vadd.s32 $0x7F, v14;
	v8 =	vadd.s32 $0x6F, v14;
	s23 =	simm.s32 $0x97A0;
	s1 =	sadd.s32 $0x319C0, s1;
	[dreg:$0x7] =	wrdreg s26  }
0x13: {  	v9 =	vadd.s32 $0x5F, v14;
	v10 =	vadd.s32 $0x4F, v14;
	v11 =	vadd.s32 $0x3F, v14;
	s0 =	simm.s32 $0xFBA0;
	s24 =	simm.s32 $0x14DA0;
	[dreg:$0x8] =	wrdreg s1  }
0x14: {  	v12 =	vadd.s32 $0x2F, v14;
	v13 =	vadd.s32 $0x1F, v14;
	v14 =	vadd.s32 $0xF, v14;
	s25 =	simm.s32 $0xB7A0;
	s26 =	simm.s32 $0x2;
	s1 =	simm.s32 $0x6  }
.LBB2_1:
0x15: {  	[tilespmem:$0xC0] =	vst v1;
	s4 =	rddreg [dreg:$0x3]  }
0x16: {  	[tilespmem:s3], [sflag:$0x9] =	stream.linear.gather [hbm4b:s4+s3], $0xC8, $0x38;
	[tilespmem:$0x15FA0] =	vst v63  }
0x17: {  	_ =	swait.ge [sflag:s14], $0xC8  }
0x18: {  	[sflag:s14] =	ssyncset.done $0x0  }
0x19: {  	[sflag:s14] =	ssyncadd.s32 $0xFFFFFF38  }
0x1a: {  	v28 =	vld [tilespmem:$0x0]  }
0x1b: {  	v29 =	vld [tilespmem:$0x10];
	_ =	sdelay $0x1  }
0x1c: {  	v30 =	vld [tilespmem:$0x20];
	_ =	sdelay $0x1  }
0x1d: {  	v31 =	vld [tilespmem:$0x30]  }
0x1e: {  	v28 =	vshll.u32 v28, $0x8;
	v29 =	vshll.u32 v29, $0x8  }
0x1f: {  	v32 =	vld [tilespmem:$0x40];
	v28 =	vor.u32 v2, v28;
	v29 =	vor.u32 v3, v29  }
0x20: {  	v30 =	vshll.u32 v30, $0x8;
	vm0 =	vgt.s32 v28, v29  }
0x21: {  	v55 =	vld [tilespmem:$0x50];
	v28 =	vsel vm0, v28, v29;
	v29 =	vor.u32 v4, v30  }
0x22: {  	v31 =	vshll.u32 v31, $0x8;
	vm0 =	vgt.s32 v28, v29  }
0x23: {  	v56 =	vld [tilespmem:$0x60];
	v28 =	vsel vm0, v28, v29;
	v29 =	vor.u32 v5, v31  }
0x24: {  	v32 =	vshll.u32 v32, $0x8;
	vm0 =	vgt.s32 v28, v29  }
0x25: {  	v57 =	vld [tilespmem:$0x70];
	v28 =	vsel vm0, v28, v29;
	v29 =	vor.u32 v6, v32  }
0x26: {  	v30 =	vshll.u32 v55, $0x8;
	vm0 =	vgt.s32 v28, v29  }
0x27: {  	v58 =	vld [tilespmem:$0x80];
	v28 =	vsel vm0, v28, v29;
	v29 =	vor.u32 v7, v30  }
0x28: {  	v31 =	vshll.u32 v56, $0x8;
	vm0 =	vgt.s32 v28, v29  }
0x29: {  	v59 =	vld [tilespmem:$0x90];
	v28 =	vsel vm0, v28, v29;
	v29 =	vor.u32 v8, v31  }
0x2a: {  	v32 =	vshll.u32 v57, $0x8;
	vm0 =	vgt.s32 v28, v29  }
0x2b: {  	v60 =	vld [tilespmem:$0xA0];
	v28 =	vsel vm0, v28, v29;
	v29 =	vor.u32 v9, v32  }
0x2c: {  	v30 =	vshll.u32 v58, $0x8;
	vm0 =	vgt.s32 v28, v29  }
0x2d: {  	v61 =	vld [tilespmem:$0xB0];
	v28 =	vsel vm0, v28, v29;
	v29 =	vor.u32 v10, v30  }
0x2e: {  	v31 =	vshll.u32 v59, $0x8;
	vm0 =	vgt.s32 v28, v29  }
0x2f: {  	v62 =	vld [tilespmem:$0xC0];
	v28 =	vsel vm0, v28, v29;
	v29 =	vor.u32 v11, v31  }
0x30: {  	v32 =	vshll.u32 v60, $0x8;
	vm0 =	vgt.s32 v28, v29  }
0x31: {  	v28 =	vsel vm0, v28, v29;
	v29 =	vor.u32 v12, v32  }
0x32: {  	v30 =	vshll.u32 v61, $0x8;
	vm0 =	vgt.s32 v28, v29  }
0x33: {  	v28 =	vsel vm0, v28, v29;
	v29 =	vor.u32 v13, v30  }
0x34: {  	v63 =	vshll.u32 v62, $0x8;
	vm0 =	vgt.s32 v28, v29  }
0x35: {  	v28 =	vsel vm0, v28, v29;
	v29 =	vor.u32 v14, v63  }
0x36: {  	vm0 =	vgt.s32 v28, v29  }
0x37: {  	v28 =	vsel vm0, v28, v29  }
0x38: {  	v29 =	vshra.s32 v28, $0x1F  }
0x39: {  	v28 =	vor.u32 v29, v28  }
0x3a: {  	v29 =	vxor.u32 $0x80000000, v28  }
0x3b: {  	(xrf1) =	vsort.dscd.msk.u32 $0xffff, v29, v28;
	_ =	sdelay $0xd  }
0x3c: {  	v28, _, _ =	vpop (xrf1)  }
0x3d: {  	(v2sf) =	vpush v28, $0x0;
	_ =	sdelay $0xe  }
0x3e: {  	s10 =	spop (v2sf)  }
0x3f: {  	s4 =	sand.u32 $0xFF, s10  }
0x40: {  	s4 =	ssub.s32 $0xCF, s4  }
0x41: {  	v28 =	vmov s4  }
0x42: {  	vm15 =	vgt.s32 v28, v0  }
0x43: {  	vm4 =	vgt.s32 v28, v15;
	vm5 =	vgt.s32 v28, v16;
	vm6 =	vgt.s32 v28, v17  }
0x44: {  	vm7 =	vgt.s32 v28, v18;
	vm8 =	vgt.s32 v28, v19;
	vm9 =	vgt.s32 v28, v20  }
0x45: {  	vm10 =	vgt.s32 v28, v21;
	vm11 =	vgt.s32 v28, v22;
	v29 =	vnsel vm15, $0x200, v0  }
0x46: {  	vm12 =	vgt.s32 v28, v23;
	vm15 =	vgt.s32 v28, v26;
	[tilespmem:$0xD0] =	vst v29;
	v29 =	vnsel vm4, $0x200, v15  }
0x47: {  	vm13 =	vgt.s32 v28, v24;
	vm14 =	vgt.s32 v28, v25;
	v28 =	vnsel vm15, $0x200, v26;
	[tilespmem:$0xE0] =	vst v29  }
0x48: {  	v29 =	vnsel vm5, $0x200, v16;
	[tilespmem:$0x190] =	vst v28  }
0x49: {  	[tilespmem:$0xF0] =	vst v29;
	v29 =	vnsel vm6, $0x200, v17  }
0x4a: {  	[tilespmem:$0x100] =	vst v29;
	v29 =	vnsel vm7, $0x200, v18  }
0x4b: {  	[tilespmem:$0x110] =	vst v29;
	v29 =	vnsel vm8, $0x200, v19  }
0x4c: {  	[tilespmem:$0x120] =	vst v29;
	v29 =	vnsel vm9, $0x200, v20  }
0x4d: {  	[tilespmem:$0x130] =	vst v29;
	v29 =	vnsel vm10, $0x200, v21  }
0x4e: {  	[tilespmem:$0x140] =	vst v29;
	v29 =	vnsel vm11, $0x200, v22  }
0x4f: {  	[tilespmem:$0x150] =	vst v29;
	v29 =	vnsel vm12, $0x200, v23  }
0x50: {  	[tilespmem:$0x160] =	vst v29;
	v29 =	vnsel vm13, $0x200, v24  }
0x51: {  	[tilespmem:$0x170] =	vst v29;
	v29 =	vnsel vm14, $0x200, v25  }
0x52: {  	s11 =	simm.s32 $0x1A0;
	s10 =	simm.s32 $0xD0;
	[tilespmem:$0x180] =	vst v29  }
0x53: {  	[tilespmem:s11], [sflag:$0x1] =	stream.indirect.gather [hbm4b:s6+s15], $0x40, s10, s15, $0xb8;
	[tilespmem:$0x15FA0] =	vst v63  }
0x54: {  	s12 =	simm.s32 $0x21A0;
	s11 =	simm.s32 $0x150  }
0x55: {  	[tilespmem:s12], [sflag:$0x1] =	stream.indirect.gather [hbm4b:s6+s18], $0x40, s11, s18, $0xb8;
	[tilespmem:$0x15FA0] =	vst v63  }
0x56: {  	_ =	swait.ge [sflag:s21], $0x2000  }
0x57: {  	[sflag:s21] =	ssyncset.done $0x0  }
0x58: {  	[sflag:s21] =	ssyncadd.s32 $0xFFFFE000  }
0x59: {  	_ =	swait.ge [sflag:s21], $0x1200  }
0x5a: {  	s4 =	sshll.u32 s4, $0x8;
	[sflag:s21] =	ssyncset.done $0x0  }
0x5b: {  	s4 =	sshra.s32 s4, $0x2;
	[sflag:s21] =	ssyncadd.s32 $0xFFFFEE00  }
0x5c: {  	[tilespmem:s4+$0x1A0] =	vst v27  }
0x5d: {  	[tilespmem:s4+$0x1B0] =	vst v27  }
0x5e: {  	[tilespmem:s4+$0x1C0] =	vst v27  }
0x5f: {  	s22 =	simm.s32 $0x33A0;
	s13 =	rddreg [dreg:$0x4];
	[tilespmem:s4+$0x1D0] =	vst v27  }
0x60: {  	[tilespmem:s22], [sflag:$0x9] =	stream.linear.gather [hbm4b:s13+s3], $0x6400, $0x38;
	[tilespmem:$0x15FA0] =	vst v63  }
0x61: {  	_ =	swait.ge [sflag:s14], $0x6400  }
0x62: {  	[sflag:s14] =	ssyncset.done $0x0  }
0x63: {  	[sflag:s14] =	ssyncadd.s32 $0xFFFF9C00  }
0x64: {  	[tilespmem:s23], [sflag:$0x1] =	stream.indirect.gather [hbm4b:s5+s15], $0x40, s22, s15, $0xb8;
	[tilespmem:$0x15FA0] =	vst v63  }
0x65: {  	s10 =	simm.s32 $0x3420  }
0x66: {  	[tilespmem:s25], [sflag:$0x1] =	stream.indirect.gather [hbm4b:s5+s18], $0x40, s10, s18, $0xb8;
	[tilespmem:$0x15FA0] =	vst v63  }
0x67: {  	s11 =	simm.s32 $0x3468  }
0x68: {  	[tilespmem:s28], [sflag:$0x2] =	stream.indirect.gather [hbm4b:s5+s15], $0x40, s11, s15, $0xb8;
	[tilespmem:$0x15FA0] =	vst v63  }
0x69: {  	s12 =	simm.s32 $0x34E8  }
0x6a: {  	[tilespmem:s30], [sflag:$0x2] =	stream.indirect.gather [hbm4b:s5+s18], $0x40, s12, s18, $0xb8;
	[tilespmem:$0x15FA0] =	vst v63  }
0x6b: {  	s13 =	simm.s32 $0x3530  }
0x6c: {  	[tilespmem:s0], [sflag:$0x3] =	stream.indirect.gather [hbm4b:s5+s15], $0x40, s13, s15, $0xb8;
	[tilespmem:$0x15FA0] =	vst v63  }
0x6d: {  	s22 =	simm.s32 $0x35B0  }
0x6e: {  	[tilespmem:s16], [sflag:$0x3] =	stream.indirect.gather [hbm4b:s5+s18], $0x40, s22, s18, $0xb8;
	[tilespmem:$0x15FA0] =	vst v63  }
0x6f: {  	_ =	swait.ge [sflag:s21], $0x3200  }
0x70: {  	[sflag:s21] =	ssyncset.done $0x0  }
0x71: {  	s10 =	simm.s32 $0x0;
	s11 =	simm.s32 $0x200;
	[sflag:s21] =	ssyncadd.s32 $0xFFFFCE00  }
.LBB2_2:
0x72: {  	p0 =	sne.s32 s11, $0xC600;
	v28 =	vld [tilespmem:s10+$0x210]  }
0x73: {  	v29 =	vld [tilespmem:s10+$0x1A0]  }
0x74: {  	v30 =	vld [tilespmem:s10+$0x1B0]  }
0x75: {  	v31 =	vld [tilespmem:s10+$0x1C0]  }
0x76: {  	v32 =	vld [tilespmem:s10+$0x1D0]  }
0x77: {  	[tilespmem:s10+$0x9810] =	vst.add.f32.msk $0xffff, v28  }
0x78: {  	v28 =	vld [tilespmem:s10+$0x1E0]  }
0x79: {  	v33 =	vld [tilespmem:s10+$0x1F0]  }
0x7a: {  	v34 =	vld [tilespmem:s10+$0x200]  }
0x7b: {  	[tilespmem:s10+$0x97A0] =	vst.add.f32.msk $0xffff, v29  }
0x7c: {  	[tilespmem:s10+$0x97B0] =	vst.add.f32.msk $0xffff, v30  }
.Ltmp0:
0x7d: {  	[tilespmem:s10+$0x97C0] =	vst.add.f32.msk $0xffff, v31;
	(pc) =	sbr.rel @p0 .LBB2_2-.Ltmp0, $4  }
0x7e: {  	[tilespmem:s10+$0x97D0] =	vst.add.f32.msk $0xffff, v32  }
0x7f: {  	[tilespmem:s10+$0x97E0] =	vst.add.f32.msk $0xffff, v28  }
0x80: {  	[tilespmem:s10+$0x97F0] =	vst.add.f32.msk $0xffff, v33  }
0x81: {  	[tilespmem:s10+$0x9800] =	vst.add.f32.msk $0xffff, v34;
	s10 =	sshra.s32 s11, $0x2;
	s11 =	sadd.s32 $0x200, s11  }
0x82: {  	v28 =	vld [tilespmem:s10+$0x210]  }
0x83: {  	v29 =	vld [tilespmem:s10+$0x1A0]  }
0x84: {  	v30 =	vld [tilespmem:s10+$0x1B0]  }
0x85: {  	v31 =	vld [tilespmem:s10+$0x1C0]  }
0x86: {  	v32 =	vld [tilespmem:s10+$0x1D0]  }
0x87: {  	v33 =	vld [tilespmem:s10+$0x1F0]  }
0x88: {  	v34 =	vld [tilespmem:s10+$0x200]  }
0x89: {  	[tilespmem:s10+$0x9810] =	vst.add.f32.msk $0xffff, v28  }
0x8a: {  	v28 =	vld [tilespmem:s10+$0x1E0]  }
0x8b: {  	[tilespmem:s10+$0x97A0] =	vst.add.f32.msk $0xffff, v29  }
0x8c: {  	[tilespmem:s10+$0x97B0] =	vst.add.f32.msk $0xffff, v30  }
0x8d: {  	[tilespmem:s10+$0x97C0] =	vst.add.f32.msk $0xffff, v31  }
0x8e: {  	[tilespmem:s10+$0x97D0] =	vst.add.f32.msk $0xffff, v32  }
0x8f: {  	[tilespmem:s10+$0x97F0] =	vst.add.f32.msk $0xffff, v33  }
0x90: {  	[tilespmem:s10+$0x9800] =	vst.add.f32.msk $0xffff, v34  }
0x91: {  	s4 =	rddreg [dreg:$0x5];
	[tilespmem:s10+$0x97E0] =	vst.add.f32.msk $0xffff, v28;
	s10 =	simm.s32 $0x0  }
0x92: {  	[hbm4b:s4+s10] =	stream.linear.scatter [tilespmem:s23], [sflag:$0x5], $0x3200, $0x38;
	[tilespmem:$0x15FA0] =	vst v63  }
0x93: {  	s13 =	simm.s32 $0x35F8  }
0x94: {  	[tilespmem:s19], [sflag:$0x4] =	stream.indirect.gather [hbm4b:s5+s15], $0x40, s13, s15, $0xb8;
	[tilespmem:$0x15FA0] =	vst v63  }
0x95: {  	s22 =	simm.s32 $0x3678  }
0x96: {  	[tilespmem:s24], [sflag:$0x4] =	stream.indirect.gather [hbm4b:s5+s18], $0x40, s22, s18, $0xb8;
	[tilespmem:$0x15FA0] =	vst v63  }
.LBB2_4:
0x97: {  	_ =	swait.ge [sflag:s26], $0x3200  }
0x98: {  	[sflag:s26] =	ssyncset.done $0x0  }
0x99: {  	s11 =	simm.s32 $0x0;
	s12 =	simm.s32 $0x200;
	[sflag:s26] =	ssyncadd.s32 $0xFFFFCE00  }
.LBB2_5:
0x9a: {  	p0 =	sne.s32 s12, $0xC600;
	v28 =	vld [tilespmem:s11+$0x210]  }
0x9b: {  	v29 =	vld [tilespmem:s11+$0x1A0]  }
0x9c: {  	v30 =	vld [tilespmem:s11+$0x1B0]  }
0x9d: {  	v31 =	vld [tilespmem:s11+$0x1C0]  }
0x9e: {  	v32 =	vld [tilespmem:s11+$0x1D0]  }
0x9f: {  	[tilespmem:s11+$0xCA10] =	vst.add.f32.msk $0xffff, v28  }
0xa0: {  	v28 =	vld [tilespmem:s11+$0x1E0]  }
0xa1: {  	v33 =	vld [tilespmem:s11+$0x1F0]  }
0xa2: {  	v34 =	vld [tilespmem:s11+$0x200]  }
0xa3: {  	[tilespmem:s11+$0xC9A0] =	vst.add.f32.msk $0xffff, v29  }
0xa4: {  	[tilespmem:s11+$0xC9B0] =	vst.add.f32.msk $0xffff, v30  }
.Ltmp1:
0xa5: {  	[tilespmem:s11+$0xC9C0] =	vst.add.f32.msk $0xffff, v31;
	(pc) =	sbr.rel @p0 .LBB2_5-.Ltmp1, $4  }
0xa6: {  	[tilespmem:s11+$0xC9D0] =	vst.add.f32.msk $0xffff, v32  }
0xa7: {  	[tilespmem:s11+$0xC9E0] =	vst.add.f32.msk $0xffff, v28  }
0xa8: {  	[tilespmem:s11+$0xC9F0] =	vst.add.f32.msk $0xffff, v33  }
0xa9: {  	[tilespmem:s11+$0xCA00] =	vst.add.f32.msk $0xffff, v34;
	s11 =	sshra.s32 s12, $0x2;
	s12 =	sadd.s32 $0x200, s12  }
0xaa: {  	v28 =	vld [tilespmem:s11+$0x210]  }
0xab: {  	v29 =	vld [tilespmem:s11+$0x1A0]  }
0xac: {  	v30 =	vld [tilespmem:s11+$0x1B0]  }
0xad: {  	v31 =	vld [tilespmem:s11+$0x1C0]  }
0xae: {  	v32 =	vld [tilespmem:s11+$0x1D0]  }
0xaf: {  	v33 =	vld [tilespmem:s11+$0x1F0]  }
0xb0: {  	v34 =	vld [tilespmem:s11+$0x200]  }
0xb1: {  	[tilespmem:s11+$0xCA10] =	vst.add.f32.msk $0xffff, v28  }
0xb2: {  	v28 =	vld [tilespmem:s11+$0x1E0]  }
0xb3: {  	[tilespmem:s11+$0xC9A0] =	vst.add.f32.msk $0xffff, v29  }
0xb4: {  	s4 =	sshll.u32 s10, $0x2;
	[tilespmem:s11+$0xC9B0] =	vst.add.f32.msk $0xffff, v30  }
0xb5: {  	s12 =	sadd.s32 s4, s7;
	[tilespmem:s11+$0xC9C0] =	vst.add.f32.msk $0xffff, v31  }
0xb6: {  	s12 =	smul.u32 $0x640, s12;
	[tilespmem:s11+$0xC9D0] =	vst.add.f32.msk $0xffff, v32  }
0xb7: {  	[tilespmem:s11+$0xC9F0] =	vst.add.f32.msk $0xffff, v33  }
0xb8: {  	s12 =	sadd.s32 s2, s12;
	[tilespmem:s11+$0xCA00] =	vst.add.f32.msk $0xffff, v34  }
0xb9: {  	s13 =	simm.s32 $0x0;
	s22 =	sadd.s32 $0x640, s12;
	[tilespmem:s11+$0xC9E0] =	vst.add.f32.msk $0xffff, v28;
	s11 =	sadd.s32 $0x4, s4  }
0xba: {  	[hbm4b:s22+s13] =	stream.linear.scatter [tilespmem:s28], [sflag:$0x6], $0x3200, $0x38;
	[tilespmem:$0x15FA0] =	vst v63  }
0xbb: {  	s4 =	smul.u32 $0x320, s11  }
0xbc: {  	_ =	swait.ge [sflag:s29], $0x3200  }
0xbd: {  	[sflag:s29] =	ssyncset.done $0x0;
	s4 =	sshra.s32 s4, $0x2  }
0xbe: {  	[sflag:s29] =	ssyncadd.s32 $0xFFFFCE00;
	s22 =	sadd.s32 $0x33A0, s4  }
0xbf: {  	[tilespmem:s23], [sflag:$0x1] =	stream.indirect.gather [hbm4b:s5+s15], $0x40, s22, s15, $0xb8;
	[tilespmem:$0x15FA0] =	vst v63  }
0xc0: {  	s4 =	sadd.s32 $0x3420, s4  }
0xc1: {  	[tilespmem:s25], [sflag:$0x1] =	stream.indirect.gather [hbm4b:s5+s18], $0x40, s4, s18, $0xb8;
	[tilespmem:$0x15FA0] =	vst v63  }
0xc2: {  	_ =	swait.ge [sflag:s31], $0x3200  }
0xc3: {  	[sflag:s31] =	ssyncset.done $0x0  }
0xc4: {  	s13 =	simm.s32 $0x0;
	s22 =	simm.s32 $0x200;
	[sflag:s31] =	ssyncadd.s32 $0xFFFFCE00  }
.LBB2_7:
0xc5: {  	p0 =	sne.s32 s22, $0xC600;
	v28 =	vld [tilespmem:s13+$0x210]  }
0xc6: {  	v29 =	vld [tilespmem:s13+$0x1A0]  }
0xc7: {  	v30 =	vld [tilespmem:s13+$0x1B0]  }
0xc8: {  	v31 =	vld [tilespmem:s13+$0x1C0]  }
0xc9: {  	v32 =	vld [tilespmem:s13+$0x1D0]  }
0xca: {  	[tilespmem:s13+$0xFC10] =	vst.add.f32.msk $0xffff, v28  }
0xcb: {  	v28 =	vld [tilespmem:s13+$0x1E0]  }
0xcc: {  	v33 =	vld [tilespmem:s13+$0x1F0]  }
0xcd: {  	v34 =	vld [tilespmem:s13+$0x200]  }
0xce: {  	[tilespmem:s13+$0xFBA0] =	vst.add.f32.msk $0xffff, v29  }
0xcf: {  	[tilespmem:s13+$0xFBB0] =	vst.add.f32.msk $0xffff, v30  }
.Ltmp2:
0xd0: {  	[tilespmem:s13+$0xFBC0] =	vst.add.f32.msk $0xffff, v31;
	(pc) =	sbr.rel @p0 .LBB2_7-.Ltmp2, $4  }
0xd1: {  	[tilespmem:s13+$0xFBD0] =	vst.add.f32.msk $0xffff, v32  }
0xd2: {  	[tilespmem:s13+$0xFBE0] =	vst.add.f32.msk $0xffff, v28  }
0xd3: {  	[tilespmem:s13+$0xFBF0] =	vst.add.f32.msk $0xffff, v33  }
0xd4: {  	[tilespmem:s13+$0xFC00] =	vst.add.f32.msk $0xffff, v34;
	s13 =	sshra.s32 s22, $0x2;
	s22 =	sadd.s32 $0x200, s22  }
0xd5: {  	v28 =	vld [tilespmem:s13+$0x210]  }
0xd6: {  	v29 =	vld [tilespmem:s13+$0x1A0]  }
0xd7: {  	v30 =	vld [tilespmem:s13+$0x1B0]  }
0xd8: {  	v31 =	vld [tilespmem:s13+$0x1C0]  }
0xd9: {  	v32 =	vld [tilespmem:s13+$0x1D0]  }
0xda: {  	v33 =	vld [tilespmem:s13+$0x1F0]  }
0xdb: {  	v34 =	vld [tilespmem:s13+$0x200]  }
0xdc: {  	[tilespmem:s13+$0xFC10] =	vst.add.f32.msk $0xffff, v28  }
0xdd: {  	v28 =	vld [tilespmem:s13+$0x1E0]  }
0xde: {  	[tilespmem:s13+$0xFBA0] =	vst.add.f32.msk $0xffff, v29  }
0xdf: {  	[tilespmem:s13+$0xFBB0] =	vst.add.f32.msk $0xffff, v30  }
0xe0: {  	[tilespmem:s13+$0xFBC0] =	vst.add.f32.msk $0xffff, v31  }
0xe1: {  	[tilespmem:s13+$0xFBD0] =	vst.add.f32.msk $0xffff, v32  }
0xe2: {  	[tilespmem:s13+$0xFBF0] =	vst.add.f32.msk $0xffff, v33  }
0xe3: {  	[tilespmem:s13+$0xFC00] =	vst.add.f32.msk $0xffff, v34  }
0xe4: {  	s4 =	sadd.s32 $0xC80, s12;
	s22 =	simm.s32 $0x0;
	[tilespmem:s13+$0xFBE0] =	vst.add.f32.msk $0xffff, v28;
	s13 =	smul.u32 $0xC80, s10  }
0xe5: {  	[hbm4b:s4+s22] =	stream.linear.scatter [tilespmem:s0], [sflag:$0x7], $0x3200, $0x38;
	[tilespmem:$0x15FA0] =	vst v63  }
0xe6: {  	_ =	swait.ge [sflag:s1], $0x3200  }
0xe7: {  	s13 =	sshra.s32 s13, $0x2;
	[sflag:s1] =	ssyncset.done $0x0  }
0xe8: {  	s4 =	sadd.s32 $0x3788, s13;
	[sflag:s1] =	ssyncadd.s32 $0xFFFFCE00  }
0xe9: {  	[tilespmem:s28], [sflag:$0x2] =	stream.indirect.gather [hbm4b:s5+s15], $0x40, s4, s15, $0xb8;
	[tilespmem:$0x15FA0] =	vst v63  }
0xea: {  	s22 =	sadd.s32 $0x3808, s13  }
0xeb: {  	[tilespmem:s30], [sflag:$0x2] =	stream.indirect.gather [hbm4b:s5+s18], $0x40, s22, s18, $0xb8;
	[tilespmem:$0x15FA0] =	vst v63  }
0xec: {  	_ =	swait.ge [sflag:s17], $0x3200  }
0xed: {  	[sflag:s17] =	ssyncset.done $0x0  }
0xee: {  	s4 =	simm.s32 $0x200;
	s22 =	simm.s32 $0x0;
	[sflag:s17] =	ssyncadd.s32 $0xFFFFCE00  }
.LBB2_9:
0xef: {  	p0 =	sne.s32 s4, $0xC600;
	v28 =	vld [tilespmem:s22+$0x210]  }
0xf0: {  	v29 =	vld [tilespmem:s22+$0x1A0]  }
0xf1: {  	v30 =	vld [tilespmem:s22+$0x1B0]  }
0xf2: {  	v31 =	vld [tilespmem:s22+$0x1C0]  }
0xf3: {  	v32 =	vld [tilespmem:s22+$0x1D0]  }
0xf4: {  	[tilespmem:s22+$0x12E10] =	vst.add.f32.msk $0xffff, v28  }
0xf5: {  	v28 =	vld [tilespmem:s22+$0x1E0]  }
0xf6: {  	v33 =	vld [tilespmem:s22+$0x1F0]  }
0xf7: {  	v34 =	vld [tilespmem:s22+$0x200]  }
0xf8: {  	[tilespmem:s22+$0x12DA0] =	vst.add.f32.msk $0xffff, v29  }
0xf9: {  	[tilespmem:s22+$0x12DB0] =	vst.add.f32.msk $0xffff, v30  }
.Ltmp3:
0xfa: {  	[tilespmem:s22+$0x12DC0] =	vst.add.f32.msk $0xffff, v31;
	(pc) =	sbr.rel @p0 .LBB2_9-.Ltmp3, $4  }
0xfb: {  	[tilespmem:s22+$0x12DD0] =	vst.add.f32.msk $0xffff, v32  }
0xfc: {  	[tilespmem:s22+$0x12DE0] =	vst.add.f32.msk $0xffff, v28  }
0xfd: {  	[tilespmem:s22+$0x12DF0] =	vst.add.f32.msk $0xffff, v33  }
0xfe: {  	[tilespmem:s22+$0x12E00] =	vst.add.f32.msk $0xffff, v34;
	s22 =	sshra.s32 s4, $0x2;
	s4 =	sadd.s32 $0x200, s4  }
0xff: {  	v28 =	vld [tilespmem:s22+$0x210]  }
0x100: {  	v29 =	vld [tilespmem:s22+$0x1A0]  }
0x101: {  	v30 =	vld [tilespmem:s22+$0x1B0]  }
0x102: {  	v31 =	vld [tilespmem:s22+$0x1C0]  }
0x103: {  	v32 =	vld [tilespmem:s22+$0x1D0]  }
0x104: {  	v33 =	vld [tilespmem:s22+$0x1F0]  }
0x105: {  	v34 =	vld [tilespmem:s22+$0x200]  }
0x106: {  	[tilespmem:s22+$0x12E10] =	vst.add.f32.msk $0xffff, v28  }
0x107: {  	v28 =	vld [tilespmem:s22+$0x1E0]  }
0x108: {  	[tilespmem:s22+$0x12DA0] =	vst.add.f32.msk $0xffff, v29  }
0x109: {  	[tilespmem:s22+$0x12DB0] =	vst.add.f32.msk $0xffff, v30  }
0x10a: {  	[tilespmem:s22+$0x12DC0] =	vst.add.f32.msk $0xffff, v31  }
0x10b: {  	[tilespmem:s22+$0x12DD0] =	vst.add.f32.msk $0xffff, v32  }
0x10c: {  	[tilespmem:s22+$0x12DF0] =	vst.add.f32.msk $0xffff, v33  }
0x10d: {  	[tilespmem:s22+$0x12E00] =	vst.add.f32.msk $0xffff, v34  }
0x10e: {  	s4 =	sadd.s32 $0x12C0, s12;
	[tilespmem:s22+$0x12DE0] =	vst.add.f32.msk $0xffff, v28;
	s22 =	simm.s32 $0x0  }
0x10f: {  	[hbm4b:s4+s22] =	stream.linear.scatter [tilespmem:s19], [sflag:$0x8], $0x3200, $0x38;
	[tilespmem:$0x15FA0] =	vst v63  }
0x110: {  	_ =	swait.ge [sflag:s20], $0x3200  }
0x111: {  	[sflag:s20] =	ssyncset.done $0x0  }
0x112: {  	s12 =	sadd.s32 $0x3850, s13;
	[sflag:s20] =	ssyncadd.s32 $0xFFFFCE00  }
0x113: {  	[tilespmem:s0], [sflag:$0x3] =	stream.indirect.gather [hbm4b:s5+s15], $0x40, s12, s15, $0xb8;
	[tilespmem:$0x15FA0] =	vst v63  }
0x114: {  	s22 =	sadd.s32 $0x38D0, s13  }
0x115: {  	[tilespmem:s16], [sflag:$0x3] =	stream.indirect.gather [hbm4b:s5+s18], $0x40, s22, s18, $0xb8;
	[tilespmem:$0x15FA0] =	vst v63  }
0x116: {  	_ =	swait.ge [sflag:s21], $0x3200  }
0x117: {  	[sflag:s21] =	ssyncset.done $0x0  }
0x118: {  	s4 =	simm.s32 $0x200;
	s12 =	simm.s32 $0x0;
	[sflag:s21] =	ssyncadd.s32 $0xFFFFCE00  }
.LBB2_11:
0x119: {  	p0 =	sne.s32 s4, $0xC600;
	v28 =	vld [tilespmem:s12+$0x210]  }
0x11a: {  	v29 =	vld [tilespmem:s12+$0x1A0]  }
0x11b: {  	v30 =	vld [tilespmem:s12+$0x1B0]  }
0x11c: {  	v31 =	vld [tilespmem:s12+$0x1C0]  }
0x11d: {  	v32 =	vld [tilespmem:s12+$0x1D0]  }
0x11e: {  	[tilespmem:s12+$0x9810] =	vst.add.f32.msk $0xffff, v28  }
0x11f: {  	v28 =	vld [tilespmem:s12+$0x1E0]  }
0x120: {  	v33 =	vld [tilespmem:s12+$0x1F0]  }
0x121: {  	v34 =	vld [tilespmem:s12+$0x200]  }
0x122: {  	[tilespmem:s12+$0x97A0] =	vst.add.f32.msk $0xffff, v29  }
0x123: {  	[tilespmem:s12+$0x97B0] =	vst.add.f32.msk $0xffff, v30  }
.Ltmp4:
0x124: {  	[tilespmem:s12+$0x97C0] =	vst.add.f32.msk $0xffff, v31;
	(pc) =	sbr.rel @p0 .LBB2_11-.Ltmp4, $4  }
0x125: {  	[tilespmem:s12+$0x97D0] =	vst.add.f32.msk $0xffff, v32  }
0x126: {  	[tilespmem:s12+$0x97E0] =	vst.add.f32.msk $0xffff, v28  }
0x127: {  	[tilespmem:s12+$0x97F0] =	vst.add.f32.msk $0xffff, v33  }
0x128: {  	[tilespmem:s12+$0x9800] =	vst.add.f32.msk $0xffff, v34;
	s12 =	sshra.s32 s4, $0x2;
	s4 =	sadd.s32 $0x200, s4  }
0x129: {  	v28 =	vld [tilespmem:s12+$0x210]  }
0x12a: {  	v29 =	vld [tilespmem:s12+$0x1A0]  }
0x12b: {  	v30 =	vld [tilespmem:s12+$0x1B0]  }
0x12c: {  	v31 =	vld [tilespmem:s12+$0x1C0]  }
0x12d: {  	v32 =	vld [tilespmem:s12+$0x1D0]  }
0x12e: {  	v33 =	vld [tilespmem:s12+$0x1F0]  }
0x12f: {  	v34 =	vld [tilespmem:s12+$0x200]  }
0x130: {  	[tilespmem:s12+$0x9810] =	vst.add.f32.msk $0xffff, v28  }
0x131: {  	v28 =	vld [tilespmem:s12+$0x1E0]  }
0x132: {  	[tilespmem:s12+$0x97A0] =	vst.add.f32.msk $0xffff, v29  }
0x133: {  	[tilespmem:s12+$0x97B0] =	vst.add.f32.msk $0xffff, v30  }
0x134: {  	[tilespmem:s12+$0x97C0] =	vst.add.f32.msk $0xffff, v31  }
0x135: {  	s4 =	sadd.s32 s7, s11;
	[tilespmem:s12+$0x97D0] =	vst.add.f32.msk $0xffff, v32  }
0x136: {  	s4 =	smul.u32 $0x640, s4;
	[tilespmem:s12+$0x97F0] =	vst.add.f32.msk $0xffff, v33  }
0x137: {  	[tilespmem:s12+$0x9800] =	vst.add.f32.msk $0xffff, v34  }
0x138: {  	s10 =	sadd.s32 $0x1, s10;
	s4 =	sadd.s32 s2, s4;
	[tilespmem:s12+$0x97E0] =	vst.add.f32.msk $0xffff, v28  }
0x139: {  	[hbm4b:s4+s3] =	stream.linear.scatter [tilespmem:s23], [sflag:$0x5], $0x3200, $0x38;
	[tilespmem:$0x15FA0] =	vst v63  }
0x13a: {  	p0 =	sne.s32 s10, $0x1F;
	_ =	swait.ge [sflag:s8], $0x3200  }
.Ltmp5:
0x13b: {  	[sflag:s8] =	ssyncset.done $0x0;
	(pc) =	sbr.rel @p0 .LBB2_4-.Ltmp5, $4  }
0x13c: {  	s12 =	sadd.s32 $0x3918, s13;
	[sflag:s8] =	ssyncadd.s32 $0xFFFFCE00  }
0x13d: {  	[tilespmem:s19], [sflag:$0x4] =	stream.indirect.gather [hbm4b:s5+s15], $0x40, s12, s15, $0xb8;
	[tilespmem:$0x15FA0] =	vst v63  }
0x13e: {  	s22 =	sadd.s32 $0x3998, s13  }
0x13f: {  	[tilespmem:s24], [sflag:$0x4] =	stream.indirect.gather [hbm4b:s5+s18], $0x40, s22, s18, $0xb8;
	[tilespmem:$0x15FA0] =	vst v63  }
0x140: {  	_ =	swait.ge [sflag:s26], $0x3200  }
0x141: {  	[sflag:s26] =	ssyncset.done $0x0  }
0x142: {  	s10 =	simm.s32 $0x0;
	s4 =	simm.s32 $0x200;
	[sflag:s26] =	ssyncadd.s32 $0xFFFFCE00  }
.LBB2_14:
0x143: {  	p0 =	sne.s32 s4, $0xC600;
	v28 =	vld [tilespmem:s10+$0x210]  }
0x144: {  	v29 =	vld [tilespmem:s10+$0x1A0]  }
0x145: {  	v30 =	vld [tilespmem:s10+$0x1B0]  }
0x146: {  	v31 =	vld [tilespmem:s10+$0x1C0]  }
0x147: {  	v32 =	vld [tilespmem:s10+$0x1D0]  }
0x148: {  	[tilespmem:s10+$0xCA10] =	vst.add.f32.msk $0xffff, v28  }
0x149: {  	v28 =	vld [tilespmem:s10+$0x1E0]  }
0x14a: {  	v33 =	vld [tilespmem:s10+$0x1F0]  }
0x14b: {  	v34 =	vld [tilespmem:s10+$0x200]  }
0x14c: {  	[tilespmem:s10+$0xC9A0] =	vst.add.f32.msk $0xffff, v29  }
0x14d: {  	[tilespmem:s10+$0xC9B0] =	vst.add.f32.msk $0xffff, v30  }
.Ltmp6:
0x14e: {  	[tilespmem:s10+$0xC9C0] =	vst.add.f32.msk $0xffff, v31;
	(pc) =	sbr.rel @p0 .LBB2_14-.Ltmp6, $4  }
0x14f: {  	[tilespmem:s10+$0xC9D0] =	vst.add.f32.msk $0xffff, v32  }
0x150: {  	[tilespmem:s10+$0xC9E0] =	vst.add.f32.msk $0xffff, v28  }
0x151: {  	[tilespmem:s10+$0xC9F0] =	vst.add.f32.msk $0xffff, v33  }
0x152: {  	[tilespmem:s10+$0xCA00] =	vst.add.f32.msk $0xffff, v34;
	s10 =	sshra.s32 s4, $0x2;
	s4 =	sadd.s32 $0x200, s4  }
0x153: {  	v28 =	vld [tilespmem:s10+$0x210]  }
0x154: {  	v29 =	vld [tilespmem:s10+$0x1A0]  }
0x155: {  	v30 =	vld [tilespmem:s10+$0x1B0]  }
0x156: {  	v31 =	vld [tilespmem:s10+$0x1C0]  }
0x157: {  	v32 =	vld [tilespmem:s10+$0x1D0]  }
0x158: {  	v33 =	vld [tilespmem:s10+$0x1F0]  }
0x159: {  	v34 =	vld [tilespmem:s10+$0x200]  }
0x15a: {  	[tilespmem:s10+$0xCA10] =	vst.add.f32.msk $0xffff, v28  }
0x15b: {  	v28 =	vld [tilespmem:s10+$0x1E0]  }
0x15c: {  	[tilespmem:s10+$0xC9A0] =	vst.add.f32.msk $0xffff, v29  }
0x15d: {  	[tilespmem:s10+$0xC9B0] =	vst.add.f32.msk $0xffff, v30  }
0x15e: {  	[tilespmem:s10+$0xC9C0] =	vst.add.f32.msk $0xffff, v31  }
0x15f: {  	[tilespmem:s10+$0xC9D0] =	vst.add.f32.msk $0xffff, v32  }
0x160: {  	[tilespmem:s10+$0xC9F0] =	vst.add.f32.msk $0xffff, v33  }
0x161: {  	[tilespmem:s10+$0xCA00] =	vst.add.f32.msk $0xffff, v34  }
0x162: {  	s4 =	simm.s32 $0x0;
	s22 =	rddreg [dreg:$0x6];
	[tilespmem:s10+$0xC9E0] =	vst.add.f32.msk $0xffff, v28  }
0x163: {  	[hbm4b:s22+s4] =	stream.linear.scatter [tilespmem:s28], [sflag:$0x6], $0x3200, $0x38;
	[tilespmem:$0x15FA0] =	vst v63  }
0x164: {  	_ =	swait.ge [sflag:s31], $0x3200  }
0x165: {  	[sflag:s31] =	ssyncset.done $0x0  }
0x166: {  	s10 =	simm.s32 $0x0;
	s4 =	simm.s32 $0x200;
	[sflag:s31] =	ssyncadd.s32 $0xFFFFCE00  }
.LBB2_16:
0x167: {  	p0 =	sne.s32 s4, $0xC600;
	v28 =	vld [tilespmem:s10+$0x210]  }
0x168: {  	v29 =	vld [tilespmem:s10+$0x1A0]  }
0x169: {  	v30 =	vld [tilespmem:s10+$0x1B0]  }
0x16a: {  	v31 =	vld [tilespmem:s10+$0x1C0]  }
0x16b: {  	v32 =	vld [tilespmem:s10+$0x1D0]  }
0x16c: {  	[tilespmem:s10+$0xFC10] =	vst.add.f32.msk $0xffff, v28  }
0x16d: {  	v28 =	vld [tilespmem:s10+$0x1E0]  }
0x16e: {  	v33 =	vld [tilespmem:s10+$0x1F0]  }
0x16f: {  	v34 =	vld [tilespmem:s10+$0x200]  }
0x170: {  	[tilespmem:s10+$0xFBA0] =	vst.add.f32.msk $0xffff, v29  }
0x171: {  	[tilespmem:s10+$0xFBB0] =	vst.add.f32.msk $0xffff, v30  }
.Ltmp7:
0x172: {  	[tilespmem:s10+$0xFBC0] =	vst.add.f32.msk $0xffff, v31;
	(pc) =	sbr.rel @p0 .LBB2_16-.Ltmp7, $4  }
0x173: {  	[tilespmem:s10+$0xFBD0] =	vst.add.f32.msk $0xffff, v32  }
0x174: {  	[tilespmem:s10+$0xFBE0] =	vst.add.f32.msk $0xffff, v28  }
0x175: {  	[tilespmem:s10+$0xFBF0] =	vst.add.f32.msk $0xffff, v33  }
0x176: {  	[tilespmem:s10+$0xFC00] =	vst.add.f32.msk $0xffff, v34;
	s10 =	sshra.s32 s4, $0x2;
	s4 =	sadd.s32 $0x200, s4  }
0x177: {  	v28 =	vld [tilespmem:s10+$0x210]  }
0x178: {  	v29 =	vld [tilespmem:s10+$0x1A0]  }
0x179: {  	v30 =	vld [tilespmem:s10+$0x1B0]  }
0x17a: {  	v31 =	vld [tilespmem:s10+$0x1C0]  }
0x17b: {  	v32 =	vld [tilespmem:s10+$0x1D0]  }
0x17c: {  	v33 =	vld [tilespmem:s10+$0x1F0]  }
0x17d: {  	v34 =	vld [tilespmem:s10+$0x200]  }
0x17e: {  	[tilespmem:s10+$0xFC10] =	vst.add.f32.msk $0xffff, v28  }
0x17f: {  	v28 =	vld [tilespmem:s10+$0x1E0]  }
0x180: {  	[tilespmem:s10+$0xFBA0] =	vst.add.f32.msk $0xffff, v29  }
0x181: {  	[tilespmem:s10+$0xFBB0] =	vst.add.f32.msk $0xffff, v30  }
0x182: {  	[tilespmem:s10+$0xFBC0] =	vst.add.f32.msk $0xffff, v31  }
0x183: {  	[tilespmem:s10+$0xFBD0] =	vst.add.f32.msk $0xffff, v32  }
0x184: {  	[tilespmem:s10+$0xFBF0] =	vst.add.f32.msk $0xffff, v33  }
0x185: {  	[tilespmem:s10+$0xFC00] =	vst.add.f32.msk $0xffff, v34  }
0x186: {  	s4 =	simm.s32 $0x0;
	s22 =	rddreg [dreg:$0x7];
	[tilespmem:s10+$0xFBE0] =	vst.add.f32.msk $0xffff, v28  }
0x187: {  	[hbm4b:s22+s4] =	stream.linear.scatter [tilespmem:s0], [sflag:$0x7], $0x3200, $0x38;
	[tilespmem:$0x15FA0] =	vst v63  }
0x188: {  	_ =	swait.ge [sflag:s17], $0x3200  }
0x189: {  	[sflag:s17] =	ssyncset.done $0x0  }
0x18a: {  	s10 =	simm.s32 $0x0;
	s4 =	simm.s32 $0x200;
	[sflag:s17] =	ssyncadd.s32 $0xFFFFCE00  }
.LBB2_18:
0x18b: {  	p0 =	sne.s32 s4, $0xC600;
	v28 =	vld [tilespmem:s10+$0x210]  }
0x18c: {  	v29 =	vld [tilespmem:s10+$0x1A0]  }
0x18d: {  	v30 =	vld [tilespmem:s10+$0x1B0]  }
0x18e: {  	v31 =	vld [tilespmem:s10+$0x1C0]  }
0x18f: {  	v32 =	vld [tilespmem:s10+$0x1D0]  }
0x190: {  	[tilespmem:s10+$0x12E10] =	vst.add.f32.msk $0xffff, v28  }
0x191: {  	v28 =	vld [tilespmem:s10+$0x1E0]  }
0x192: {  	v33 =	vld [tilespmem:s10+$0x1F0]  }
0x193: {  	v34 =	vld [tilespmem:s10+$0x200]  }
0x194: {  	[tilespmem:s10+$0x12DA0] =	vst.add.f32.msk $0xffff, v29  }
0x195: {  	[tilespmem:s10+$0x12DB0] =	vst.add.f32.msk $0xffff, v30  }
.Ltmp8:
0x196: {  	[tilespmem:s10+$0x12DC0] =	vst.add.f32.msk $0xffff, v31;
	(pc) =	sbr.rel @p0 .LBB2_18-.Ltmp8, $4  }
0x197: {  	[tilespmem:s10+$0x12DD0] =	vst.add.f32.msk $0xffff, v32  }
0x198: {  	[tilespmem:s10+$0x12DE0] =	vst.add.f32.msk $0xffff, v28  }
0x199: {  	[tilespmem:s10+$0x12DF0] =	vst.add.f32.msk $0xffff, v33  }
0x19a: {  	[tilespmem:s10+$0x12E00] =	vst.add.f32.msk $0xffff, v34;
	s10 =	sshra.s32 s4, $0x2;
	s4 =	sadd.s32 $0x200, s4  }
0x19b: {  	v28 =	vld [tilespmem:s10+$0x210]  }
0x19c: {  	v29 =	vld [tilespmem:s10+$0x1A0]  }
0x19d: {  	v30 =	vld [tilespmem:s10+$0x1B0]  }
0x19e: {  	v31 =	vld [tilespmem:s10+$0x1C0]  }
0x19f: {  	v32 =	vld [tilespmem:s10+$0x1D0]  }
0x1a0: {  	v33 =	vld [tilespmem:s10+$0x1F0]  }
0x1a1: {  	v34 =	vld [tilespmem:s10+$0x200]  }
0x1a2: {  	[tilespmem:s10+$0x12E10] =	vst.add.f32.msk $0xffff, v28  }
0x1a3: {  	v28 =	vld [tilespmem:s10+$0x1E0]  }
0x1a4: {  	[tilespmem:s10+$0x12DA0] =	vst.add.f32.msk $0xffff, v29  }
0x1a5: {  	[tilespmem:s10+$0x12DB0] =	vst.add.f32.msk $0xffff, v30  }
0x1a6: {  	[tilespmem:s10+$0x12DC0] =	vst.add.f32.msk $0xffff, v31  }
0x1a7: {  	[tilespmem:s10+$0x12DD0] =	vst.add.f32.msk $0xffff, v32  }
0x1a8: {  	[tilespmem:s10+$0x12DF0] =	vst.add.f32.msk $0xffff, v33  }
0x1a9: {  	[tilespmem:s10+$0x12E00] =	vst.add.f32.msk $0xffff, v34  }
0x1aa: {  	s4 =	rddreg [dreg:$0x8];
	[tilespmem:s10+$0x12DE0] =	vst.add.f32.msk $0xffff, v28  }
0x1ab: {  	[hbm4b:s4+s3] =	stream.linear.scatter [tilespmem:s19], [sflag:$0x8], $0x3200, $0x38;
	[tilespmem:$0x15FA0] =	vst v63  }
0x1ac: {  	_ =	swait.ge [sflag:s29], $0x3200  }
0x1ad: {  	[sflag:s29] =	ssyncset.done $0x0  }
0x1ae: {  	[sflag:s29] =	ssyncadd.s32 $0xFFFFCE00  }
0x1af: {  	_ =	swait.ge [sflag:s1], $0x3200  }
0x1b0: {  	[sflag:s1] =	ssyncset.done $0x0  }
0x1b1: {  	[sflag:s1] =	ssyncadd.s32 $0xFFFFCE00  }
0x1b2: {  	_ =	swait.ge [sflag:s20], $0x3200  }
0x1b3: {  	[sflag:s20] =	ssyncset.done $0x0  }
0x1b4: {  	[sflag:s20] =	ssyncadd.s32 $0xFFFFCE00  }
0x1b5: {  	_ =	swait.ge [sflag:s8], $0x3200  }
0x1b6: {  	s9 =	sadd.s32 $0x1, s9;
	s22 =	rddreg [dreg:$0x9]  }
0x1b7: {  	p0 =	sne.s32 s9, s22  }
.Ltmp9:
0x1b8: {  	_ = 	snop;
	(pc) =	sbr.rel @p0 .LBB2_1-.Ltmp9, $3  }
0x1b9: {  	_ =	sdelay $0x1  }
0x1ba: {  	[sflag:s8] =	ssyncset.done $0x0  }
0x1bb: {  	[sflag:s8] =	ssyncadd.s32 $0xFFFFCE00  }
0x1bc: {  	_ =	sfence.sel $0x180000  }
0x1bd: {  	[bflag:$0x0] =	sbarrier.arrive $0xFFFF  }
0x1be: {  	_ =	strace $0x90000047  }
0x1bf: {  	s0 =	stileid.u32;
	[bflag:$0x2] =	sbarrier.arrive $0xFFFF  }
0x1c0: {  	p0 =	sne.s32 s0, $0x0;
	s0 =	rddreg [dreg:$0x2]  }
0x1c1: {  	s0 =	sadd.s32 @!p0 $0x100000, s0  }
0x1c2: {  	[sflag:s0] =	ssyncadd.tile.s32 @!p0 $0x1;
	_ =	shalt  }
.Lfunc_end2:
_tile_overlayer_lowered:
.L_overlay_start_2:
0x1c3: {  	(tag) =	ssettag $0x2  }
0x1c4: {  	s0 =	rddreg [dreg:$0x0];
	s2 =	stileid.u32  }
0x1c5: {  	s1 =	rddreg [dreg:$0x1];
	p0 =	sne.s32 s2, $0x0  }
0x1c6: {  	s3 =	rddreg [dreg:$0x2];
	[bflag:$0x3] =	sbarrier.arrive $0xFFFF;
	s2 =	simm.s32 @!p0 $0x1C09  }
0x1c7: {  	[timem:s3], [sflag:s2] =	dma.local @!p0 [hbm:s0], s1  }
0x1c8: {  	s0 =	simm.s32 @!p0 $0x9  }
0x1c9: {  	_ =	swait.ge @!p0 [sflag:s0], s1  }
0x1ca: {  	s1 =	ssub.s32 @!p0 $0x0, s1;
	[sflag:s0] =	ssyncset.done @!p0 $0x0  }
0x1cb: {  	[sflag:s0] =	ssyncadd.s32 @!p0 s1  }
0x1cc: {  	[bflag:$0x3] =	sbarrier.arrive $0xFFFF  }
0x1cd: {  	_ =	shalt  }

// kernel: sparse-core-data-format-call.cloned.1.call-start
scs
called_computation_lowered:
.L_overlay_start_0:
0x0: {  	s2 =	sld [smem:$0x3FD9]  }
0x1: {  	s3 =	sld [smem:$0x3FFE];
	_ =	sdelay $0x1  }
0x2: {  	s1 =	srdreg.scid  }
0x3: {  	s0 =	sand.u32 $0x1, s1  }
0x4: {  	s18 =	sshll.u32 s0, $0xA;
	s2 =	sadd.s32 s3, s2  }
0x5: {  	s2 =	sadd.s32 s2, s18  }
0x6: {  	[smem:$0x3FC5] =	sst s2  }
0x7: {  	_ = 	snop  }
0x8: {  	s2 =	sld [smem:$0x3FD0];
	(tm) =	ssettm $0x1  }
0x9: {  	s19 =	sld [smem:$0x3FFB];
	_ =	sdelay $0x3  }
0xa: {  	_ =	strace s19  }
0xb: {  	s3 =	sld [smem:$0x3FFC];
	_ =	sdelay $0x3  }
0xc: {  	_ =	strace s3  }
0xd: {  	s3 =	sld [smem:$0x3FFD];
	_ =	sdelay $0x3  }
0xe: {  	_ =	strace s3  }
0xf: {  	_ =	strace $0x8FFFFFFF  }
0x10: {  	s20 =	sld [smem:$0x3FDB];
	_ =	sdelay $0x1  }
0x11: {  	s4 =	simm.s32 $_scs_section_size  }
0x12: {  	s5 =	simm.s32 $_size__tile_overlayer_lowered;
	s6 =	simm.s32 $_tile_overlayer_lowered  }
0x13: {  	s23 =	simm.s32 $0x1BFF;
	s22 =	sshll.u32 s6, $0x1;
	s3 =	sadd.s32 s4, s20  }
0x14: {  	s7 =	simm.s32 $0x0;
	s21 =	sshll.u32 s5, $0x1;
	s5 =	sadd.s32 s22, s3  }
0x15: {  	[timem:s7], [sflag:s23] =	dma.local [hbm:s5], s21  }
0x16: {  	_ =	swait.ge [sflag:s23], s21  }
0x17: {  	s4 =	ssub.s32 $0x0, s21;
	[sflag:s23] =	ssyncset.done $0x0  }
0x18: {  	[sflag:s23] =	ssyncadd.s32 s4;
	_ =	sdelay $0x1  }
0x19: {  	s24 =	simm.s32 $0x1B8B  }
0x1a: {  	_ =	swait.ge [sflag:s24], $0x1  }
0x1b: {  	[sflag:s24] =	ssyncset.done $0x0  }
0x1c: {  	s26 =	simm.s32 $0x1B8E;
	s25 =	sld [smem:$0x3FFE];
	[sflag:s24] =	ssyncadd.s32 $0xFFFFFFFF  }
0x1d: {  	s27 =	simm.s32 $execute0_lowered;
	[smem:$0x3FD2] =	sst s26  }
0x1e: {  	s5 =	sshll.u32 s27, $0x1;
	_ =	strace $0x80000049;
	[dreg:$0x1] =	wrdreg $0xFFFFFFFF  }
0x1f: {  	s28 =	simm.s32 $_size_execute0_lowered;
	s3 =	sadd.s32 s3, s5;
	[dreg:$0x0] =	wrdreg $0x0  }
0x20: {  	s5 =	sshll.u32 s28, $0x1;
	[dreg:$0x2] =	wrdreg s3  }
0x21: {  	[dreg:$0x3] =	wrdreg s5  }
0x22: {  	[dreg:$0x4] =	wrdreg $0xC0  }
0x23: {  	_ =	task [dreg:s7], $0x5FFFF  }
0x24: {  	[dreg:$0x1] =	wrdreg $0xFFFFFFFF  }
0x25: {  	[dreg:$0x0] =	wrdreg $0x60  }
0x26: {  	[dreg:$0x2] =	wrdreg s25  }
0x27: {  	[dreg:$0x3] =	wrdreg s2  }
0x28: {  	[dreg:$0x4] =	wrdreg $0x9  }
0x29: {  	_ =	task.clear_ibuf [dreg:s7], $0x5FFFF;
	_ =	strace $0x90000049  }
0x2a: {  	s29 =	simm.s32 $0x9;
	_ =	strace $0x8000004B  }
0x2b: {  	_ =	swait.ge [sflag:s29], $0x1  }
0x2c: {  	[sflag:s29] =	ssyncadd.s32 $0xFFFFFFFF  }
0x2d: {  	_ =	strace $0x9000004B  }
0x2e: {  	_ =	sfence  }
0x2f: {  	s30 =	sld [smem:$0x0];
	_ =	sdelay $0x2  }
0x30: {  	s31 =	sshll.u32 s1, $0xD;
	s1 =	sshrl.u32 s1, $0x2  }
0x31: {  	s3 =	sand.u32 $0x4000, s31;
	s1 =	sadd.s32 s1, s30  }
0x32: {  	s0 =	sor.u32 s3, s0;
	s1 =	sshll.u32 s1, $0x11  }
0x33: {  	s0 =	sor.u32 s1, s0  }
0x34: {  	s0 =	sadd.s32 $0x8F2B, s0  }
0x35: {  	[sflag:s0] =	ssyncadd.remote.s32 $0x1  }
0x36: {  	_ =	sfence.sel $0xFFFF  }
0x37: {  	[dreg:$0x0] =	wrdreg $0xFFFFFFFF;
	(pc) =	sbr.abs _section_cstart, $3  }
0x38: {  	[dreg:$0x1] =	wrdreg $0xFFFFFFFF  }
0x39: {  	_ =	task.clear_ibuf [dreg:s7], $0x2FFFF;
	_ =	strace $0x9FFFFFFF  }
0x3a: {  	(tm) =	ssettm $0x7FFFFFFF  }
0x3b: {  	_ =	shalt  }
tec
execute0_lowered:
.L_overlay_start_1:
0x0: {  	(tag) =	ssettag $0x1  }
0x1: {  	s0 =	srdreg.scid  }
0x2: {  	s1 =	sshll.u32 s0, $0x4  }
0x3: {  	s0 =	stileid.u32;
	s1 =	sand.u32 $0x10, s1  }
0x4: {  	s1 =	sor.u32 s0, s1  }
0x5: {  	s6 =	rddreg [dreg:$0x0];
	s4 =	simm.s32 $0x1;
	s2 =	sshll.u32 s1, $0x7  }
0x6: {  	s7 =	simm.s32 $0x2;
	s12 =	simm.s32 $0x0;
	s1 =	ssub.s32 $0x1000, s2  }
0x7: {  	s8 =	simm.s32 $0x8000;
	s13 =	simm.s32 $0x0;
	s3 =	sand.u32 $0xF80, s1  }
0x8: {  	s9 =	simm.s32 $0x0;
	s5 =	sshrl.u32 s1, $0xC;
	p0 =	sne.s32 s3, $0x0  }
.Ltmp0:
0x9: {  	s1 =	rddreg [dreg:$0x2];
	s4 =	simm.s32 @!p0 $0x0;
	(pc) =	sbr.rel .LBB1_1-.Ltmp0, $4  }
0xa: {  	s11 =	simm.s32 $0x0;
	s3 =	rddreg [dreg:$0x1];
	s5 =	sadd.s32 s4, s5  }
0xb: {  	_ =	strace $0x8000004A;
	s4 =	simm.s32 $0x1;
	s5 =	smul.u32 $0xC8, s5  }
0xc: {  	s6 =	sadd.s32 $0xA00, s6;
	s10 =	smov.u32 s2;
	[sflag:s4] =	ssyncpa.u1 $0x0  }
0xd: {  	p0 =	por $0x0, $0x0;
	[sflag:s7] =	ssyncpa.u1 $0x0;
	s7 =	sor.u32 $0x1, s5  }
.LBB1_4:
0xe: {  	s16 =	sshll.u32 s13, $0x3;
	s17 =	sand.u32 $0x78, s13  }
0xf: {  	s30 =	sand.u32 $0x7E00, s13;
	s12 =	sshll.u32 s12, $0xF;
	s16 =	sand.u32 $0xC00, s16  }
0x10: {  	[tilespmem:s15+$0x810 ss:$0x81] =	vst.msk $0xffff, v2;
	s31 =	sand.u32 $0x7, s13;
	s16 =	sor.u32 s17, s16;
	s17 =	sadd.s32 s3, s30  }
0x11: {  	[tilespmem:s15+$0x1020 ss:$0x81] =	vst.msk $0xffff, v0;
	s13 =	sshll.u32 s31, $0x12;
	s12 =	sadd.s32 s12, s17;
	s16 =	sshrl.u32 s16, $0x3  }
0x12: {  	[tilespmem:s15+$0x0 ss:$0x81] =	vst.msk $0xffff, v1;
	s13 =	sor.u32 $0x400, s13;
	s12 =	sadd.s32 s16, s12  }
0x13: {  	[hbm4b:s12+s13] =	stream.strided.scatter [tilespmem:s14], [sflag:$0x2], $0x2000, s8, s13, $0x20;
	[tilespmem:$0x8080] =	vst v63  }
.LBB1_5:
0x14: {  	s14 =	sadd.s32 $0x1, s9  }
0x15: {  	s12 =	sadd.s32 $0x1000, s10;
	s16 =	smov.u32 s10;
	p2 =	sgt.s32 s14, $0xC7  }
0x16: {  	s16 =	smov.u32 @p2 s12  }
0x17: {  	s14 =	simm.s32 @p2 $0x0;
	p2 =	sgt.s32 s16, $0xFFF  }
0x18: {  	s16 =	smov.u32 @p2 s2;
	p2 =	sne.s32 s11, s7  }
.Ltmp1:
0x19: {  	p1 =	slt.u32 s11, $0x2;
	(pc) =	sbr.rel @!p2 .LBB1_6-.Ltmp1, $4  }
0x1a: {  	s15 =	simm.s32 @!p1 $0x2  }
0x1b: {  	s13 =	smov.u32 s10;
	p0 =	por !p0, !p0;
	_ =	swait.ge @!p1 [sflag:s15], $0x2000  }
0x1c: {  	s12 =	smov.u32 s9;
	[sflag:s15] =	ssyncset.done @!p1 $0x0;
	s9 =	smov.u32 s14  }
0x1d: {  	s11 =	sadd.s32 $0x1, s11;
	[sflag:s15] =	ssyncadd.s32 @!p1 $0xFFFFE000;
	s10 =	smov.u32 s16  }
.LBB1_1:
0x1e: {  	p1 =	sge.u32 s11, s5  }
0x1f: {  	s14 =	sand.u32 @!p1 $0x1FFFFFF, s9  }
0x20: {  	s15 =	smulhi.u32 @!p1 $0x147AE15, s14;
	_ =	sdelay $0x1  }
0x21: {  	s15 =	smul.u32 @!p1 $0xC8, s15  }
0x22: {  	s16 =	sxor.u32 @!p1 $0xFFFFFFFF, s11;
	s17 =	smul.u32 @!p1 $0xC80, s10  }
0x23: {  	s31 =	sadd.s32 $0xFFFFFFFF, s11;
	s16 =	sshll.u32 @!p1 s16, $0xD;
	s14 =	ssub.s32 @!p1 s14, s15  }
0x24: {  	s15 =	sand.u32 @!p1 $0x2000, s16;
	s16 =	sadd.s32 @!p1 s6, s17;
	s14 =	sshll.u32 @!p1 s14, $0x4  }
0x25: {  	s17 =	simm.s32 @!p1 $0x6400;
	s14 =	sadd.s32 @!p1 s14, s16;
	s16 =	simm.s32 @!p1 $0x40  }
0x26: {  	[tilespmem:s15], [sflag:$0x1] =	stream.strided.gather @!p1 [hbm4b:s14+s16], $0x2000, s17, s16, $0x38;
	[tilespmem:$0x8080] =	vst v63  }
0x27: {  	p1 =	sge.u32 s31, s5  }
.Ltmp2:
0x28: {  	_ = 	snop;
	(pc) =	sbr.rel @p1 .LBB1_5-.Ltmp2, $1  }
0x29: {  	_ =	sdelay $0x3  }
0x2a: {  	s14 =	simm.s32 $0x1  }
0x2b: {  	_ =	swait.ge [sflag:s4], $0x2000;
	s14 =	simm.s32 @!p0 $0x0  }
0x2c: {  	[sflag:s4] =	ssyncset.done $0x0;
	s15 =	sshll.u32 s14, $0xD  }
0x2d: {  	[sflag:s4] =	ssyncadd.s32 $0xFFFFE000;
	s18 =	sor.u32 $0x20, s15  }
0x2e: {  	s14 =	smul.u32 $0x8100, s14;
	v3 =	vld [tilespmem:s18+$0x10]  }
0x2f: {  	s30 =	sand.u32 $0x1, s11;
	v2 =	vld [tilespmem:s18+$0xFFFFFFF0]  }
0x30: {  	s15 =	smul.u32 $0x8100, s30;
	s14 =	sshrl.u32 s14, $0x2;
	v0 =	vld [tilespmem:s18+$0x0]  }
0x31: {  	v1 =	vld [tilespmem:s18+$0xFFFFFFE0];
	s16 =	sor.u32 $0x4000, s14  }
0x32: {  	s31 =	sshrl.u32 s15, $0x2;
	s15 =	sadd.s32 $0x0, s16  }
0x33: {  	s17 =	simm.s32 $0x4;
	s18 =	sadd.s32 $0x40, s18;
	s14 =	sor.u32 $0x4000, s31;
	[tilespmem:s15+$0x1830 ss:$0x81] =	vst.msk $0xffff, v3  }
.LBB1_3:
0x34: {  	v3 =	vld [tilespmem:s18+$0x10];
	p1 =	sne.s32 s17, $0x1FC;
	[tilespmem:s15+$0x810 ss:$0x81] =	vst.msk $0xffff, v2;
	s19 =	smov.u32 s17;
	s17 =	sadd.s32 $0x4, s17  }
.Ltmp3:
0x35: {  	v2 =	vld [tilespmem:s18+$0xFFFFFFF0];
	[tilespmem:s15+$0x1020 ss:$0x81] =	vst.msk $0xffff, v0;
	(pc) =	sbr.rel @p1 .LBB1_3-.Ltmp3, $4  }
0x36: {  	v0 =	vld [tilespmem:s18+$0x0];
	[tilespmem:s15+$0x0 ss:$0x81] =	vst.msk $0xffff, v1  }
0x37: {  	s15 =	sshra.s32 s19, $0x2;
	v1 =	vld [tilespmem:s18+$0xFFFFFFE0]  }
0x38: {  	s15 =	sadd.s32 s15, s16  }
0x39: {  	s18 =	sadd.s32 $0x40, s18;
	[tilespmem:s15+$0x1830 ss:$0x81] =	vst.msk $0xffff, v3  }
.Ltmp4:
0x3a: {  	_ = 	snop;
	(pc) =	sbr.rel .LBB1_4-.Ltmp4, $1  }
0x3b: {  	_ =	sdelay $0x3  }
.LBB1_6:
0x3c: {  	_ =	sfence.sel $0x180000  }
0x3d: {  	s2 =	simm.s32 $0x1;
	[bflag:$0x0] =	sbarrier.arrive $0xFFFF  }
0x3e: {  	s31 =	simm.s32 $0x2;
	[sflag:s2] =	ssyncpa.u1 $0x1  }
0x3f: {  	[sflag:s31] =	ssyncpa.u1 $0x1  }
0x40: {  	p0 =	sne.s32 s0, $0x0;
	_ =	strace $0x9000004A  }
0x41: {  	s0 =	sadd.s32 @!p0 $0x100000, s1;
	[bflag:$0x2] =	sbarrier.arrive $0xFFFF  }
0x42: {  	[sflag:s0] =	ssyncadd.tile.s32 @!p0 $0x1;
	_ =	shalt  }
.Lfunc_end1:
_tile_overlayer_lowered:
.L_overlay_start_2:
0x43: {  	(tag) =	ssettag $0x2  }
0x44: {  	s0 =	rddreg [dreg:$0x0];
	s2 =	stileid.u32  }
0x45: {  	s1 =	rddreg [dreg:$0x1];
	p0 =	sne.s32 s2, $0x0  }
0x46: {  	s3 =	rddreg [dreg:$0x2];
	[bflag:$0x3] =	sbarrier.arrive $0xFFFF;
	s2 =	simm.s32 @!p0 $0x1C01  }
0x47: {  	[timem:s3], [sflag:s2] =	dma.local @!p0 [hbm:s0], s1  }
0x48: {  	s0 =	simm.s32 @!p0 $0x1  }
0x49: {  	_ =	swait.ge @!p0 [sflag:s0], s1  }
0x4a: {  	s1 =	ssub.s32 @!p0 $0x0, s1;
	[sflag:s0] =	ssyncset.done @!p0 $0x0  }
0x4b: {  	[sflag:s0] =	ssyncadd.s32 @!p0 s1  }
0x4c: {  	[bflag:$0x3] =	sbarrier.arrive $0xFFFF  }
0x4d: {  	_ =	shalt  }

</sc_bundles>
